<compile_context>
chip_gen: v7x
topology: tpu7x:2x2x1
jax: 0.10.2.dev20260603
libtpu: 0.0.44.dev20260713+nightly
codegen_flags: <defaults>
</compile_context>

<pallas_src>
import functools

import jax
import jax.numpy as jnp
from jax import lax
from jax.experimental import pallas as pl
from jax.experimental.pallas import tpu as pltpu
from jax.experimental.pallas import tpu_sc as plsc

_VOCAB = 33
_DIM = 1280
_BATCH = 4
_SEQ = 2048
_B_TOTAL = _BATCH * _SEQ
_NUM_WORKERS = 32
_B_PER_W = _B_TOTAL // _NUM_WORKERS
_W_PER_ROW = _SEQ // _B_PER_W
_LANES = 16
_NCHUNK = _B_PER_W // _LANES


def _body(table_hbm, idx_hbm, out_hbm, table_v, idx_v, sem0, sem1):
    wid = lax.axis_index("s") * 2 + lax.axis_index("c")
    base = wid * _B_PER_W
    sems = (sem0, sem1)

    pltpu.sync_copy(table_hbm, table_v)
    pltpu.sync_copy(
        idx_hbm.at[wid // _W_PER_ROW,
                   pl.ds((wid % _W_PER_ROW) * _B_PER_W, _B_PER_W)],
        idx_v)

    def fire(c, sem):
        ids = idx_v[pl.ds(c * _LANES, _LANES)]
        for lane in range(_LANES):
            pltpu.async_copy(
                table_v.at[ids[lane]],
                out_hbm.at[base + c * _LANES + lane],
                sem)

    def drain(sem):
        for _ in range(_LANES):
            pltpu.make_async_copy(
                table_v.at[0], out_hbm.at[0], sem).wait()

    def pair(p, _):
        @pl.when(p > 0)
        def _():
            drain(sems[0])
        fire(2 * p, sems[0])

        @pl.when(p > 0)
        def _():
            drain(sems[1])
        fire(2 * p + 1, sems[1])
        return 0

    lax.fori_loop(0, _NCHUNK // 2, pair, 0)
    drain(sems[0])
    drain(sems[1])


_gather = functools.partial(
    pl.kernel,
    out_type=jax.ShapeDtypeStruct((_B_TOTAL, _DIM), jnp.float32),
    mesh=plsc.VectorSubcoreMesh(core_axis_name="c", subcore_axis_name="s"),
    scratch_types=[
        pltpu.VMEM((_VOCAB, _DIM), jnp.float32),
        pltpu.VMEM((_B_PER_W,), jnp.int32),
        pltpu.SemaphoreType.DMA,
        pltpu.SemaphoreType.DMA,
    ],
)(_body)


@jax.jit
def kernel(input_ids, weight):
    out = _gather(weight.astype(jnp.float32), input_ids.astype(jnp.int32))
    return out.reshape(_BATCH, _SEQ, _DIM).astype(weight.dtype)

# --- scband reference (transcript-rebuilt; emitter-appended) ---
"""Pipeline reference for scband-one-hot-embedding-61589831025159 (READ-ONLY COPY).

The authoritative reference and input builder live on the scoring server;
editing this copy changes nothing except your own understanding.
"""

import jax, jax.numpy as jnp
import numpy as np

NUM_EMBEDDINGS = 33
EMBEDDING_DIM = 1280
BATCH = 4
SEQ_LEN = 2048


def setup_inputs(seed: int = 0) -> dict:
    key = jax.random.key(seed)
    k1, k2 = jax.random.split(key)
    input_ids = jax.random.randint(k1, (BATCH, SEQ_LEN), 0, NUM_EMBEDDINGS, dtype=jnp.int64 if jax.config.jax_enable_x64 else jnp.int32)
    weight = jax.random.normal(k2, (NUM_EMBEDDINGS, EMBEDDING_DIM), dtype=jnp.float32) * 0.02
    return {"input_ids": input_ids, "weight": weight}


def reference(input_ids, weight):
    # Faithful translation of OneHotEmbedding.forward:
    # one-hot encode in float32, then matmul against the (float32-cast) weight.
    high = jnp.float32
    one_hots = jax.nn.one_hot(input_ids, NUM_EMBEDDINGS, dtype=high)
    embeddings = one_hots @ weight.astype(high)
    embeddings = embeddings.astype(weight.dtype)
    return embeddings

if __name__ == "__main__":
    import jax
    _d = setup_inputs()
    print(jax.jit(kernel)(*tuple(_d.values())))

</pallas_src>

<mosaic_0001>
#map = affine_map<(d0, d1) -> (0, 0)>
module attributes {stable_mosaic.version = 14 : i64} {
  func.func @_body(%arg0: i32, %arg1: i32, %arg2: memref<33x1280xf32, #tpu.memory_space<hbm>>, %arg3: memref<4x2048xi32, #tpu.memory_space<hbm>>, %arg4: memref<8192x1280xf32, #tpu.memory_space<hbm>>, %arg5: memref<33x1280xf32, #tpu.memory_space<vmem>>, %arg6: memref<256xi32, #tpu.memory_space<vmem>>, %arg7: memref<!tpu.dma_semaphore, #tpu.memory_space<semaphore_mem>>, %arg8: memref<!tpu.dma_semaphore, #tpu.memory_space<semaphore_mem>>) attributes {dimension_semantics = [#tpu.dimension_semantics<core_parallel>, #tpu.dimension_semantics<subcore_parallel>], iteration_bounds = array<i64: 2, 16>, scalar_prefetch = 0 : i64, scratch_operands = 4 : i64, tpu.core_type = #tpu.core_type<sc_vector_subcore>, window_params = [{transform_indices = #map}, {transform_indices = #map}, {transform_indices = #map}]} {
    %mul3A = arith.constant 2 : i32
    %mul3A_0 = arith.muli %arg1, %mul3A : i32
    %add3A = arith.addi %mul3A_0, %arg0 : i32
    %mul3A_1 = arith.constant 256 : i32
    %mul3A_2 = arith.muli %add3A, %mul3A_1 : i32
    "tpu.region"() ({
      %run_scoped3A = tpu.sem_alloc : memref<!tpu.dma_semaphore, #tpu.memory_space<semaphore_mem>>
      tpu.enqueue_dma source(%arg2 : memref<33x1280xf32, #tpu.memory_space<hbm>>) target(%arg5 : memref<33x1280xf32, #tpu.memory_space<vmem>>) target_semaphore(%run_scoped3A : memref<!tpu.dma_semaphore, #tpu.memory_space<semaphore_mem>>)
      tpu.wait_dma2 semaphore(%run_scoped3A : memref<!tpu.dma_semaphore, #tpu.memory_space<semaphore_mem>>) src(%arg2 : memref<33x1280xf32, #tpu.memory_space<hbm>>) dst(%arg5 : memref<33x1280xf32, #tpu.memory_space<vmem>>)
      tpu.yield
    }) : () -> ()
    %jit3A = arith.constant 8 : i32
    %div3A = arith.divsi %add3A, %jit3A : i32
    %sign3A = arith.constant 0 : i32
    %sign3A_3 = arith.cmpi sgt, %add3A, %sign3A : i32
    %sign3A_4 = arith.extui %sign3A_3 : i1 to i32
    %sign3A_5 = arith.constant 0 : i32
    %sign3A_6 = arith.cmpi slt, %add3A, %sign3A_5 : i32
    %sign3A_7 = arith.extui %sign3A_6 : i1 to i32
    %sign3A_8 = arith.subi %sign3A_4, %sign3A_7 : i32
    %sign3A_9 = arith.constant 0 : i32
    %sign3A_10 = arith.cmpi sgt, %jit3A, %sign3A_9 : i32
    %sign3A_11 = arith.extui %sign3A_10 : i1 to i32
    %sign3A_12 = arith.constant 0 : i32
    %sign3A_13 = arith.cmpi slt, %jit3A, %sign3A_12 : i32
    %sign3A_14 = arith.extui %sign3A_13 : i1 to i32
    %sign3A_15 = arith.subi %sign3A_11, %sign3A_14 : i32
    %ne3A = arith.cmpi ne, %sign3A_8, %sign3A_15 : i32
    %rem3A = arith.remsi %add3A, %jit3A : i32
    %ne3A_16 = arith.constant 0 : i32
    %ne3A_17 = arith.cmpi ne, %rem3A, %ne3A_16 : i32
    %and3A = arith.andi %ne3A, %ne3A_17 : i1
    %sub3A = arith.constant 1 : i32
    %sub3A_18 = arith.subi %div3A, %sub3A : i32
    %select_n3A = arith.select %and3A, %sub3A_18, %div3A : i32
    %jit3A_19 = arith.constant 8 : i32
    %eq3A = arith.constant 0 : i32
    %eq3A_20 = arith.cmpi eq, %jit3A_19, %eq3A : i32
    %jit3A_21 = arith.constant 1 : i32
    %select_n3A_22 = arith.select %eq3A_20, %jit3A_21, %jit3A_19 : i32
    %rem3A_23 = arith.remsi %add3A, %select_n3A_22 : i32
    %ne3A_24 = arith.constant 0 : i32
    %ne3A_25 = arith.cmpi ne, %rem3A_23, %ne3A_24 : i32
    %lt3A = arith.constant 0 : i32
    %lt3A_26 = arith.cmpi slt, %rem3A_23, %lt3A : i32
    %lt3A_27 = arith.constant 0 : i32
    %lt3A_28 = arith.cmpi slt, %select_n3A_22, %lt3A_27 : i32
    %ne3A_29 = arith.xori %lt3A_26, %lt3A_28 : i1
    %and3A_30 = arith.andi %ne3A_29, %ne3A_25 : i1
    %add3A_31 = arith.addi %rem3A_23, %select_n3A_22 : i32
    %select_n3A_32 = arith.select %and3A_30, %add3A_31, %rem3A_23 : i32
    %mul3A_33 = arith.constant 256 : i32
    %mul3A_34 = arith.muli %select_n3A_32, %mul3A_33 : i32
    "tpu.region"() ({
      %run_scoped3A = tpu.sem_alloc : memref<!tpu.dma_semaphore, #tpu.memory_space<semaphore_mem>>
      %dma_start3A = tpu.memref_slice %arg3[%select_n3A, %mul3A_34] : memref<4x2048xi32, #tpu.memory_space<hbm>> -> memref<1x256xi32, #tpu.memory_space<hbm>>
      %dma_start3A_488 = tpu.memref_squeeze %dma_start3A : memref<1x256xi32, #tpu.memory_space<hbm>> -> memref<256xi32, #tpu.memory_space<hbm>>
      %dma_start3A_489 = tpu.memref_slice %arg3[%select_n3A, %mul3A_34] : memref<4x2048xi32, #tpu.memory_space<hbm>> -> memref<1x256xi32, #tpu.memory_space<hbm>>
      %dma_start3A_490 = tpu.memref_squeeze %dma_start3A_489 : memref<1x256xi32, #tpu.memory_space<hbm>> -> memref<256xi32, #tpu.memory_space<hbm>>
      tpu.enqueue_dma source(%dma_start3A_490 : memref<256xi32, #tpu.memory_space<hbm>>) target(%arg6 : memref<256xi32, #tpu.memory_space<vmem>>) target_semaphore(%run_scoped3A : memref<!tpu.dma_semaphore, #tpu.memory_space<semaphore_mem>>)
      %dma_wait3A_491 = tpu.memref_slice %arg3[%select_n3A, %mul3A_34] : memref<4x2048xi32, #tpu.memory_space<hbm>> -> memref<1x256xi32, #tpu.memory_space<hbm>>
      %dma_wait3A_492 = tpu.memref_squeeze %dma_wait3A_491 : memref<1x256xi32, #tpu.memory_space<hbm>> -> memref<256xi32, #tpu.memory_space<hbm>>
      %dma_wait3A_493 = tpu.memref_slice %arg3[%select_n3A, %mul3A_34] : memref<4x2048xi32, #tpu.memory_space<hbm>> -> memref<1x256xi32, #tpu.memory_space<hbm>>
      %dma_wait3A_494 = tpu.memref_squeeze %dma_wait3A_493 : memref<1x256xi32, #tpu.memory_space<hbm>> -> memref<256xi32, #tpu.memory_space<hbm>>
      tpu.wait_dma2 semaphore(%run_scoped3A : memref<!tpu.dma_semaphore, #tpu.memory_space<semaphore_mem>>) src(%dma_wait3A_494 : memref<256xi32, #tpu.memory_space<hbm>>) dst(%arg6 : memref<256xi32, #tpu.memory_space<vmem>>)
      tpu.yield
    }) : () -> ()
    %scan3A = arith.constant 0 : i32
    %scan3A_35 = arith.constant 0 : i32
    %scan3A_36 = arith.constant 8 : i32
    %scan3A_37 = arith.addi %scan3A_35, %scan3A_36 : i32
    %scan3A_38 = arith.constant 1 : i32
    %scan3A_39 = scf.for %scan3A_488 = %scan3A_35 to %scan3A_37 step %scan3A_38 iter_args(%scan3A_489 = %scan3A) -> (i32)  : i32 {
      %gt3A = arith.constant 0 : i32
      %gt3A_490 = arith.cmpi sgt, %scan3A_488, %gt3A : i32
      %convert_element_type3A = arith.extui %gt3A_490 : i1 to i32
      %cond3A = arith.constant 0 : i32
      %cond3A_491 = arith.cmpi ne, %convert_element_type3A, %cond3A : i32
      scf.if %cond3A_491 {
        %dma_wait3A_1118 = arith.constant 0 : i32
        %dma_wait3A_1119 = arith.constant 0 : i32
        %dma_wait3A_1120 = arith.constant 0 : i32
        %dma_wait3A_1121 = tpu.memref_slice %arg5[%dma_wait3A_1118, %dma_wait3A_1120] : memref<33x1280xf32, #tpu.memory_space<vmem>> -> memref<1x1280xf32, #tpu.memory_space<vmem>>
        %dma_wait3A_1122 = tpu.memref_squeeze %dma_wait3A_1121 : memref<1x1280xf32, #tpu.memory_space<vmem>> -> memref<1280xf32, #tpu.memory_space<vmem>>
        %dma_wait3A_1123 = arith.constant 0 : i32
        %dma_wait3A_1124 = tpu.memref_slice %arg4[%dma_wait3A_1119, %dma_wait3A_1123] : memref<8192x1280xf32, #tpu.memory_space<hbm>> -> memref<1x1280xf32, #tpu.memory_space<hbm>>
        %dma_wait3A_1125 = tpu.memref_squeeze %dma_wait3A_1124 : memref<1x1280xf32, #tpu.memory_space<hbm>> -> memref<1280xf32, #tpu.memory_space<hbm>>
        %dma_wait3A_1126 = arith.constant 0 : i32
        %dma_wait3A_1127 = tpu.memref_slice %arg4[%dma_wait3A_1119, %dma_wait3A_1126] : memref<8192x1280xf32, #tpu.memory_space<hbm>> -> memref<1x1280xf32, #tpu.memory_space<hbm>>
        %dma_wait3A_1128 = tpu.memref_squeeze %dma_wait3A_1127 : memref<1x1280xf32, #tpu.memory_space<hbm>> -> memref<1280xf32, #tpu.memory_space<hbm>>
        %dma_wait3A_1129 = arith.constant 0 : i32
        %dma_wait3A_1130 = tpu.memref_slice %arg5[%dma_wait3A_1118, %dma_wait3A_1129] : memref<33x1280xf32, #tpu.memory_space<vmem>> -> memref<1x1280xf32, #tpu.memory_space<vmem>>
        %dma_wait3A_1131 = tpu.memref_squeeze %dma_wait3A_1130 : memref<1x1280xf32, #tpu.memory_space<vmem>> -> memref<1280xf32, #tpu.memory_space<vmem>>
        tpu.wait_dma2 semaphore(%arg7 : memref<!tpu.dma_semaphore, #tpu.memory_space<semaphore_mem>>) src(%dma_wait3A_1131 : memref<1280xf32, #tpu.memory_space<vmem>>) dst(%dma_wait3A_1128 : memref<1280xf32, #tpu.memory_space<hbm>>)
        %dma_wait3A_1132 = arith.constant 0 : i32
        %dma_wait3A_1133 = arith.constant 0 : i32
        %dma_wait3A_1134 = arith.constant 0 : i32
        %dma_wait3A_1135 = tpu.memref_slice %arg5[%dma_wait3A_1132, %dma_wait3A_1134] : memref<33x1280xf32, #tpu.memory_space<vmem>> -> memref<1x1280xf32, #tpu.memory_space<vmem>>
        %dma_wait3A_1136 = tpu.memref_squeeze %dma_wait3A_1135 : memref<1x1280xf32, #tpu.memory_space<vmem>> -> memref<1280xf32, #tpu.memory_space<vmem>>
        %dma_wait3A_1137 = arith.constant 0 : i32
        %dma_wait3A_1138 = tpu.memref_slice %arg4[%dma_wait3A_1133, %dma_wait3A_1137] : memref<8192x1280xf32, #tpu.memory_space<hbm>> -> memref<1x1280xf32, #tpu.memory_space<hbm>>
        %dma_wait3A_1139 = tpu.memref_squeeze %dma_wait3A_1138 : memref<1x1280xf32, #tpu.memory_space<hbm>> -> memref<1280xf32, #tpu.memory_space<hbm>>
        %dma_wait3A_1140 = arith.constant 0 : i32
        %dma_wait3A_1141 = tpu.memref_slice %arg4[%dma_wait3A_1133, %dma_wait3A_1140] : memref<8192x1280xf32, #tpu.memory_space<hbm>> -> memref<1x1280xf32, #tpu.memory_space<hbm>>
        %dma_wait3A_1142 = tpu.memref_squeeze %dma_wait3A_1141 : memref<1x1280xf32, #tpu.memory_space<hbm>> -> memref<1280xf32, #tpu.memory_space<hbm>>
        %dma_wait3A_1143 = arith.constant 0 : i32
        %dma_wait3A_1144 = tpu.memref_slice %arg5[%dma_wait3A_1132, %dma_wait3A_1143] : memref<33x1280xf32, #tpu.memory_space<vmem>> -> memref<1x1280xf32, #tpu.memory_space<vmem>>
        %dma_wait3A_1145 = tpu.memref_squeeze %dma_wait3A_1144 : memref<1x1280xf32, #tpu.memory_space<vmem>> -> memref<1280xf32, #tpu.memory_space<vmem>>
        tpu.wait_dma2 semaphore(%arg7 : memref<!tpu.dma_semaphore, #tpu.memory_space<semaphore_mem>>) src(%dma_wait3A_1145 : memref<1280xf32, #tpu.memory_space<vmem>>) dst(%dma_wait3A_1142 : memref<1280xf32, #tpu.memory_space<hbm>>)
        %dma_wait3A_1146 = arith.constant 0 : i32
        %dma_wait3A_1147 = arith.constant 0 : i32
        %dma_wait3A_1148 = arith.constant 0 : i32
        %dma_wait3A_1149 = tpu.memref_slice %arg5[%dma_wait3A_1146, %dma_wait3A_1148] : memref<33x1280xf32, #tpu.memory_space<vmem>> -> memref<1x1280xf32, #tpu.memory_space<vmem>>
        %dma_wait3A_1150 = tpu.memref_squeeze %dma_wait3A_1149 : memref<1x1280xf32, #tpu.memory_space<vmem>> -> memref<1280xf32, #tpu.memory_space<vmem>>
        %dma_wait3A_1151 = arith.constant 0 : i32
        %dma_wait3A_1152 = tpu.memref_slice %arg4[%dma_wait3A_1147, %dma_wait3A_1151] : memref<8192x1280xf32, #tpu.memory_space<hbm>> -> memref<1x1280xf32, #tpu.memory_space<hbm>>
        %dma_wait3A_1153 = tpu.memref_squeeze %dma_wait3A_1152 : memref<1x1280xf32, #tpu.memory_space<hbm>> -> memref<1280xf32, #tpu.memory_space<hbm>>
        %dma_wait3A_1154 = arith.constant 0 : i32
        %dma_wait3A_1155 = tpu.memref_slice %arg4[%dma_wait3A_1147, %dma_wait3A_1154] : memref<8192x1280xf32, #tpu.memory_space<hbm>> -> memref<1x1280xf32, #tpu.memory_space<hbm>>
        %dma_wait3A_1156 = tpu.memref_squeeze %dma_wait3A_1155 : memref<1x1280xf32, #tpu.memory_space<hbm>> -> memref<1280xf32, #tpu.memory_space<hbm>>
        %dma_wait3A_1157 = arith.constant 0 : i32
        %dma_wait3A_1158 = tpu.memref_slice %arg5[%dma_wait3A_1146, %dma_wait3A_1157] : memref<33x1280xf32, #tpu.memory_space<vmem>> -> memref<1x1280xf32, #tpu.memory_space<vmem>>
        %dma_wait3A_1159 = tpu.memref_squeeze %dma_wait3A_1158 : memref<1x1280xf32, #tpu.memory_space<vmem>> -> memref<1280xf32, #tpu.memory_space<vmem>>
        tpu.wait_dma2 semaphore(%arg7 : memref<!tpu.dma_semaphore, #tpu.memory_space<semaphore_mem>>) src(%dma_wait3A_1159 : memref<1280xf32, #tpu.memory_space<vmem>>) dst(%dma_wait3A_1156 : memref<1280xf32, #tpu.memory_space<hbm>>)
        %dma_wait3A_1160 = arith.constant 0 : i32
        %dma_wait3A_1161 = arith.constant 0 : i32
        %dma_wait3A_1162 = arith.constant 0 : i32
        %dma_wait3A_1163 = tpu.memref_slice %arg5[%dma_wait3A_1160, %dma_wait3A_1162] : memref<33x1280xf32, #tpu.memory_space<vmem>> -> memref<1x1280xf32, #tpu.memory_space<vmem>>
        %dma_wait3A_1164 = tpu.memref_squeeze %dma_wait3A_1163 : memref<1x1280xf32, #tpu.memory_space<vmem>> -> memref<1280xf32, #tpu.memory_space<vmem>>
        %dma_wait3A_1165 = arith.constant 0 : i32
        %dma_wait3A_1166 = tpu.memref_slice %arg4[%dma_wait3A_1161, %dma_wait3A_1165] : memref<8192x1280xf32, #tpu.memory_space<hbm>> -> memref<1x1280xf32, #tpu.memory_space<hbm>>
        %dma_wait3A_1167 = tpu.memref_squeeze %dma_wait3A_1166 : memref<1x1280xf32, #tpu.memory_space<hbm>> -> memref<1280xf32, #tpu.memory_space<hbm>>
        %dma_wait3A_1168 = arith.constant 0 : i32
        %dma_wait3A_1169 = tpu.memref_slice %arg4[%dma_wait3A_1161, %dma_wait3A_1168] : memref<8192x1280xf32, #tpu.memory_space<hbm>> -> memref<1x1280xf32, #tpu.memory_space<hbm>>
        %dma_wait3A_1170 = tpu.memref_squeeze %dma_wait3A_1169 : memref<1x1280xf32, #tpu.memory_space<hbm>> -> memref<1280xf32, #tpu.memory_space<hbm>>
        %dma_wait3A_1171 = arith.constant 0 : i32
        %dma_wait3A_1172 = tpu.memref_slice %arg5[%dma_wait3A_1160, %dma_wait3A_1171] : memref<33x1280xf32, #tpu.memory_space<vmem>> -> memref<1x1280xf32, #tpu.memory_space<vmem>>
        %dma_wait3A_1173 = tpu.memref_squeeze %dma_wait3A_1172 : memref<1x1280xf32, #tpu.memory_space<vmem>> -> memref<1280xf32, #tpu.memory_space<vmem>>
        tpu.wait_dma2 semaphore(%arg7 : memref<!tpu.dma_semaphore, #tpu.memory_space<semaphore_mem>>) src(%dma_wait3A_1173 : memref<1280xf32, #tpu.memory_space<vmem>>) dst(%dma_wait3A_1170 : memref<1280xf32, #tpu.memory_space<hbm>>)
        %dma_wait3A_1174 = arith.constant 0 : i32
        %dma_wait3A_1175 = arith.constant 0 : i32
        %dma_wait3A_1176 = arith.constant 0 : i32
        %dma_wait3A_1177 = tpu.memref_slice %arg5[%dma_wait3A_1174, %dma_wait3A_1176] : memref<33x1280xf32, #tpu.memory_space<vmem>> -> memref<1x1280xf32, #tpu.memory_space<vmem>>
        %dma_wait3A_1178 = tpu.memref_squeeze %dma_wait3A_1177 : memref<1x1280xf32, #tpu.memory_space<vmem>> -> memref<1280xf32, #tpu.memory_space<vmem>>
        %dma_wait3A_1179 = arith.constant 0 : i32
        %dma_wait3A_1180 = tpu.memref_slice %arg4[%dma_wait3A_1175, %dma_wait3A_1179] : memref<8192x1280xf32, #tpu.memory_space<hbm>> -> memref<1x1280xf32, #tpu.memory_space<hbm>>
        %dma_wait3A_1181 = tpu.memref_squeeze %dma_wait3A_1180 : memref<1x1280xf32, #tpu.memory_space<hbm>> -> memref<1280xf32, #tpu.memory_space<hbm>>
        %dma_wait3A_1182 = arith.constant 0 : i32
        %dma_wait3A_1183 = tpu.memref_slice %arg4[%dma_wait3A_1175, %dma_wait3A_1182] : memref<8192x1280xf32, #tpu.memory_space<hbm>> -> memref<1x1280xf32, #tpu.memory_space<hbm>>
        %dma_wait3A_1184 = tpu.memref_squeeze %dma_wait3A_1183 : memref<1x1280xf32, #tpu.memory_space<hbm>> -> memref<1280xf32, #tpu.memory_space<hbm>>
        %dma_wait3A_1185 = arith.constant 0 : i32
        %dma_wait3A_1186 = tpu.memref_slice %arg5[%dma_wait3A_1174, %dma_wait3A_1185] : memref<33x1280xf32, #tpu.memory_space<vmem>> -> memref<1x1280xf32, #tpu.memory_space<vmem>>
        %dma_wait3A_1187 = tpu.memref_squeeze %dma_wait3A_1186 : memref<1x1280xf32, #tpu.memory_space<vmem>> -> memref<1280xf32, #tpu.memory_space<vmem>>
        tpu.wait_dma2 semaphore(%arg7 : memref<!tpu.dma_semaphore, #tpu.memory_space<semaphore_mem>>) src(%dma_wait3A_1187 : memref<1280xf32, #tpu.memory_space<vmem>>) dst(%dma_wait3A_1184 : memref<1280xf32, #tpu.memory_space<hbm>>)
        %dma_wait3A_1188 = arith.constant 0 : i32
        %dma_wait3A_1189 = arith.constant 0 : i32
        %dma_wait3A_1190 = arith.constant 0 : i32
        %dma_wait3A_1191 = tpu.memref_slice %arg5[%dma_wait3A_1188, %dma_wait3A_1190] : memref<33x1280xf32, #tpu.memory_space<vmem>> -> memref<1x1280xf32, #tpu.memory_space<vmem>>
        %dma_wait3A_1192 = tpu.memref_squeeze %dma_wait3A_1191 : memref<1x1280xf32, #tpu.memory_space<vmem>> -> memref<1280xf32, #tpu.memory_space<vmem>>
        %dma_wait3A_1193 = arith.constant 0 : i32
        %dma_wait3A_1194 = tpu.memref_slice %arg4[%dma_wait3A_1189, %dma_wait3A_1193] : memref<8192x1280xf32, #tpu.memory_space<hbm>> -> memref<1x1280xf32, #tpu.memory_space<hbm>>
        %dma_wait3A_1195 = tpu.memref_squeeze %dma_wait3A_1194 : memref<1x1280xf32, #tpu.memory_space<hbm>> -> memref<1280xf32, #tpu.memory_space<hbm>>
        %dma_wait3A_1196 = arith.constant 0 : i32
        %dma_wait3A_1197 = tpu.memref_slice %arg4[%dma_wait3A_1189, %dma_wait3A_1196] : memref<8192x1280xf32, #tpu.memory_space<hbm>> -> memref<1x1280xf32, #tpu.memory_space<hbm>>
        %dma_wait3A_1198 = tpu.memref_squeeze %dma_wait3A_1197 : memref<1x1280xf32, #tpu.memory_space<hbm>> -> memref<1280xf32, #tpu.memory_space<hbm>>
        %dma_wait3A_1199 = arith.constant 0 : i32
        %dma_wait3A_1200 = tpu.memref_slice %arg5[%dma_wait3A_1188, %dma_wait3A_1199] : memref<33x1280xf32, #tpu.memory_space<vmem>> -> memref<1x1280xf32, #tpu.memory_space<vmem>>
        %dma_wait3A_1201 = tpu.memref_squeeze %dma_wait3A_1200 : memref<1x1280xf32, #tpu.memory_space<vmem>> -> memref<1280xf32, #tpu.memory_space<vmem>>
        tpu.wait_dma2 semaphore(%arg7 : memref<!tpu.dma_semaphore, #tpu.memory_space<semaphore_mem>>) src(%dma_wait3A_1201 : memref<1280xf32, #tpu.memory_space<vmem>>) dst(%dma_wait3A_1198 : memref<1280xf32, #tpu.memory_space<hbm>>)
        %dma_wait3A_1202 = arith.constant 0 : i32
        %dma_wait3A_1203 = arith.constant 0 : i32
        %dma_wait3A_1204 = arith.constant 0 : i32
        %dma_wait3A_1205 = tpu.memref_slice %arg5[%dma_wait3A_1202, %dma_wait3A_1204] : memref<33x1280xf32, #tpu.memory_space<vmem>> -> memref<1x1280xf32, #tpu.memory_space<vmem>>
        %dma_wait3A_1206 = tpu.memref_squeeze %dma_wait3A_1205 : memref<1x1280xf32, #tpu.memory_space<vmem>> -> memref<1280xf32, #tpu.memory_space<vmem>>
        %dma_wait3A_1207 = arith.constant 0 : i32
        %dma_wait3A_1208 = tpu.memref_slice %arg4[%dma_wait3A_1203, %dma_wait3A_1207] : memref<8192x1280xf32, #tpu.memory_space<hbm>> -> memref<1x1280xf32, #tpu.memory_space<hbm>>
        %dma_wait3A_1209 = tpu.memref_squeeze %dma_wait3A_1208 : memref<1x1280xf32, #tpu.memory_space<hbm>> -> memref<1280xf32, #tpu.memory_space<hbm>>
        %dma_wait3A_1210 = arith.constant 0 : i32
        %dma_wait3A_1211 = tpu.memref_slice %arg4[%dma_wait3A_1203, %dma_wait3A_1210] : memref<8192x1280xf32, #tpu.memory_space<hbm>> -> memref<1x1280xf32, #tpu.memory_space<hbm>>
        %dma_wait3A_1212 = tpu.memref_squeeze %dma_wait3A_1211 : memref<1x1280xf32, #tpu.memory_space<hbm>> -> memref<1280xf32, #tpu.memory_space<hbm>>
        %dma_wait3A_1213 = arith.constant 0 : i32
        %dma_wait3A_1214 = tpu.memref_slice %arg5[%dma_wait3A_1202, %dma_wait3A_1213] : memref<33x1280xf32, #tpu.memory_space<vmem>> -> memref<1x1280xf32, #tpu.memory_space<vmem>>
        %dma_wait3A_1215 = tpu.memref_squeeze %dma_wait3A_1214 : memref<1x1280xf32, #tpu.memory_space<vmem>> -> memref<1280xf32, #tpu.memory_space<vmem>>
        tpu.wait_dma2 semaphore(%arg7 : memref<!tpu.dma_semaphore, #tpu.memory_space<semaphore_mem>>) src(%dma_wait3A_1215 : memref<1280xf32, #tpu.memory_space<vmem>>) dst(%dma_wait3A_1212 : memref<1280xf32, #tpu.memory_space<hbm>>)
        %dma_wait3A_1216 = arith.constant 0 : i32
        %dma_wait3A_1217 = arith.constant 0 : i32
        %dma_wait3A_1218 = arith.constant 0 : i32
        %dma_wait3A_1219 = tpu.memref_slice %arg5[%dma_wait3A_1216, %dma_wait3A_1218] : memref<33x1280xf32, #tpu.memory_space<vmem>> -> memref<1x1280xf32, #tpu.memory_space<vmem>>
        %dma_wait3A_1220 = tpu.memref_squeeze %dma_wait3A_1219 : memref<1x1280xf32, #tpu.memory_space<vmem>> -> memref<1280xf32, #tpu.memory_space<vmem>>
        %dma_wait3A_1221 = arith.constant 0 : i32
        %dma_wait3A_1222 = tpu.memref_slice %arg4[%dma_wait3A_1217, %dma_wait3A_1221] : memref<8192x1280xf32, #tpu.memory_space<hbm>> -> memref<1x1280xf32, #tpu.memory_space<hbm>>
        %dma_wait3A_1223 = tpu.memref_squeeze %dma_wait3A_1222 : memref<1x1280xf32, #tpu.memory_space<hbm>> -> memref<1280xf32, #tpu.memory_space<hbm>>
        %dma_wait3A_1224 = arith.constant 0 : i32
        %dma_wait3A_1225 = tpu.memref_slice %arg4[%dma_wait3A_1217, %dma_wait3A_1224] : memref<8192x1280xf32, #tpu.memory_space<hbm>> -> memref<1x1280xf32, #tpu.memory_space<hbm>>
        %dma_wait3A_1226 = tpu.memref_squeeze %dma_wait3A_1225 : memref<1x1280xf32, #tpu.memory_space<hbm>> -> memref<1280xf32, #tpu.memory_space<hbm>>
        %dma_wait3A_1227 = arith.constant 0 : i32
        %dma_wait3A_1228 = tpu.memref_slice %arg5[%dma_wait3A_1216, %dma_wait3A_1227] : memref<33x1280xf32, #tpu.memory_space<vmem>> -> memref<1x1280xf32, #tpu.memory_space<vmem>>
        %dma_wait3A_1229 = tpu.memref_squeeze %dma_wait3A_1228 : memref<1x1280xf32, #tpu.memory_space<vmem>> -> memref<1280xf32, #tpu.memory_space<vmem>>
        tpu.wait_dma2 semaphore(%arg7 : memref<!tpu.dma_semaphore, #tpu.memory_space<semaphore_mem>>) src(%dma_wait3A_1229 : memref<1280xf32, #tpu.memory_space<vmem>>) dst(%dma_wait3A_1226 : memref<1280xf32, #tpu.memory_space<hbm>>)
        %dma_wait3A_1230 = arith.constant 0 : i32
        %dma_wait3A_1231 = arith.constant 0 : i32
        %dma_wait3A_1232 = arith.constant 0 : i32
        %dma_wait3A_1233 = tpu.memref_slice %arg5[%dma_wait3A_1230, %dma_wait3A_1232] : memref<33x1280xf32, #tpu.memory_space<vmem>> -> memref<1x1280xf32, #tpu.memory_space<vmem>>
        %dma_wait3A_1234 = tpu.memref_squeeze %dma_wait3A_1233 : memref<1x1280xf32, #tpu.memory_space<vmem>> -> memref<1280xf32, #tpu.memory_space<vmem>>
        %dma_wait3A_1235 = arith.constant 0 : i32
        %dma_wait3A_1236 = tpu.memref_slice %arg4[%dma_wait3A_1231, %dma_wait3A_1235] : memref<8192x1280xf32, #tpu.memory_space<hbm>> -> memref<1x1280xf32, #tpu.memory_space<hbm>>
        %dma_wait3A_1237 = tpu.memref_squeeze %dma_wait3A_1236 : memref<1x1280xf32, #tpu.memory_space<hbm>> -> memref<1280xf32, #tpu.memory_space<hbm>>
        %dma_wait3A_1238 = arith.constant 0 : i32
        %dma_wait3A_1239 = tpu.memref_slice %arg4[%dma_wait3A_1231, %dma_wait3A_1238] : memref<8192x1280xf32, #tpu.memory_space<hbm>> -> memref<1x1280xf32, #tpu.memory_space<hbm>>
        %dma_wait3A_1240 = tpu.memref_squeeze %dma_wait3A_1239 : memref<1x1280xf32, #tpu.memory_space<hbm>> -> memref<1280xf32, #tpu.memory_space<hbm>>
        %dma_wait3A_1241 = arith.constant 0 : i32
        %dma_wait3A_1242 = tpu.memref_slice %arg5[%dma_wait3A_1230, %dma_wait3A_1241] : memref<33x1280xf32, #tpu.memory_space<vmem>> -> memref<1x1280xf32, #tpu.memory_space<vmem>>
        %dma_wait3A_1243 = tpu.memref_squeeze %dma_wait3A_1242 : memref<1x1280xf32, #tpu.memory_space<vmem>> -> memref<1280xf32, #tpu.memory_space<vmem>>
        tpu.wait_dma2 semaphore(%arg7 : memref<!tpu.dma_semaphore, #tpu.memory_space<semaphore_mem>>) src(%dma_wait3A_1243 : memref<1280xf32, #tpu.memory_space<vmem>>) dst(%dma_wait3A_1240 : memref<1280xf32, #tpu.memory_space<hbm>>)
        %dma_wait3A_1244 = arith.constant 0 : i32
        %dma_wait3A_1245 = arith.constant 0 : i32
        %dma_wait3A_1246 = arith.constant 0 : i32
        %dma_wait3A_1247 = tpu.memref_slice %arg5[%dma_wait3A_1244, %dma_wait3A_1246] : memref<33x1280xf32, #tpu.memory_space<vmem>> -> memref<1x1280xf32, #tpu.memory_space<vmem>>
        %dma_wait3A_1248 = tpu.memref_squeeze %dma_wait3A_1247 : memref<1x1280xf32, #tpu.memory_space<vmem>> -> memref<1280xf32, #tpu.memory_space<vmem>>
        %dma_wait3A_1249 = arith.constant 0 : i32
        %dma_wait3A_1250 = tpu.memref_slice %arg4[%dma_wait3A_1245, %dma_wait3A_1249] : memref<8192x1280xf32, #tpu.memory_space<hbm>> -> memref<1x1280xf32, #tpu.memory_space<hbm>>
        %dma_wait3A_1251 = tpu.memref_squeeze %dma_wait3A_1250 : memref<1x1280xf32, #tpu.memory_space<hbm>> -> memref<1280xf32, #tpu.memory_space<hbm>>
        %dma_wait3A_1252 = arith.constant 0 : i32
        %dma_wait3A_1253 = tpu.memref_slice %arg4[%dma_wait3A_1245, %dma_wait3A_1252] : memref<8192x1280xf32, #tpu.memory_space<hbm>> -> memref<1x1280xf32, #tpu.memory_space<hbm>>
        %dma_wait3A_1254 = tpu.memref_squeeze %dma_wait3A_1253 : memref<1x1280xf32, #tpu.memory_space<hbm>> -> memref<1280xf32, #tpu.memory_space<hbm>>
        %dma_wait3A_1255 = arith.constant 0 : i32
        %dma_wait3A_1256 = tpu.memref_slice %arg5[%dma_wait3A_1244, %dma_wait3A_1255] : memref<33x1280xf32, #tpu.memory_space<vmem>> -> memref<1x1280xf32, #tpu.memory_space<vmem>>
        %dma_wait3A_1257 = tpu.memref_squeeze %dma_wait3A_1256 : memref<1x1280xf32, #tpu.memory_space<vmem>> -> memref<1280xf32, #tpu.memory_space<vmem>>
        tpu.wait_dma2 semaphore(%arg7 : memref<!tpu.dma_semaphore, #tpu.memory_space<semaphore_mem>>) src(%dma_wait3A_1257 : memref<1280xf32, #tpu.memory_space<vmem>>) dst(%dma_wait3A_1254 : memref<1280xf32, #tpu.memory_space<hbm>>)
        %dma_wait3A_1258 = arith.constant 0 : i32
        %dma_wait3A_1259 = arith.constant 0 : i32
        %dma_wait3A_1260 = arith.constant 0 : i32
        %dma_wait3A_1261 = tpu.memref_slice %arg5[%dma_wait3A_1258, %dma_wait3A_1260] : memref<33x1280xf32, #tpu.memory_space<vmem>> -> memref<1x1280xf32, #tpu.memory_space<vmem>>
        %dma_wait3A_1262 = tpu.memref_squeeze %dma_wait3A_1261 : memref<1x1280xf32, #tpu.memory_space<vmem>> -> memref<1280xf32, #tpu.memory_space<vmem>>
        %dma_wait3A_1263 = arith.constant 0 : i32
        %dma_wait3A_1264 = tpu.memref_slice %arg4[%dma_wait3A_1259, %dma_wait3A_1263] : memref<8192x1280xf32, #tpu.memory_space<hbm>> -> memref<1x1280xf32, #tpu.memory_space<hbm>>
        %dma_wait3A_1265 = tpu.memref_squeeze %dma_wait3A_1264 : memref<1x1280xf32, #tpu.memory_space<hbm>> -> memref<1280xf32, #tpu.memory_space<hbm>>
        %dma_wait3A_1266 = arith.constant 0 : i32
        %dma_wait3A_1267 = tpu.memref_slice %arg4[%dma_wait3A_1259, %dma_wait3A_1266] : memref<8192x1280xf32, #tpu.memory_space<hbm>> -> memref<1x1280xf32, #tpu.memory_space<hbm>>
        %dma_wait3A_1268 = tpu.memref_squeeze %dma_wait3A_1267 : memref<1x1280xf32, #tpu.memory_space<hbm>> -> memref<1280xf32, #tpu.memory_space<hbm>>
        %dma_wait3A_1269 = arith.constant 0 : i32
        %dma_wait3A_1270 = tpu.memref_slice %arg5[%dma_wait3A_1258, %dma_wait3A_1269] : memref<33x1280xf32, #tpu.memory_space<vmem>> -> memref<1x1280xf32, #tpu.memory_space<vmem>>
        %dma_wait3A_1271 = tpu.memref_squeeze %dma_wait3A_1270 : memref<1x1280xf32, #tpu.memory_space<vmem>> -> memref<1280xf32, #tpu.memory_space<vmem>>
        tpu.wait_dma2 semaphore(%arg7 : memref<!tpu.dma_semaphore, #tpu.memory_space<semaphore_mem>>) src(%dma_wait3A_1271 : memref<1280xf32, #tpu.memory_space<vmem>>) dst(%dma_wait3A_1268 : memref<1280xf32, #tpu.memory_space<hbm>>)
        %dma_wait3A_1272 = arith.constant 0 : i32
        %dma_wait3A_1273 = arith.constant 0 : i32
        %dma_wait3A_1274 = arith.constant 0 : i32
        %dma_wait3A_1275 = tpu.memref_slice %arg5[%dma_wait3A_1272, %dma_wait3A_1274] : memref<33x1280xf32, #tpu.memory_space<vmem>> -> memref<1x1280xf32, #tpu.memory_space<vmem>>
        %dma_wait3A_1276 = tpu.memref_squeeze %dma_wait3A_1275 : memref<1x1280xf32, #tpu.memory_space<vmem>> -> memref<1280xf32, #tpu.memory_space<vmem>>
        %dma_wait3A_1277 = arith.constant 0 : i32
        %dma_wait3A_1278 = tpu.memref_slice %arg4[%dma_wait3A_1273, %dma_wait3A_1277] : memref<8192x1280xf32, #tpu.memory_space<hbm>> -> memref<1x1280xf32, #tpu.memory_space<hbm>>
        %dma_wait3A_1279 = tpu.memref_squeeze %dma_wait3A_1278 : memref<1x1280xf32, #tpu.memory_space<hbm>> -> memref<1280xf32, #tpu.memory_space<hbm>>
        %dma_wait3A_1280 = arith.constant 0 : i32
        %dma_wait3A_1281 = tpu.memref_slice %arg4[%dma_wait3A_1273, %dma_wait3A_1280] : memref<8192x1280xf32, #tpu.memory_space<hbm>> -> memref<1x1280xf32, #tpu.memory_space<hbm>>
        %dma_wait3A_1282 = tpu.memref_squeeze %dma_wait3A_1281 : memref<1x1280xf32, #tpu.memory_space<hbm>> -> memref<1280xf32, #tpu.memory_space<hbm>>
        %dma_wait3A_1283 = arith.constant 0 : i32
        %dma_wait3A_1284 = tpu.memref_slice %arg5[%dma_wait3A_1272, %dma_wait3A_1283] : memref<33x1280xf32, #tpu.memory_space<vmem>> -> memref<1x1280xf32, #tpu.memory_space<vmem>>
        %dma_wait3A_1285 = tpu.memref_squeeze %dma_wait3A_1284 : memref<1x1280xf32, #tpu.memory_space<vmem>> -> memref<1280xf32, #tpu.memory_space<vmem>>
        tpu.wait_dma2 semaphore(%arg7 : memref<!tpu.dma_semaphore, #tpu.memory_space<semaphore_mem>>) src(%dma_wait3A_1285 : memref<1280xf32, #tpu.memory_space<vmem>>) dst(%dma_wait3A_1282 : memref<1280xf32, #tpu.memory_space<hbm>>)
        %dma_wait3A_1286 = arith.constant 0 : i32
        %dma_wait3A_1287 = arith.constant 0 : i32
        %dma_wait3A_1288 = arith.constant 0 : i32
        %dma_wait3A_1289 = tpu.memref_slice %arg5[%dma_wait3A_1286, %dma_wait3A_1288] : memref<33x1280xf32, #tpu.memory_space<vmem>> -> memref<1x1280xf32, #tpu.memory_space<vmem>>
        %dma_wait3A_1290 = tpu.memref_squeeze %dma_wait3A_1289 : memref<1x1280xf32, #tpu.memory_space<vmem>> -> memref<1280xf32, #tpu.memory_space<vmem>>
        %dma_wait3A_1291 = arith.constant 0 : i32
        %dma_wait3A_1292 = tpu.memref_slice %arg4[%dma_wait3A_1287, %dma_wait3A_1291] : memref<8192x1280xf32, #tpu.memory_space<hbm>> -> memref<1x1280xf32, #tpu.memory_space<hbm>>
        %dma_wait3A_1293 = tpu.memref_squeeze %dma_wait3A_1292 : memref<1x1280xf32, #tpu.memory_space<hbm>> -> memref<1280xf32, #tpu.memory_space<hbm>>
        %dma_wait3A_1294 = arith.constant 0 : i32
        %dma_wait3A_1295 = tpu.memref_slice %arg4[%dma_wait3A_1287, %dma_wait3A_1294] : memref<8192x1280xf32, #tpu.memory_space<hbm>> -> memref<1x1280xf32, #tpu.memory_space<hbm>>
        %dma_wait3A_1296 = tpu.memref_squeeze %dma_wait3A_1295 : memref<1x1280xf32, #tpu.memory_space<hbm>> -> memref<1280xf32, #tpu.memory_space<hbm>>
        %dma_wait3A_1297 = arith.constant 0 : i32
        %dma_wait3A_1298 = tpu.memref_slice %arg5[%dma_wait3A_1286, %dma_wait3A_1297] : memref<33x1280xf32, #tpu.memory_space<vmem>> -> memref<1x1280xf32, #tpu.memory_space<vmem>>
        %dma_wait3A_1299 = tpu.memref_squeeze %dma_wait3A_1298 : memref<1x1280xf32, #tpu.memory_space<vmem>> -> memref<1280xf32, #tpu.memory_space<vmem>>
        tpu.wait_dma2 semaphore(%arg7 : memref<!tpu.dma_semaphore, #tpu.memory_space<semaphore_mem>>) src(%dma_wait3A_1299 : memref<1280xf32, #tpu.memory_space<vmem>>) dst(%dma_wait3A_1296 : memref<1280xf32, #tpu.memory_space<hbm>>)
        %dma_wait3A_1300 = arith.constant 0 : i32
        %dma_wait3A_1301 = arith.constant 0 : i32
        %dma_wait3A_1302 = arith.constant 0 : i32
        %dma_wait3A_1303 = tpu.memref_slice %arg5[%dma_wait3A_1300, %dma_wait3A_1302] : memref<33x1280xf32, #tpu.memory_space<vmem>> -> memref<1x1280xf32, #tpu.memory_space<vmem>>
        %dma_wait3A_1304 = tpu.memref_squeeze %dma_wait3A_1303 : memref<1x1280xf32, #tpu.memory_space<vmem>> -> memref<1280xf32, #tpu.memory_space<vmem>>
        %dma_wait3A_1305 = arith.constant 0 : i32
        %dma_wait3A_1306 = tpu.memref_slice %arg4[%dma_wait3A_1301, %dma_wait3A_1305] : memref<8192x1280xf32, #tpu.memory_space<hbm>> -> memref<1x1280xf32, #tpu.memory_space<hbm>>
        %dma_wait3A_1307 = tpu.memref_squeeze %dma_wait3A_1306 : memref<1x1280xf32, #tpu.memory_space<hbm>> -> memref<1280xf32, #tpu.memory_space<hbm>>
        %dma_wait3A_1308 = arith.constant 0 : i32
        %dma_wait3A_1309 = tpu.memref_slice %arg4[%dma_wait3A_1301, %dma_wait3A_1308] : memref<8192x1280xf32, #tpu.memory_space<hbm>> -> memref<1x1280xf32, #tpu.memory_space<hbm>>
        %dma_wait3A_1310 = tpu.memref_squeeze %dma_wait3A_1309 : memref<1x1280xf32, #tpu.memory_space<hbm>> -> memref<1280xf32, #tpu.memory_space<hbm>>
        %dma_wait3A_1311 = arith.constant 0 : i32
        %dma_wait3A_1312 = tpu.memref_slice %arg5[%dma_wait3A_1300, %dma_wait3A_1311] : memref<33x1280xf32, #tpu.memory_space<vmem>> -> memref<1x1280xf32, #tpu.memory_space<vmem>>
        %dma_wait3A_1313 = tpu.memref_squeeze %dma_wait3A_1312 : memref<1x1280xf32, #tpu.memory_space<vmem>> -> memref<1280xf32, #tpu.memory_space<vmem>>
        tpu.wait_dma2 semaphore(%arg7 : memref<!tpu.dma_semaphore, #tpu.memory_space<semaphore_mem>>) src(%dma_wait3A_1313 : memref<1280xf32, #tpu.memory_space<vmem>>) dst(%dma_wait3A_1310 : memref<1280xf32, #tpu.memory_space<hbm>>)
        %dma_wait3A_1314 = arith.constant 0 : i32
        %dma_wait3A_1315 = arith.constant 0 : i32
        %dma_wait3A_1316 = arith.constant 0 : i32
        %dma_wait3A_1317 = tpu.memref_slice %arg5[%dma_wait3A_1314, %dma_wait3A_1316] : memref<33x1280xf32, #tpu.memory_space<vmem>> -> memref<1x1280xf32, #tpu.memory_space<vmem>>
        %dma_wait3A_1318 = tpu.memref_squeeze %dma_wait3A_1317 : memref<1x1280xf32, #tpu.memory_space<vmem>> -> memref<1280xf32, #tpu.memory_space<vmem>>
        %dma_wait3A_1319 = arith.constant 0 : i32
        %dma_wait3A_1320 = tpu.memref_slice %arg4[%dma_wait3A_1315, %dma_wait3A_1319] : memref<8192x1280xf32, #tpu.memory_space<hbm>> -> memref<1x1280xf32, #tpu.memory_space<hbm>>
        %dma_wait3A_1321 = tpu.memref_squeeze %dma_wait3A_1320 : memref<1x1280xf32, #tpu.memory_space<hbm>> -> memref<1280xf32, #tpu.memory_space<hbm>>
        %dma_wait3A_1322 = arith.constant 0 : i32
        %dma_wait3A_1323 = tpu.memref_slice %arg4[%dma_wait3A_1315, %dma_wait3A_1322] : memref<8192x1280xf32, #tpu.memory_space<hbm>> -> memref<1x1280xf32, #tpu.memory_space<hbm>>
        %dma_wait3A_1324 = tpu.memref_squeeze %dma_wait3A_1323 : memref<1x1280xf32, #tpu.memory_space<hbm>> -> memref<1280xf32, #tpu.memory_space<hbm>>
        %dma_wait3A_1325 = arith.constant 0 : i32
        %dma_wait3A_1326 = tpu.memref_slice %arg5[%dma_wait3A_1314, %dma_wait3A_1325] : memref<33x1280xf32, #tpu.memory_space<vmem>> -> memref<1x1280xf32, #tpu.memory_space<vmem>>
        %dma_wait3A_1327 = tpu.memref_squeeze %dma_wait3A_1326 : memref<1x1280xf32, #tpu.memory_space<vmem>> -> memref<1280xf32, #tpu.memory_space<vmem>>
        tpu.wait_dma2 semaphore(%arg7 : memref<!tpu.dma_semaphore, #tpu.memory_space<semaphore_mem>>) src(%dma_wait3A_1327 : memref<1280xf32, #tpu.memory_space<vmem>>) dst(%dma_wait3A_1324 : memref<1280xf32, #tpu.memory_space<hbm>>)
        %dma_wait3A_1328 = arith.constant 0 : i32
        %dma_wait3A_1329 = arith.constant 0 : i32
        %dma_wait3A_1330 = arith.constant 0 : i32
        %dma_wait3A_1331 = tpu.memref_slice %arg5[%dma_wait3A_1328, %dma_wait3A_1330] : memref<33x1280xf32, #tpu.memory_space<vmem>> -> memref<1x1280xf32, #tpu.memory_space<vmem>>
        %dma_wait3A_1332 = tpu.memref_squeeze %dma_wait3A_1331 : memref<1x1280xf32, #tpu.memory_space<vmem>> -> memref<1280xf32, #tpu.memory_space<vmem>>
        %dma_wait3A_1333 = arith.constant 0 : i32
        %dma_wait3A_1334 = tpu.memref_slice %arg4[%dma_wait3A_1329, %dma_wait3A_1333] : memref<8192x1280xf32, #tpu.memory_space<hbm>> -> memref<1x1280xf32, #tpu.memory_space<hbm>>
        %dma_wait3A_1335 = tpu.memref_squeeze %dma_wait3A_1334 : memref<1x1280xf32, #tpu.memory_space<hbm>> -> memref<1280xf32, #tpu.memory_space<hbm>>
        %dma_wait3A_1336 = arith.constant 0 : i32
        %dma_wait3A_1337 = tpu.memref_slice %arg4[%dma_wait3A_1329, %dma_wait3A_1336] : memref<8192x1280xf32, #tpu.memory_space<hbm>> -> memref<1x1280xf32, #tpu.memory_space<hbm>>
        %dma_wait3A_1338 = tpu.memref_squeeze %dma_wait3A_1337 : memref<1x1280xf32, #tpu.memory_space<hbm>> -> memref<1280xf32, #tpu.memory_space<hbm>>
        %dma_wait3A_1339 = arith.constant 0 : i32
        %dma_wait3A_1340 = tpu.memref_slice %arg5[%dma_wait3A_1328, %dma_wait3A_1339] : memref<33x1280xf32, #tpu.memory_space<vmem>> -> memref<1x1280xf32, #tpu.memory_space<vmem>>
        %dma_wait3A_1341 = tpu.memref_squeeze %dma_wait3A_1340 : memref<1x1280xf32, #tpu.memory_space<vmem>> -> memref<1280xf32, #tpu.memory_space<vmem>>
        tpu.wait_dma2 semaphore(%arg7 : memref<!tpu.dma_semaphore, #tpu.memory_space<semaphore_mem>>) src(%dma_wait3A_1341 : memref<1280xf32, #tpu.memory_space<vmem>>) dst(%dma_wait3A_1338 : memref<1280xf32, #tpu.memory_space<hbm>>)
      } else {
      }
      %mul3A_492 = arith.constant 2 : i32
      %mul3A_493 = arith.muli %mul3A_492, %scan3A_488 : i32
      %mul3A_494 = arith.constant 16 : i32
      %mul3A_495 = arith.muli %mul3A_493, %mul3A_494 : i32
      %get3A = arith.index_cast %mul3A_495 : i32 to index
      %get3A_496 = tpu.vector_load %arg6[%get3A] {strides = array<i32>} : memref<256xi32, #tpu.memory_space<vmem>>, vector<16xi32>,
      %get3A_497 = vector.shape_cast %get3A_496 : vector<16xi32> to vector<16xi32>
      %slice3A = vector.extract_strided_slice %get3A_497 {offsets = [0], sizes = [1], strides = [1]} : vector<16xi32> to vector<1xi32>
      %squeeze3A = vector.extract %slice3A[0] : i32 from vector<1xi32>
      %mul3A_498 = arith.constant 16 : i32
      %mul3A_499 = arith.muli %mul3A_493, %mul3A_498 : i32
      %add3A_500 = arith.addi %mul3A_2, %mul3A_499 : i32
      %add3A_501 = arith.constant 0 : i32
      %add3A_502 = arith.addi %add3A_500, %add3A_501 : i32
      %dma_start3A = arith.constant 0 : i32
      %dma_start3A_503 = tpu.memref_slice %arg5[%squeeze3A, %dma_start3A] : memref<33x1280xf32, #tpu.memory_space<vmem>> -> memref<1x1280xf32, #tpu.memory_space<vmem>>
      %dma_start3A_504 = tpu.memref_squeeze %dma_start3A_503 : memref<1x1280xf32, #tpu.memory_space<vmem>> -> memref<1280xf32, #tpu.memory_space<vmem>>
      %dma_start3A_505 = arith.constant 0 : i32
      %dma_start3A_506 = tpu.memref_slice %arg4[%add3A_502, %dma_start3A_505] : memref<8192x1280xf32, #tpu.memory_space<hbm>> -> memref<1x1280xf32, #tpu.memory_space<hbm>>
      %dma_start3A_507 = tpu.memref_squeeze %dma_start3A_506 : memref<1x1280xf32, #tpu.memory_space<hbm>> -> memref<1280xf32, #tpu.memory_space<hbm>>
      %dma_start3A_508 = arith.constant 0 : i32
      %dma_start3A_509 = tpu.memref_slice %arg4[%add3A_502, %dma_start3A_508] : memref<8192x1280xf32, #tpu.memory_space<hbm>> -> memref<1x1280xf32, #tpu.memory_space<hbm>>
      %dma_start3A_510 = tpu.memref_squeeze %dma_start3A_509 : memref<1x1280xf32, #tpu.memory_space<hbm>> -> memref<1280xf32, #tpu.memory_space<hbm>>
      %dma_start3A_511 = arith.constant 0 : i32
      %dma_start3A_512 = tpu.memref_slice %arg5[%squeeze3A, %dma_start3A_511] : memref<33x1280xf32, #tpu.memory_space<vmem>> -> memref<1x1280xf32, #tpu.memory_space<vmem>>
      %dma_start3A_513 = tpu.memref_squeeze %dma_start3A_512 : memref<1x1280xf32, #tpu.memory_space<vmem>> -> memref<1280xf32, #tpu.memory_space<vmem>>
      tpu.enqueue_dma source(%dma_start3A_513 : memref<1280xf32, #tpu.memory_space<vmem>>) target(%dma_start3A_510 : memref<1280xf32, #tpu.memory_space<hbm>>) target_semaphore(%arg7 : memref<!tpu.dma_semaphore, #tpu.memory_space<semaphore_mem>>)
      %slice3A_514 = vector.extract_strided_slice %get3A_497 {offsets = [1], sizes = [1], strides = [1]} : vector<16xi32> to vector<1xi32>
      %squeeze3A_515 = vector.extract %slice3A_514[0] : i32 from vector<1xi32>
      %mul3A_516 = arith.constant 16 : i32
      %mul3A_517 = arith.muli %mul3A_493, %mul3A_516 : i32
      %add3A_518 = arith.addi %mul3A_2, %mul3A_517 : i32
      %add3A_519 = arith.constant 1 : i32
      %add3A_520 = arith.addi %add3A_518, %add3A_519 : i32
      %dma_start3A_521 = arith.constant 0 : i32
      %dma_start3A_522 = tpu.memref_slice %arg5[%squeeze3A_515, %dma_start3A_521] : memref<33x1280xf32, #tpu.memory_space<vmem>> -> memref<1x1280xf32, #tpu.memory_space<vmem>>
      %dma_start3A_523 = tpu.memref_squeeze %dma_start3A_522 : memref<1x1280xf32, #tpu.memory_space<vmem>> -> memref<1280xf32, #tpu.memory_space<vmem>>
      %dma_start3A_524 = arith.constant 0 : i32
      %dma_start3A_525 = tpu.memref_slice %arg4[%add3A_520, %dma_start3A_524] : memref<8192x1280xf32, #tpu.memory_space<hbm>> -> memref<1x1280xf32, #tpu.memory_space<hbm>>
      %dma_start3A_526 = tpu.memref_squeeze %dma_start3A_525 : memref<1x1280xf32, #tpu.memory_space<hbm>> -> memref<1280xf32, #tpu.memory_space<hbm>>
      %dma_start3A_527 = arith.constant 0 : i32
      %dma_start3A_528 = tpu.memref_slice %arg4[%add3A_520, %dma_start3A_527] : memref<8192x1280xf32, #tpu.memory_space<hbm>> -> memref<1x1280xf32, #tpu.memory_space<hbm>>
      %dma_start3A_529 = tpu.memref_squeeze %dma_start3A_528 : memref<1x1280xf32, #tpu.memory_space<hbm>> -> memref<1280xf32, #tpu.memory_space<hbm>>
      %dma_start3A_530 = arith.constant 0 : i32
      %dma_start3A_531 = tpu.memref_slice %arg5[%squeeze3A_515, %dma_start3A_530] : memref<33x1280xf32, #tpu.memory_space<vmem>> -> memref<1x1280xf32, #tpu.memory_space<vmem>>
      %dma_start3A_532 = tpu.memref_squeeze %dma_start3A_531 : memref<1x1280xf32, #tpu.memory_space<vmem>> -> memref<1280xf32, #tpu.memory_space<vmem>>
      tpu.enqueue_dma source(%dma_start3A_532 : memref<1280xf32, #tpu.memory_space<vmem>>) target(%dma_start3A_529 : memref<1280xf32, #tpu.memory_space<hbm>>) target_semaphore(%arg7 : memref<!tpu.dma_semaphore, #tpu.memory_space<semaphore_mem>>)
      %slice3A_533 = vector.extract_strided_slice %get3A_497 {offsets = [2], sizes = [1], strides = [1]} : vector<16xi32> to vector<1xi32>
      %squeeze3A_534 = vector.extract %slice3A_533[0] : i32 from vector<1xi32>
      %mul3A_535 = arith.constant 16 : i32
      %mul3A_536 = arith.muli %mul3A_493, %mul3A_535 : i32
      %add3A_537 = arith.addi %mul3A_2, %mul3A_536 : i32
      %add3A_538 = arith.constant 2 : i32
      %add3A_539 = arith.addi %add3A_537, %add3A_538 : i32
      %dma_start3A_540 = arith.constant 0 : i32
      %dma_start3A_541 = tpu.memref_slice %arg5[%squeeze3A_534, %dma_start3A_540] : memref<33x1280xf32, #tpu.memory_space<vmem>> -> memref<1x1280xf32, #tpu.memory_space<vmem>>
      %dma_start3A_542 = tpu.memref_squeeze %dma_start3A_541 : memref<1x1280xf32, #tpu.memory_space<vmem>> -> memref<1280xf32, #tpu.memory_space<vmem>>
      %dma_start3A_543 = arith.constant 0 : i32
      %dma_start3A_544 = tpu.memref_slice %arg4[%add3A_539, %dma_start3A_543] : memref<8192x1280xf32, #tpu.memory_space<hbm>> -> memref<1x1280xf32, #tpu.memory_space<hbm>>
      %dma_start3A_545 = tpu.memref_squeeze %dma_start3A_544 : memref<1x1280xf32, #tpu.memory_space<hbm>> -> memref<1280xf32, #tpu.memory_space<hbm>>
      %dma_start3A_546 = arith.constant 0 : i32
      %dma_start3A_547 = tpu.memref_slice %arg4[%add3A_539, %dma_start3A_546] : memref<8192x1280xf32, #tpu.memory_space<hbm>> -> memref<1x1280xf32, #tpu.memory_space<hbm>>
      %dma_start3A_548 = tpu.memref_squeeze %dma_start3A_547 : memref<1x1280xf32, #tpu.memory_space<hbm>> -> memref<1280xf32, #tpu.memory_space<hbm>>
      %dma_start3A_549 = arith.constant 0 : i32
      %dma_start3A_550 = tpu.memref_slice %arg5[%squeeze3A_534, %dma_start3A_549] : memref<33x1280xf32, #tpu.memory_space<vmem>> -> memref<1x1280xf32, #tpu.memory_space<vmem>>
      %dma_start3A_551 = tpu.memref_squeeze %dma_start3A_550 : memref<1x1280xf32, #tpu.memory_space<vmem>> -> memref<1280xf32, #tpu.memory_space<vmem>>
      tpu.enqueue_dma source(%dma_start3A_551 : memref<1280xf32, #tpu.memory_space<vmem>>) target(%dma_start3A_548 : memref<1280xf32, #tpu.memory_space<hbm>>) target_semaphore(%arg7 : memref<!tpu.dma_semaphore, #tpu.memory_space<semaphore_mem>>)
      %slice3A_552 = vector.extract_strided_slice %get3A_497 {offsets = [3], sizes = [1], strides = [1]} : vector<16xi32> to vector<1xi32>
      %squeeze3A_553 = vector.extract %slice3A_552[0] : i32 from vector<1xi32>
      %mul3A_554 = arith.constant 16 : i32
      %mul3A_555 = arith.muli %mul3A_493, %mul3A_554 : i32
      %add3A_556 = arith.addi %mul3A_2, %mul3A_555 : i32
      %add3A_557 = arith.constant 3 : i32
      %add3A_558 = arith.addi %add3A_556, %add3A_557 : i32
      %dma_start3A_559 = arith.constant 0 : i32
      %dma_start3A_560 = tpu.memref_slice %arg5[%squeeze3A_553, %dma_start3A_559] : memref<33x1280xf32, #tpu.memory_space<vmem>> -> memref<1x1280xf32, #tpu.memory_space<vmem>>
      %dma_start3A_561 = tpu.memref_squeeze %dma_start3A_560 : memref<1x1280xf32, #tpu.memory_space<vmem>> -> memref<1280xf32, #tpu.memory_space<vmem>>
      %dma_start3A_562 = arith.constant 0 : i32
      %dma_start3A_563 = tpu.memref_slice %arg4[%add3A_558, %dma_start3A_562] : memref<8192x1280xf32, #tpu.memory_space<hbm>> -> memref<1x1280xf32, #tpu.memory_space<hbm>>
      %dma_start3A_564 = tpu.memref_squeeze %dma_start3A_563 : memref<1x1280xf32, #tpu.memory_space<hbm>> -> memref<1280xf32, #tpu.memory_space<hbm>>
      %dma_start3A_565 = arith.constant 0 : i32
      %dma_start3A_566 = tpu.memref_slice %arg4[%add3A_558, %dma_start3A_565] : memref<8192x1280xf32, #tpu.memory_space<hbm>> -> memref<1x1280xf32, #tpu.memory_space<hbm>>
      %dma_start3A_567 = tpu.memref_squeeze %dma_start3A_566 : memref<1x1280xf32, #tpu.memory_space<hbm>> -> memref<1280xf32, #tpu.memory_space<hbm>>
      %dma_start3A_568 = arith.constant 0 : i32
      %dma_start3A_569 = tpu.memref_slice %arg5[%squeeze3A_553, %dma_start3A_568] : memref<33x1280xf32, #tpu.memory_space<vmem>> -> memref<1x1280xf32, #tpu.memory_space<vmem>>
      %dma_start3A_570 = tpu.memref_squeeze %dma_start3A_569 : memref<1x1280xf32, #tpu.memory_space<vmem>> -> memref<1280xf32, #tpu.memory_space<vmem>>
      tpu.enqueue_dma source(%dma_start3A_570 : memref<1280xf32, #tpu.memory_space<vmem>>) target(%dma_start3A_567 : memref<1280xf32, #tpu.memory_space<hbm>>) target_semaphore(%arg7 : memref<!tpu.dma_semaphore, #tpu.memory_space<semaphore_mem>>)
      %slice3A_571 = vector.extract_strided_slice %get3A_497 {offsets = [4], sizes = [1], strides = [1]} : vector<16xi32> to vector<1xi32>
      %squeeze3A_572 = vector.extract %slice3A_571[0] : i32 from vector<1xi32>
      %mul3A_573 = arith.constant 16 : i32
      %mul3A_574 = arith.muli %mul3A_493, %mul3A_573 : i32
      %add3A_575 = arith.addi %mul3A_2, %mul3A_574 : i32
      %add3A_576 = arith.constant 4 : i32
      %add3A_577 = arith.addi %add3A_575, %add3A_576 : i32
      %dma_start3A_578 = arith.constant 0 : i32
      %dma_start3A_579 = tpu.memref_slice %arg5[%squeeze3A_572, %dma_start3A_578] : memref<33x1280xf32, #tpu.memory_space<vmem>> -> memref<1x1280xf32, #tpu.memory_space<vmem>>
      %dma_start3A_580 = tpu.memref_squeeze %dma_start3A_579 : memref<1x1280xf32, #tpu.memory_space<vmem>> -> memref<1280xf32, #tpu.memory_space<vmem>>
      %dma_start3A_581 = arith.constant 0 : i32
      %dma_start3A_582 = tpu.memref_slice %arg4[%add3A_577, %dma_start3A_581] : memref<8192x1280xf32, #tpu.memory_space<hbm>> -> memref<1x1280xf32, #tpu.memory_space<hbm>>
      %dma_start3A_583 = tpu.memref_squeeze %dma_start3A_582 : memref<1x1280xf32, #tpu.memory_space<hbm>> -> memref<1280xf32, #tpu.memory_space<hbm>>
      %dma_start3A_584 = arith.constant 0 : i32
      %dma_start3A_585 = tpu.memref_slice %arg4[%add3A_577, %dma_start3A_584] : memref<8192x1280xf32, #tpu.memory_space<hbm>> -> memref<1x1280xf32, #tpu.memory_space<hbm>>
      %dma_start3A_586 = tpu.memref_squeeze %dma_start3A_585 : memref<1x1280xf32, #tpu.memory_space<hbm>> -> memref<1280xf32, #tpu.memory_space<hbm>>
      %dma_start3A_587 = arith.constant 0 : i32
      %dma_start3A_588 = tpu.memref_slice %arg5[%squeeze3A_572, %dma_start3A_587] : memref<33x1280xf32, #tpu.memory_space<vmem>> -> memref<1x1280xf32, #tpu.memory_space<vmem>>
      %dma_start3A_589 = tpu.memref_squeeze %dma_start3A_588 : memref<1x1280xf32, #tpu.memory_space<vmem>> -> memref<1280xf32, #tpu.memory_space<vmem>>
      tpu.enqueue_dma source(%dma_start3A_589 : memref<1280xf32, #tpu.memory_space<vmem>>) target(%dma_start3A_586 : memref<1280xf32, #tpu.memory_space<hbm>>) target_semaphore(%arg7 : memref<!tpu.dma_semaphore, #tpu.memory_space<semaphore_mem>>)
      %slice3A_590 = vector.extract_strided_slice %get3A_497 {offsets = [5], sizes = [1], strides = [1]} : vector<16xi32> to vector<1xi32>
      %squeeze3A_591 = vector.extract %slice3A_590[0] : i32 from vector<1xi32>
      %mul3A_592 = arith.constant 16 : i32
      %mul3A_593 = arith.muli %mul3A_493, %mul3A_592 : i32
      %add3A_594 = arith.addi %mul3A_2, %mul3A_593 : i32
      %add3A_595 = arith.constant 5 : i32
      %add3A_596 = arith.addi %add3A_594, %add3A_595 : i32
      %dma_start3A_597 = arith.constant 0 : i32
      %dma_start3A_598 = tpu.memref_slice %arg5[%squeeze3A_591, %dma_start3A_597] : memref<33x1280xf32, #tpu.memory_space<vmem>> -> memref<1x1280xf32, #tpu.memory_space<vmem>>
      %dma_start3A_599 = tpu.memref_squeeze %dma_start3A_598 : memref<1x1280xf32, #tpu.memory_space<vmem>> -> memref<1280xf32, #tpu.memory_space<vmem>>
      %dma_start3A_600 = arith.constant 0 : i32
      %dma_start3A_601 = tpu.memref_slice %arg4[%add3A_596, %dma_start3A_600] : memref<8192x1280xf32, #tpu.memory_space<hbm>> -> memref<1x1280xf32, #tpu.memory_space<hbm>>
      %dma_start3A_602 = tpu.memref_squeeze %dma_start3A_601 : memref<1x1280xf32, #tpu.memory_space<hbm>> -> memref<1280xf32, #tpu.memory_space<hbm>>
      %dma_start3A_603 = arith.constant 0 : i32
      %dma_start3A_604 = tpu.memref_slice %arg4[%add3A_596, %dma_start3A_603] : memref<8192x1280xf32, #tpu.memory_space<hbm>> -> memref<1x1280xf32, #tpu.memory_space<hbm>>
      %dma_start3A_605 = tpu.memref_squeeze %dma_start3A_604 : memref<1x1280xf32, #tpu.memory_space<hbm>> -> memref<1280xf32, #tpu.memory_space<hbm>>
      %dma_start3A_606 = arith.constant 0 : i32
      %dma_start3A_607 = tpu.memref_slice %arg5[%squeeze3A_591, %dma_start3A_606] : memref<33x1280xf32, #tpu.memory_space<vmem>> -> memref<1x1280xf32, #tpu.memory_space<vmem>>
      %dma_start3A_608 = tpu.memref_squeeze %dma_start3A_607 : memref<1x1280xf32, #tpu.memory_space<vmem>> -> memref<1280xf32, #tpu.memory_space<vmem>>
      tpu.enqueue_dma source(%dma_start3A_608 : memref<1280xf32, #tpu.memory_space<vmem>>) target(%dma_start3A_605 : memref<1280xf32, #tpu.memory_space<hbm>>) target_semaphore(%arg7 : memref<!tpu.dma_semaphore, #tpu.memory_space<semaphore_mem>>)
      %slice3A_609 = vector.extract_strided_slice %get3A_497 {offsets = [6], sizes = [1], strides = [1]} : vector<16xi32> to vector<1xi32>
      %squeeze3A_610 = vector.extract %slice3A_609[0] : i32 from vector<1xi32>
      %mul3A_611 = arith.constant 16 : i32
      %mul3A_612 = arith.muli %mul3A_493, %mul3A_611 : i32
      %add3A_613 = arith.addi %mul3A_2, %mul3A_612 : i32
      %add3A_614 = arith.constant 6 : i32
      %add3A_615 = arith.addi %add3A_613, %add3A_614 : i32
      %dma_start3A_616 = arith.constant 0 : i32
      %dma_start3A_617 = tpu.memref_slice %arg5[%squeeze3A_610, %dma_start3A_616] : memref<33x1280xf32, #tpu.memory_space<vmem>> -> memref<1x1280xf32, #tpu.memory_space<vmem>>
      %dma_start3A_618 = tpu.memref_squeeze %dma_start3A_617 : memref<1x1280xf32, #tpu.memory_space<vmem>> -> memref<1280xf32, #tpu.memory_space<vmem>>
      %dma_start3A_619 = arith.constant 0 : i32
      %dma_start3A_620 = tpu.memref_slice %arg4[%add3A_615, %dma_start3A_619] : memref<8192x1280xf32, #tpu.memory_space<hbm>> -> memref<1x1280xf32, #tpu.memory_space<hbm>>
      %dma_start3A_621 = tpu.memref_squeeze %dma_start3A_620 : memref<1x1280xf32, #tpu.memory_space<hbm>> -> memref<1280xf32, #tpu.memory_space<hbm>>
      %dma_start3A_622 = arith.constant 0 : i32
      %dma_start3A_623 = tpu.memref_slice %arg4[%add3A_615, %dma_start3A_622] : memref<8192x1280xf32, #tpu.memory_space<hbm>> -> memref<1x1280xf32, #tpu.memory_space<hbm>>
      %dma_start3A_624 = tpu.memref_squeeze %dma_start3A_623 : memref<1x1280xf32, #tpu.memory_space<hbm>> -> memref<1280xf32, #tpu.memory_space<hbm>>
      %dma_start3A_625 = arith.constant 0 : i32
      %dma_start3A_626 = tpu.memref_slice %arg5[%squeeze3A_610, %dma_start3A_625] : memref<33x1280xf32, #tpu.memory_space<vmem>> -> memref<1x1280xf32, #tpu.memory_space<vmem>>
      %dma_start3A_627 = tpu.memref_squeeze %dma_start3A_626 : memref<1x1280xf32, #tpu.memory_space<vmem>> -> memref<1280xf32, #tpu.memory_space<vmem>>
      tpu.enqueue_dma source(%dma_start3A_627 : memref<1280xf32, #tpu.memory_space<vmem>>) target(%dma_start3A_624 : memref<1280xf32, #tpu.memory_space<hbm>>) target_semaphore(%arg7 : memref<!tpu.dma_semaphore, #tpu.memory_space<semaphore_mem>>)
      %slice3A_628 = vector.extract_strided_slice %get3A_497 {offsets = [7], sizes = [1], strides = [1]} : vector<16xi32> to vector<1xi32>
      %squeeze3A_629 = vector.extract %slice3A_628[0] : i32 from vector<1xi32>
      %mul3A_630 = arith.constant 16 : i32
      %mul3A_631 = arith.muli %mul3A_493, %mul3A_630 : i32
      %add3A_632 = arith.addi %mul3A_2, %mul3A_631 : i32
      %add3A_633 = arith.constant 7 : i32
      %add3A_634 = arith.addi %add3A_632, %add3A_633 : i32
      %dma_start3A_635 = arith.constant 0 : i32
      %dma_start3A_636 = tpu.memref_slice %arg5[%squeeze3A_629, %dma_start3A_635] : memref<33x1280xf32, #tpu.memory_space<vmem>> -> memref<1x1280xf32, #tpu.memory_space<vmem>>
      %dma_start3A_637 = tpu.memref_squeeze %dma_start3A_636 : memref<1x1280xf32, #tpu.memory_space<vmem>> -> memref<1280xf32, #tpu.memory_space<vmem>>
      %dma_start3A_638 = arith.constant 0 : i32
      %dma_start3A_639 = tpu.memref_slice %arg4[%add3A_634, %dma_start3A_638] : memref<8192x1280xf32, #tpu.memory_space<hbm>> -> memref<1x1280xf32, #tpu.memory_space<hbm>>
      %dma_start3A_640 = tpu.memref_squeeze %dma_start3A_639 : memref<1x1280xf32, #tpu.memory_space<hbm>> -> memref<1280xf32, #tpu.memory_space<hbm>>
      %dma_start3A_641 = arith.constant 0 : i32
      %dma_start3A_642 = tpu.memref_slice %arg4[%add3A_634, %dma_start3A_641] : memref<8192x1280xf32, #tpu.memory_space<hbm>> -> memref<1x1280xf32, #tpu.memory_space<hbm>>
      %dma_start3A_643 = tpu.memref_squeeze %dma_start3A_642 : memref<1x1280xf32, #tpu.memory_space<hbm>> -> memref<1280xf32, #tpu.memory_space<hbm>>
      %dma_start3A_644 = arith.constant 0 : i32
      %dma_start3A_645 = tpu.memref_slice %arg5[%squeeze3A_629, %dma_start3A_644] : memref<33x1280xf32, #tpu.memory_space<vmem>> -> memref<1x1280xf32, #tpu.memory_space<vmem>>
      %dma_start3A_646 = tpu.memref_squeeze %dma_start3A_645 : memref<1x1280xf32, #tpu.memory_space<vmem>> -> memref<1280xf32, #tpu.memory_space<vmem>>
      tpu.enqueue_dma source(%dma_start3A_646 : memref<1280xf32, #tpu.memory_space<vmem>>) target(%dma_start3A_643 : memref<1280xf32, #tpu.memory_space<hbm>>) target_semaphore(%arg7 : memref<!tpu.dma_semaphore, #tpu.memory_space<semaphore_mem>>)
      %slice3A_647 = vector.extract_strided_slice %get3A_497 {offsets = [8], sizes = [1], strides = [1]} : vector<16xi32> to vector<1xi32>
      %squeeze3A_648 = vector.extract %slice3A_647[0] : i32 from vector<1xi32>
      %mul3A_649 = arith.constant 16 : i32
      %mul3A_650 = arith.muli %mul3A_493, %mul3A_649 : i32
      %add3A_651 = arith.addi %mul3A_2, %mul3A_650 : i32
      %add3A_652 = arith.constant 8 : i32
      %add3A_653 = arith.addi %add3A_651, %add3A_652 : i32
      %dma_start3A_654 = arith.constant 0 : i32
      %dma_start3A_655 = tpu.memref_slice %arg5[%squeeze3A_648, %dma_start3A_654] : memref<33x1280xf32, #tpu.memory_space<vmem>> -> memref<1x1280xf32, #tpu.memory_space<vmem>>
      %dma_start3A_656 = tpu.memref_squeeze %dma_start3A_655 : memref<1x1280xf32, #tpu.memory_space<vmem>> -> memref<1280xf32, #tpu.memory_space<vmem>>
      %dma_start3A_657 = arith.constant 0 : i32
      %dma_start3A_658 = tpu.memref_slice %arg4[%add3A_653, %dma_start3A_657] : memref<8192x1280xf32, #tpu.memory_space<hbm>> -> memref<1x1280xf32, #tpu.memory_space<hbm>>
      %dma_start3A_659 = tpu.memref_squeeze %dma_start3A_658 : memref<1x1280xf32, #tpu.memory_space<hbm>> -> memref<1280xf32, #tpu.memory_space<hbm>>
      %dma_start3A_660 = arith.constant 0 : i32
      %dma_start3A_661 = tpu.memref_slice %arg4[%add3A_653, %dma_start3A_660] : memref<8192x1280xf32, #tpu.memory_space<hbm>> -> memref<1x1280xf32, #tpu.memory_space<hbm>>
      %dma_start3A_662 = tpu.memref_squeeze %dma_start3A_661 : memref<1x1280xf32, #tpu.memory_space<hbm>> -> memref<1280xf32, #tpu.memory_space<hbm>>
      %dma_start3A_663 = arith.constant 0 : i32
      %dma_start3A_664 = tpu.memref_slice %arg5[%squeeze3A_648, %dma_start3A_663] : memref<33x1280xf32, #tpu.memory_space<vmem>> -> memref<1x1280xf32, #tpu.memory_space<vmem>>
      %dma_start3A_665 = tpu.memref_squeeze %dma_start3A_664 : memref<1x1280xf32, #tpu.memory_space<vmem>> -> memref<1280xf32, #tpu.memory_space<vmem>>
      tpu.enqueue_dma source(%dma_start3A_665 : memref<1280xf32, #tpu.memory_space<vmem>>) target(%dma_start3A_662 : memref<1280xf32, #tpu.memory_space<hbm>>) target_semaphore(%arg7 : memref<!tpu.dma_semaphore, #tpu.memory_space<semaphore_mem>>)
      %slice3A_666 = vector.extract_strided_slice %get3A_497 {offsets = [9], sizes = [1], strides = [1]} : vector<16xi32> to vector<1xi32>
      %squeeze3A_667 = vector.extract %slice3A_666[0] : i32 from vector<1xi32>
      %mul3A_668 = arith.constant 16 : i32
      %mul3A_669 = arith.muli %mul3A_493, %mul3A_668 : i32
      %add3A_670 = arith.addi %mul3A_2, %mul3A_669 : i32
      %add3A_671 = arith.constant 9 : i32
      %add3A_672 = arith.addi %add3A_670, %add3A_671 : i32
      %dma_start3A_673 = arith.constant 0 : i32
      %dma_start3A_674 = tpu.memref_slice %arg5[%squeeze3A_667, %dma_start3A_673] : memref<33x1280xf32, #tpu.memory_space<vmem>> -> memref<1x1280xf32, #tpu.memory_space<vmem>>
      %dma_start3A_675 = tpu.memref_squeeze %dma_start3A_674 : memref<1x1280xf32, #tpu.memory_space<vmem>> -> memref<1280xf32, #tpu.memory_space<vmem>>
      %dma_start3A_676 = arith.constant 0 : i32
      %dma_start3A_677 = tpu.memref_slice %arg4[%add3A_672, %dma_start3A_676] : memref<8192x1280xf32, #tpu.memory_space<hbm>> -> memref<1x1280xf32, #tpu.memory_space<hbm>>
      %dma_start3A_678 = tpu.memref_squeeze %dma_start3A_677 : memref<1x1280xf32, #tpu.memory_space<hbm>> -> memref<1280xf32, #tpu.memory_space<hbm>>
      %dma_start3A_679 = arith.constant 0 : i32
      %dma_start3A_680 = tpu.memref_slice %arg4[%add3A_672, %dma_start3A_679] : memref<8192x1280xf32, #tpu.memory_space<hbm>> -> memref<1x1280xf32, #tpu.memory_space<hbm>>
      %dma_start3A_681 = tpu.memref_squeeze %dma_start3A_680 : memref<1x1280xf32, #tpu.memory_space<hbm>> -> memref<1280xf32, #tpu.memory_space<hbm>>
      %dma_start3A_682 = arith.constant 0 : i32
      %dma_start3A_683 = tpu.memref_slice %arg5[%squeeze3A_667, %dma_start3A_682] : memref<33x1280xf32, #tpu.memory_space<vmem>> -> memref<1x1280xf32, #tpu.memory_space<vmem>>
      %dma_start3A_684 = tpu.memref_squeeze %dma_start3A_683 : memref<1x1280xf32, #tpu.memory_space<vmem>> -> memref<1280xf32, #tpu.memory_space<vmem>>
      tpu.enqueue_dma source(%dma_start3A_684 : memref<1280xf32, #tpu.memory_space<vmem>>) target(%dma_start3A_681 : memref<1280xf32, #tpu.memory_space<hbm>>) target_semaphore(%arg7 : memref<!tpu.dma_semaphore, #tpu.memory_space<semaphore_mem>>)
      %slice3A_685 = vector.extract_strided_slice %get3A_497 {offsets = [10], sizes = [1], strides = [1]} : vector<16xi32> to vector<1xi32>
      %squeeze3A_686 = vector.extract %slice3A_685[0] : i32 from vector<1xi32>
      %mul3A_687 = arith.constant 16 : i32
      %mul3A_688 = arith.muli %mul3A_493, %mul3A_687 : i32
      %add3A_689 = arith.addi %mul3A_2, %mul3A_688 : i32
      %add3A_690 = arith.constant 10 : i32
      %add3A_691 = arith.addi %add3A_689, %add3A_690 : i32
      %dma_start3A_692 = arith.constant 0 : i32
      %dma_start3A_693 = tpu.memref_slice %arg5[%squeeze3A_686, %dma_start3A_692] : memref<33x1280xf32, #tpu.memory_space<vmem>> -> memref<1x1280xf32, #tpu.memory_space<vmem>>
      %dma_start3A_694 = tpu.memref_squeeze %dma_start3A_693 : memref<1x1280xf32, #tpu.memory_space<vmem>> -> memref<1280xf32, #tpu.memory_space<vmem>>
      %dma_start3A_695 = arith.constant 0 : i32
      %dma_start3A_696 = tpu.memref_slice %arg4[%add3A_691, %dma_start3A_695] : memref<8192x1280xf32, #tpu.memory_space<hbm>> -> memref<1x1280xf32, #tpu.memory_space<hbm>>
      %dma_start3A_697 = tpu.memref_squeeze %dma_start3A_696 : memref<1x1280xf32, #tpu.memory_space<hbm>> -> memref<1280xf32, #tpu.memory_space<hbm>>
      %dma_start3A_698 = arith.constant 0 : i32
      %dma_start3A_699 = tpu.memref_slice %arg4[%add3A_691, %dma_start3A_698] : memref<8192x1280xf32, #tpu.memory_space<hbm>> -> memref<1x1280xf32, #tpu.memory_space<hbm>>
      %dma_start3A_700 = tpu.memref_squeeze %dma_start3A_699 : memref<1x1280xf32, #tpu.memory_space<hbm>> -> memref<1280xf32, #tpu.memory_space<hbm>>
      %dma_start3A_701 = arith.constant 0 : i32
      %dma_start3A_702 = tpu.memref_slice %arg5[%squeeze3A_686, %dma_start3A_701] : memref<33x1280xf32, #tpu.memory_space<vmem>> -> memref<1x1280xf32, #tpu.memory_space<vmem>>
      %dma_start3A_703 = tpu.memref_squeeze %dma_start3A_702 : memref<1x1280xf32, #tpu.memory_space<vmem>> -> memref<1280xf32, #tpu.memory_space<vmem>>
      tpu.enqueue_dma source(%dma_start3A_703 : memref<1280xf32, #tpu.memory_space<vmem>>) target(%dma_start3A_700 : memref<1280xf32, #tpu.memory_space<hbm>>) target_semaphore(%arg7 : memref<!tpu.dma_semaphore, #tpu.memory_space<semaphore_mem>>)
      %slice3A_704 = vector.extract_strided_slice %get3A_497 {offsets = [11], sizes = [1], strides = [1]} : vector<16xi32> to vector<1xi32>
      %squeeze3A_705 = vector.extract %slice3A_704[0] : i32 from vector<1xi32>
      %mul3A_706 = arith.constant 16 : i32
      %mul3A_707 = arith.muli %mul3A_493, %mul3A_706 : i32
      %add3A_708 = arith.addi %mul3A_2, %mul3A_707 : i32
      %add3A_709 = arith.constant 11 : i32
      %add3A_710 = arith.addi %add3A_708, %add3A_709 : i32
      %dma_start3A_711 = arith.constant 0 : i32
      %dma_start3A_712 = tpu.memref_slice %arg5[%squeeze3A_705, %dma_start3A_711] : memref<33x1280xf32, #tpu.memory_space<vmem>> -> memref<1x1280xf32, #tpu.memory_space<vmem>>
      %dma_start3A_713 = tpu.memref_squeeze %dma_start3A_712 : memref<1x1280xf32, #tpu.memory_space<vmem>> -> memref<1280xf32, #tpu.memory_space<vmem>>
      %dma_start3A_714 = arith.constant 0 : i32
      %dma_start3A_715 = tpu.memref_slice %arg4[%add3A_710, %dma_start3A_714] : memref<8192x1280xf32, #tpu.memory_space<hbm>> -> memref<1x1280xf32, #tpu.memory_space<hbm>>
      %dma_start3A_716 = tpu.memref_squeeze %dma_start3A_715 : memref<1x1280xf32, #tpu.memory_space<hbm>> -> memref<1280xf32, #tpu.memory_space<hbm>>
      %dma_start3A_717 = arith.constant 0 : i32
      %dma_start3A_718 = tpu.memref_slice %arg4[%add3A_710, %dma_start3A_717] : memref<8192x1280xf32, #tpu.memory_space<hbm>> -> memref<1x1280xf32, #tpu.memory_space<hbm>>
      %dma_start3A_719 = tpu.memref_squeeze %dma_start3A_718 : memref<1x1280xf32, #tpu.memory_space<hbm>> -> memref<1280xf32, #tpu.memory_space<hbm>>
      %dma_start3A_720 = arith.constant 0 : i32
      %dma_start3A_721 = tpu.memref_slice %arg5[%squeeze3A_705, %dma_start3A_720] : memref<33x1280xf32, #tpu.memory_space<vmem>> -> memref<1x1280xf32, #tpu.memory_space<vmem>>
      %dma_start3A_722 = tpu.memref_squeeze %dma_start3A_721 : memref<1x1280xf32, #tpu.memory_space<vmem>> -> memref<1280xf32, #tpu.memory_space<vmem>>
      tpu.enqueue_dma source(%dma_start3A_722 : memref<1280xf32, #tpu.memory_space<vmem>>) target(%dma_start3A_719 : memref<1280xf32, #tpu.memory_space<hbm>>) target_semaphore(%arg7 : memref<!tpu.dma_semaphore, #tpu.memory_space<semaphore_mem>>)
      %slice3A_723 = vector.extract_strided_slice %get3A_497 {offsets = [12], sizes = [1], strides = [1]} : vector<16xi32> to vector<1xi32>
      %squeeze3A_724 = vector.extract %slice3A_723[0] : i32 from vector<1xi32>
      %mul3A_725 = arith.constant 16 : i32
      %mul3A_726 = arith.muli %mul3A_493, %mul3A_725 : i32
      %add3A_727 = arith.addi %mul3A_2, %mul3A_726 : i32
      %add3A_728 = arith.constant 12 : i32
      %add3A_729 = arith.addi %add3A_727, %add3A_728 : i32
      %dma_start3A_730 = arith.constant 0 : i32
      %dma_start3A_731 = tpu.memref_slice %arg5[%squeeze3A_724, %dma_start3A_730] : memref<33x1280xf32, #tpu.memory_space<vmem>> -> memref<1x1280xf32, #tpu.memory_space<vmem>>
      %dma_start3A_732 = tpu.memref_squeeze %dma_start3A_731 : memref<1x1280xf32, #tpu.memory_space<vmem>> -> memref<1280xf32, #tpu.memory_space<vmem>>
      %dma_start3A_733 = arith.constant 0 : i32
      %dma_start3A_734 = tpu.memref_slice %arg4[%add3A_729, %dma_start3A_733] : memref<8192x1280xf32, #tpu.memory_space<hbm>> -> memref<1x1280xf32, #tpu.memory_space<hbm>>
      %dma_start3A_735 = tpu.memref_squeeze %dma_start3A_734 : memref<1x1280xf32, #tpu.memory_space<hbm>> -> memref<1280xf32, #tpu.memory_space<hbm>>
      %dma_start3A_736 = arith.constant 0 : i32
      %dma_start3A_737 = tpu.memref_slice %arg4[%add3A_729, %dma_start3A_736] : memref<8192x1280xf32, #tpu.memory_space<hbm>> -> memref<1x1280xf32, #tpu.memory_space<hbm>>
      %dma_start3A_738 = tpu.memref_squeeze %dma_start3A_737 : memref<1x1280xf32, #tpu.memory_space<hbm>> -> memref<1280xf32, #tpu.memory_space<hbm>>
      %dma_start3A_739 = arith.constant 0 : i32
      %dma_start3A_740 = tpu.memref_slice %arg5[%squeeze3A_724, %dma_start3A_739] : memref<33x1280xf32, #tpu.memory_space<vmem>> -> memref<1x1280xf32, #tpu.memory_space<vmem>>
      %dma_start3A_741 = tpu.memref_squeeze %dma_start3A_740 : memref<1x1280xf32, #tpu.memory_space<vmem>> -> memref<1280xf32, #tpu.memory_space<vmem>>
      tpu.enqueue_dma source(%dma_start3A_741 : memref<1280xf32, #tpu.memory_space<vmem>>) target(%dma_start3A_738 : memref<1280xf32, #tpu.memory_space<hbm>>) target_semaphore(%arg7 : memref<!tpu.dma_semaphore, #tpu.memory_space<semaphore_mem>>)
      %slice3A_742 = vector.extract_strided_slice %get3A_497 {offsets = [13], sizes = [1], strides = [1]} : vector<16xi32> to vector<1xi32>
      %squeeze3A_743 = vector.extract %slice3A_742[0] : i32 from vector<1xi32>
      %mul3A_744 = arith.constant 16 : i32
      %mul3A_745 = arith.muli %mul3A_493, %mul3A_744 : i32
      %add3A_746 = arith.addi %mul3A_2, %mul3A_745 : i32
      %add3A_747 = arith.constant 13 : i32
      %add3A_748 = arith.addi %add3A_746, %add3A_747 : i32
      %dma_start3A_749 = arith.constant 0 : i32
      %dma_start3A_750 = tpu.memref_slice %arg5[%squeeze3A_743, %dma_start3A_749] : memref<33x1280xf32, #tpu.memory_space<vmem>> -> memref<1x1280xf32, #tpu.memory_space<vmem>>
      %dma_start3A_751 = tpu.memref_squeeze %dma_start3A_750 : memref<1x1280xf32, #tpu.memory_space<vmem>> -> memref<1280xf32, #tpu.memory_space<vmem>>
      %dma_start3A_752 = arith.constant 0 : i32
      %dma_start3A_753 = tpu.memref_slice %arg4[%add3A_748, %dma_start3A_752] : memref<8192x1280xf32, #tpu.memory_space<hbm>> -> memref<1x1280xf32, #tpu.memory_space<hbm>>
      %dma_start3A_754 = tpu.memref_squeeze %dma_start3A_753 : memref<1x1280xf32, #tpu.memory_space<hbm>> -> memref<1280xf32, #tpu.memory_space<hbm>>
      %dma_start3A_755 = arith.constant 0 : i32
      %dma_start3A_756 = tpu.memref_slice %arg4[%add3A_748, %dma_start3A_755] : memref<8192x1280xf32, #tpu.memory_space<hbm>> -> memref<1x1280xf32, #tpu.memory_space<hbm>>
      %dma_start3A_757 = tpu.memref_squeeze %dma_start3A_756 : memref<1x1280xf32, #tpu.memory_space<hbm>> -> memref<1280xf32, #tpu.memory_space<hbm>>
      %dma_start3A_758 = arith.constant 0 : i32
      %dma_start3A_759 = tpu.memref_slice %arg5[%squeeze3A_743, %dma_start3A_758] : memref<33x1280xf32, #tpu.memory_space<vmem>> -> memref<1x1280xf32, #tpu.memory_space<vmem>>
      %dma_start3A_760 = tpu.memref_squeeze %dma_start3A_759 : memref<1x1280xf32, #tpu.memory_space<vmem>> -> memref<1280xf32, #tpu.memory_space<vmem>>
      tpu.enqueue_dma source(%dma_start3A_760 : memref<1280xf32, #tpu.memory_space<vmem>>) target(%dma_start3A_757 : memref<1280xf32, #tpu.memory_space<hbm>>) target_semaphore(%arg7 : memref<!tpu.dma_semaphore, #tpu.memory_space<semaphore_mem>>)
      %slice3A_761 = vector.extract_strided_slice %get3A_497 {offsets = [14], sizes = [1], strides = [1]} : vector<16xi32> to vector<1xi32>
      %squeeze3A_762 = vector.extract %slice3A_761[0] : i32 from vector<1xi32>
      %mul3A_763 = arith.constant 16 : i32
      %mul3A_764 = arith.muli %mul3A_493, %mul3A_763 : i32
      %add3A_765 = arith.addi %mul3A_2, %mul3A_764 : i32
      %add3A_766 = arith.constant 14 : i32
      %add3A_767 = arith.addi %add3A_765, %add3A_766 : i32
      %dma_start3A_768 = arith.constant 0 : i32
      %dma_start3A_769 = tpu.memref_slice %arg5[%squeeze3A_762, %dma_start3A_768] : memref<33x1280xf32, #tpu.memory_space<vmem>> -> memref<1x1280xf32, #tpu.memory_space<vmem>>
      %dma_start3A_770 = tpu.memref_squeeze %dma_start3A_769 : memref<1x1280xf32, #tpu.memory_space<vmem>> -> memref<1280xf32, #tpu.memory_space<vmem>>
      %dma_start3A_771 = arith.constant 0 : i32
      %dma_start3A_772 = tpu.memref_slice %arg4[%add3A_767, %dma_start3A_771] : memref<8192x1280xf32, #tpu.memory_space<hbm>> -> memref<1x1280xf32, #tpu.memory_space<hbm>>
      %dma_start3A_773 = tpu.memref_squeeze %dma_start3A_772 : memref<1x1280xf32, #tpu.memory_space<hbm>> -> memref<1280xf32, #tpu.memory_space<hbm>>
      %dma_start3A_774 = arith.constant 0 : i32
      %dma_start3A_775 = tpu.memref_slice %arg4[%add3A_767, %dma_start3A_774] : memref<8192x1280xf32, #tpu.memory_space<hbm>> -> memref<1x1280xf32, #tpu.memory_space<hbm>>
      %dma_start3A_776 = tpu.memref_squeeze %dma_start3A_775 : memref<1x1280xf32, #tpu.memory_space<hbm>> -> memref<1280xf32, #tpu.memory_space<hbm>>
      %dma_start3A_777 = arith.constant 0 : i32
      %dma_start3A_778 = tpu.memref_slice %arg5[%squeeze3A_762, %dma_start3A_777] : memref<33x1280xf32, #tpu.memory_space<vmem>> -> memref<1x1280xf32, #tpu.memory_space<vmem>>
      %dma_start3A_779 = tpu.memref_squeeze %dma_start3A_778 : memref<1x1280xf32, #tpu.memory_space<vmem>> -> memref<1280xf32, #tpu.memory_space<vmem>>
      tpu.enqueue_dma source(%dma_start3A_779 : memref<1280xf32, #tpu.memory_space<vmem>>) target(%dma_start3A_776 : memref<1280xf32, #tpu.memory_space<hbm>>) target_semaphore(%arg7 : memref<!tpu.dma_semaphore, #tpu.memory_space<semaphore_mem>>)
      %slice3A_780 = vector.extract_strided_slice %get3A_497 {offsets = [15], sizes = [1], strides = [1]} : vector<16xi32> to vector<1xi32>
      %squeeze3A_781 = vector.extract %slice3A_780[0] : i32 from vector<1xi32>
      %mul3A_782 = arith.constant 16 : i32
      %mul3A_783 = arith.muli %mul3A_493, %mul3A_782 : i32
      %add3A_784 = arith.addi %mul3A_2, %mul3A_783 : i32
      %add3A_785 = arith.constant 15 : i32
      %add3A_786 = arith.addi %add3A_784, %add3A_785 : i32
      %dma_start3A_787 = arith.constant 0 : i32
      %dma_start3A_788 = tpu.memref_slice %arg5[%squeeze3A_781, %dma_start3A_787] : memref<33x1280xf32, #tpu.memory_space<vmem>> -> memref<1x1280xf32, #tpu.memory_space<vmem>>
      %dma_start3A_789 = tpu.memref_squeeze %dma_start3A_788 : memref<1x1280xf32, #tpu.memory_space<vmem>> -> memref<1280xf32, #tpu.memory_space<vmem>>
      %dma_start3A_790 = arith.constant 0 : i32
      %dma_start3A_791 = tpu.memref_slice %arg4[%add3A_786, %dma_start3A_790] : memref<8192x1280xf32, #tpu.memory_space<hbm>> -> memref<1x1280xf32, #tpu.memory_space<hbm>>
      %dma_start3A_792 = tpu.memref_squeeze %dma_start3A_791 : memref<1x1280xf32, #tpu.memory_space<hbm>> -> memref<1280xf32, #tpu.memory_space<hbm>>
      %dma_start3A_793 = arith.constant 0 : i32
      %dma_start3A_794 = tpu.memref_slice %arg4[%add3A_786, %dma_start3A_793] : memref<8192x1280xf32, #tpu.memory_space<hbm>> -> memref<1x1280xf32, #tpu.memory_space<hbm>>
      %dma_start3A_795 = tpu.memref_squeeze %dma_start3A_794 : memref<1x1280xf32, #tpu.memory_space<hbm>> -> memref<1280xf32, #tpu.memory_space<hbm>>
      %dma_start3A_796 = arith.constant 0 : i32
      %dma_start3A_797 = tpu.memref_slice %arg5[%squeeze3A_781, %dma_start3A_796] : memref<33x1280xf32, #tpu.memory_space<vmem>> -> memref<1x1280xf32, #tpu.memory_space<vmem>>
      %dma_start3A_798 = tpu.memref_squeeze %dma_start3A_797 : memref<1x1280xf32, #tpu.memory_space<vmem>> -> memref<1280xf32, #tpu.memory_space<vmem>>
      tpu.enqueue_dma source(%dma_start3A_798 : memref<1280xf32, #tpu.memory_space<vmem>>) target(%dma_start3A_795 : memref<1280xf32, #tpu.memory_space<hbm>>) target_semaphore(%arg7 : memref<!tpu.dma_semaphore, #tpu.memory_space<semaphore_mem>>)
      %gt3A_799 = arith.constant 0 : i32
      %gt3A_800 = arith.cmpi sgt, %scan3A_488, %gt3A_799 : i32
      %convert_element_type3A_801 = arith.extui %gt3A_800 : i1 to i32
      %cond3A_802 = arith.constant 0 : i32
      %cond3A_803 = arith.cmpi ne, %convert_element_type3A_801, %cond3A_802 : i32
      scf.if %cond3A_803 {
        %dma_wait3A_1118 = arith.constant 0 : i32
        %dma_wait3A_1119 = arith.constant 0 : i32
        %dma_wait3A_1120 = arith.constant 0 : i32
        %dma_wait3A_1121 = tpu.memref_slice %arg5[%dma_wait3A_1118, %dma_wait3A_1120] : memref<33x1280xf32, #tpu.memory_space<vmem>> -> memref<1x1280xf32, #tpu.memory_space<vmem>>
        %dma_wait3A_1122 = tpu.memref_squeeze %dma_wait3A_1121 : memref<1x1280xf32, #tpu.memory_space<vmem>> -> memref<1280xf32, #tpu.memory_space<vmem>>
        %dma_wait3A_1123 = arith.constant 0 : i32
        %dma_wait3A_1124 = tpu.memref_slice %arg4[%dma_wait3A_1119, %dma_wait3A_1123] : memref<8192x1280xf32, #tpu.memory_space<hbm>> -> memref<1x1280xf32, #tpu.memory_space<hbm>>
        %dma_wait3A_1125 = tpu.memref_squeeze %dma_wait3A_1124 : memref<1x1280xf32, #tpu.memory_space<hbm>> -> memref<1280xf32, #tpu.memory_space<hbm>>
        %dma_wait3A_1126 = arith.constant 0 : i32
        %dma_wait3A_1127 = tpu.memref_slice %arg4[%dma_wait3A_1119, %dma_wait3A_1126] : memref<8192x1280xf32, #tpu.memory_space<hbm>> -> memref<1x1280xf32, #tpu.memory_space<hbm>>
        %dma_wait3A_1128 = tpu.memref_squeeze %dma_wait3A_1127 : memref<1x1280xf32, #tpu.memory_space<hbm>> -> memref<1280xf32, #tpu.memory_space<hbm>>
        %dma_wait3A_1129 = arith.constant 0 : i32
        %dma_wait3A_1130 = tpu.memref_slice %arg5[%dma_wait3A_1118, %dma_wait3A_1129] : memref<33x1280xf32, #tpu.memory_space<vmem>> -> memref<1x1280xf32, #tpu.memory_space<vmem>>
        %dma_wait3A_1131 = tpu.memref_squeeze %dma_wait3A_1130 : memref<1x1280xf32, #tpu.memory_space<vmem>> -> memref<1280xf32, #tpu.memory_space<vmem>>
        tpu.wait_dma2 semaphore(%arg8 : memref<!tpu.dma_semaphore, #tpu.memory_space<semaphore_mem>>) src(%dma_wait3A_1131 : memref<1280xf32, #tpu.memory_space<vmem>>) dst(%dma_wait3A_1128 : memref<1280xf32, #tpu.memory_space<hbm>>)
        %dma_wait3A_1132 = arith.constant 0 : i32
        %dma_wait3A_1133 = arith.constant 0 : i32
        %dma_wait3A_1134 = arith.constant 0 : i32
        %dma_wait3A_1135 = tpu.memref_slice %arg5[%dma_wait3A_1132, %dma_wait3A_1134] : memref<33x1280xf32, #tpu.memory_space<vmem>> -> memref<1x1280xf32, #tpu.memory_space<vmem>>
        %dma_wait3A_1136 = tpu.memref_squeeze %dma_wait3A_1135 : memref<1x1280xf32, #tpu.memory_space<vmem>> -> memref<1280xf32, #tpu.memory_space<vmem>>
        %dma_wait3A_1137 = arith.constant 0 : i32
        %dma_wait3A_1138 = tpu.memref_slice %arg4[%dma_wait3A_1133, %dma_wait3A_1137] : memref<8192x1280xf32, #tpu.memory_space<hbm>> -> memref<1x1280xf32, #tpu.memory_space<hbm>>
        %dma_wait3A_1139 = tpu.memref_squeeze %dma_wait3A_1138 : memref<1x1280xf32, #tpu.memory_space<hbm>> -> memref<1280xf32, #tpu.memory_space<hbm>>
        %dma_wait3A_1140 = arith.constant 0 : i32
        %dma_wait3A_1141 = tpu.memref_slice %arg4[%dma_wait3A_1133, %dma_wait3A_1140] : memref<8192x1280xf32, #tpu.memory_space<hbm>> -> memref<1x1280xf32, #tpu.memory_space<hbm>>
        %dma_wait3A_1142 = tpu.memref_squeeze %dma_wait3A_1141 : memref<1x1280xf32, #tpu.memory_space<hbm>> -> memref<1280xf32, #tpu.memory_space<hbm>>
        %dma_wait3A_1143 = arith.constant 0 : i32
        %dma_wait3A_1144 = tpu.memref_slice %arg5[%dma_wait3A_1132, %dma_wait3A_1143] : memref<33x1280xf32, #tpu.memory_space<vmem>> -> memref<1x1280xf32, #tpu.memory_space<vmem>>
        %dma_wait3A_1145 = tpu.memref_squeeze %dma_wait3A_1144 : memref<1x1280xf32, #tpu.memory_space<vmem>> -> memref<1280xf32, #tpu.memory_space<vmem>>
        tpu.wait_dma2 semaphore(%arg8 : memref<!tpu.dma_semaphore, #tpu.memory_space<semaphore_mem>>) src(%dma_wait3A_1145 : memref<1280xf32, #tpu.memory_space<vmem>>) dst(%dma_wait3A_1142 : memref<1280xf32, #tpu.memory_space<hbm>>)
        %dma_wait3A_1146 = arith.constant 0 : i32
        %dma_wait3A_1147 = arith.constant 0 : i32
        %dma_wait3A_1148 = arith.constant 0 : i32
        %dma_wait3A_1149 = tpu.memref_slice %arg5[%dma_wait3A_1146, %dma_wait3A_1148] : memref<33x1280xf32, #tpu.memory_space<vmem>> -> memref<1x1280xf32, #tpu.memory_space<vmem>>
        %dma_wait3A_1150 = tpu.memref_squeeze %dma_wait3A_1149 : memref<1x1280xf32, #tpu.memory_space<vmem>> -> memref<1280xf32, #tpu.memory_space<vmem>>
        %dma_wait3A_1151 = arith.constant 0 : i32
        %dma_wait3A_1152 = tpu.memref_slice %arg4[%dma_wait3A_1147, %dma_wait3A_1151] : memref<8192x1280xf32, #tpu.memory_space<hbm>> -> memref<1x1280xf32, #tpu.memory_space<hbm>>
        %dma_wait3A_1153 = tpu.memref_squeeze %dma_wait3A_1152 : memref<1x1280xf32, #tpu.memory_space<hbm>> -> memref<1280xf32, #tpu.memory_space<hbm>>
        %dma_wait3A_1154 = arith.constant 0 : i32
        %dma_wait3A_1155 = tpu.memref_slice %arg4[%dma_wait3A_1147, %dma_wait3A_1154] : memref<8192x1280xf32, #tpu.memory_space<hbm>> -> memref<1x1280xf32, #tpu.memory_space<hbm>>
        %dma_wait3A_1156 = tpu.memref_squeeze %dma_wait3A_1155 : memref<1x1280xf32, #tpu.memory_space<hbm>> -> memref<1280xf32, #tpu.memory_space<hbm>>
        %dma_wait3A_1157 = arith.constant 0 : i32
        %dma_wait3A_1158 = tpu.memref_slice %arg5[%dma_wait3A_1146, %dma_wait3A_1157] : memref<33x1280xf32, #tpu.memory_space<vmem>> -> memref<1x1280xf32, #tpu.memory_space<vmem>>
        %dma_wait3A_1159 = tpu.memref_squeeze %dma_wait3A_1158 : memref<1x1280xf32, #tpu.memory_space<vmem>> -> memref<1280xf32, #tpu.memory_space<vmem>>
        tpu.wait_dma2 semaphore(%arg8 : memref<!tpu.dma_semaphore, #tpu.memory_space<semaphore_mem>>) src(%dma_wait3A_1159 : memref<1280xf32, #tpu.memory_space<vmem>>) dst(%dma_wait3A_1156 : memref<1280xf32, #tpu.memory_space<hbm>>)
        %dma_wait3A_1160 = arith.constant 0 : i32
        %dma_wait3A_1161 = arith.constant 0 : i32
        %dma_wait3A_1162 = arith.constant 0 : i32
        %dma_wait3A_1163 = tpu.memref_slice %arg5[%dma_wait3A_1160, %dma_wait3A_1162] : memref<33x1280xf32, #tpu.memory_space<vmem>> -> memref<1x1280xf32, #tpu.memory_space<vmem>>
        %dma_wait3A_1164 = tpu.memref_squeeze %dma_wait3A_1163 : memref<1x1280xf32, #tpu.memory_space<vmem>> -> memref<1280xf32, #tpu.memory_space<vmem>>
        %dma_wait3A_1165 = arith.constant 0 : i32
        %dma_wait3A_1166 = tpu.memref_slice %arg4[%dma_wait3A_1161, %dma_wait3A_1165] : memref<8192x1280xf32, #tpu.memory_space<hbm>> -> memref<1x1280xf32, #tpu.memory_space<hbm>>
        %dma_wait3A_1167 = tpu.memref_squeeze %dma_wait3A_1166 : memref<1x1280xf32, #tpu.memory_space<hbm>> -> memref<1280xf32, #tpu.memory_space<hbm>>
        %dma_wait3A_1168 = arith.constant 0 : i32
        %dma_wait3A_1169 = tpu.memref_slice %arg4[%dma_wait3A_1161, %dma_wait3A_1168] : memref<8192x1280xf32, #tpu.memory_space<hbm>> -> memref<1x1280xf32, #tpu.memory_space<hbm>>
        %dma_wait3A_1170 = tpu.memref_squeeze %dma_wait3A_1169 : memref<1x1280xf32, #tpu.memory_space<hbm>> -> memref<1280xf32, #tpu.memory_space<hbm>>
        %dma_wait3A_1171 = arith.constant 0 : i32
        %dma_wait3A_1172 = tpu.memref_slice %arg5[%dma_wait3A_1160, %dma_wait3A_1171] : memref<33x1280xf32, #tpu.memory_space<vmem>> -> memref<1x1280xf32, #tpu.memory_space<vmem>>
        %dma_wait3A_1173 = tpu.memref_squeeze %dma_wait3A_1172 : memref<1x1280xf32, #tpu.memory_space<vmem>> -> memref<1280xf32, #tpu.memory_space<vmem>>
        tpu.wait_dma2 semaphore(%arg8 : memref<!tpu.dma_semaphore, #tpu.memory_space<semaphore_mem>>) src(%dma_wait3A_1173 : memref<1280xf32, #tpu.memory_space<vmem>>) dst(%dma_wait3A_1170 : memref<1280xf32, #tpu.memory_space<hbm>>)
        %dma_wait3A_1174 = arith.constant 0 : i32
        %dma_wait3A_1175 = arith.constant 0 : i32
        %dma_wait3A_1176 = arith.constant 0 : i32
        %dma_wait3A_1177 = tpu.memref_slice %arg5[%dma_wait3A_1174, %dma_wait3A_1176] : memref<33x1280xf32, #tpu.memory_space<vmem>> -> memref<1x1280xf32, #tpu.memory_space<vmem>>
        %dma_wait3A_1178 = tpu.memref_squeeze %dma_wait3A_1177 : memref<1x1280xf32, #tpu.memory_space<vmem>> -> memref<1280xf32, #tpu.memory_space<vmem>>
        %dma_wait3A_1179 = arith.constant 0 : i32
        %dma_wait3A_1180 = tpu.memref_slice %arg4[%dma_wait3A_1175, %dma_wait3A_1179] : memref<8192x1280xf32, #tpu.memory_space<hbm>> -> memref<1x1280xf32, #tpu.memory_space<hbm>>
        %dma_wait3A_1181 = tpu.memref_squeeze %dma_wait3A_1180 : memref<1x1280xf32, #tpu.memory_space<hbm>> -> memref<1280xf32, #tpu.memory_space<hbm>>
        %dma_wait3A_1182 = arith.constant 0 : i32
        %dma_wait3A_1183 = tpu.memref_slice %arg4[%dma_wait3A_1175, %dma_wait3A_1182] : memref<8192x1280xf32, #tpu.memory_space<hbm>> -> memref<1x1280xf32, #tpu.memory_space<hbm>>
        %dma_wait3A_1184 = tpu.memref_squeeze %dma_wait3A_1183 : memref<1x1280xf32, #tpu.memory_space<hbm>> -> memref<1280xf32, #tpu.memory_space<hbm>>
        %dma_wait3A_1185 = arith.constant 0 : i32
        %dma_wait3A_1186 = tpu.memref_slice %arg5[%dma_wait3A_1174, %dma_wait3A_1185] : memref<33x1280xf32, #tpu.memory_space<vmem>> -> memref<1x1280xf32, #tpu.memory_space<vmem>>
        %dma_wait3A_1187 = tpu.memref_squeeze %dma_wait3A_1186 : memref<1x1280xf32, #tpu.memory_space<vmem>> -> memref<1280xf32, #tpu.memory_space<vmem>>
        tpu.wait_dma2 semaphore(%arg8 : memref<!tpu.dma_semaphore, #tpu.memory_space<semaphore_mem>>) src(%dma_wait3A_1187 : memref<1280xf32, #tpu.memory_space<vmem>>) dst(%dma_wait3A_1184 : memref<1280xf32, #tpu.memory_space<hbm>>)
        %dma_wait3A_1188 = arith.constant 0 : i32
        %dma_wait3A_1189 = arith.constant 0 : i32
        %dma_wait3A_1190 = arith.constant 0 : i32
        %dma_wait3A_1191 = tpu.memref_slice %arg5[%dma_wait3A_1188, %dma_wait3A_1190] : memref<33x1280xf32, #tpu.memory_space<vmem>> -> memref<1x1280xf32, #tpu.memory_space<vmem>>
        %dma_wait3A_1192 = tpu.memref_squeeze %dma_wait3A_1191 : memref<1x1280xf32, #tpu.memory_space<vmem>> -> memref<1280xf32, #tpu.memory_space<vmem>>
        %dma_wait3A_1193 = arith.constant 0 : i32
        %dma_wait3A_1194 = tpu.memref_slice %arg4[%dma_wait3A_1189, %dma_wait3A_1193] : memref<8192x1280xf32, #tpu.memory_space<hbm>> -> memref<1x1280xf32, #tpu.memory_space<hbm>>
        %dma_wait3A_1195 = tpu.memref_squeeze %dma_wait3A_1194 : memref<1x1280xf32, #tpu.memory_space<hbm>> -> memref<1280xf32, #tpu.memory_space<hbm>>
        %dma_wait3A_1196 = arith.constant 0 : i32
        %dma_wait3A_1197 = tpu.memref_slice %arg4[%dma_wait3A_1189, %dma_wait3A_1196] : memref<8192x1280xf32, #tpu.memory_space<hbm>> -> memref<1x1280xf32, #tpu.memory_space<hbm>>
        %dma_wait3A_1198 = tpu.memref_squeeze %dma_wait3A_1197 : memref<1x1280xf32, #tpu.memory_space<hbm>> -> memref<1280xf32, #tpu.memory_space<hbm>>
        %dma_wait3A_1199 = arith.constant 0 : i32
        %dma_wait3A_1200 = tpu.memref_slice %arg5[%dma_wait3A_1188, %dma_wait3A_1199] : memref<33x1280xf32, #tpu.memory_space<vmem>> -> memref<1x1280xf32, #tpu.memory_space<vmem>>
        %dma_wait3A_1201 = tpu.memref_squeeze %dma_wait3A_1200 : memref<1x1280xf32, #tpu.memory_space<vmem>> -> memref<1280xf32, #tpu.memory_space<vmem>>
        tpu.wait_dma2 semaphore(%arg8 : memref<!tpu.dma_semaphore, #tpu.memory_space<semaphore_mem>>) src(%dma_wait3A_1201 : memref<1280xf32, #tpu.memory_space<vmem>>) dst(%dma_wait3A_1198 : memref<1280xf32, #tpu.memory_space<hbm>>)
        %dma_wait3A_1202 = arith.constant 0 : i32
        %dma_wait3A_1203 = arith.constant 0 : i32
        %dma_wait3A_1204 = arith.constant 0 : i32
        %dma_wait3A_1205 = tpu.memref_slice %arg5[%dma_wait3A_1202, %dma_wait3A_1204] : memref<33x1280xf32, #tpu.memory_space<vmem>> -> memref<1x1280xf32, #tpu.memory_space<vmem>>
        %dma_wait3A_1206 = tpu.memref_squeeze %dma_wait3A_1205 : memref<1x1280xf32, #tpu.memory_space<vmem>> -> memref<1280xf32, #tpu.memory_space<vmem>>
        %dma_wait3A_1207 = arith.constant 0 : i32
        %dma_wait3A_1208 = tpu.memref_slice %arg4[%dma_wait3A_1203, %dma_wait3A_1207] : memref<8192x1280xf32, #tpu.memory_space<hbm>> -> memref<1x1280xf32, #tpu.memory_space<hbm>>
        %dma_wait3A_1209 = tpu.memref_squeeze %dma_wait3A_1208 : memref<1x1280xf32, #tpu.memory_space<hbm>> -> memref<1280xf32, #tpu.memory_space<hbm>>
        %dma_wait3A_1210 = arith.constant 0 : i32
        %dma_wait3A_1211 = tpu.memref_slice %arg4[%dma_wait3A_1203, %dma_wait3A_1210] : memref<8192x1280xf32, #tpu.memory_space<hbm>> -> memref<1x1280xf32, #tpu.memory_space<hbm>>
        %dma_wait3A_1212 = tpu.memref_squeeze %dma_wait3A_1211 : memref<1x1280xf32, #tpu.memory_space<hbm>> -> memref<1280xf32, #tpu.memory_space<hbm>>
        %dma_wait3A_1213 = arith.constant 0 : i32
        %dma_wait3A_1214 = tpu.memref_slice %arg5[%dma_wait3A_1202, %dma_wait3A_1213] : memref<33x1280xf32, #tpu.memory_space<vmem>> -> memref<1x1280xf32, #tpu.memory_space<vmem>>
        %dma_wait3A_1215 = tpu.memref_squeeze %dma_wait3A_1214 : memref<1x1280xf32, #tpu.memory_space<vmem>> -> memref<1280xf32, #tpu.memory_space<vmem>>
        tpu.wait_dma2 semaphore(%arg8 : memref<!tpu.dma_semaphore, #tpu.memory_space<semaphore_mem>>) src(%dma_wait3A_1215 : memref<1280xf32, #tpu.memory_space<vmem>>) dst(%dma_wait3A_1212 : memref<1280xf32, #tpu.memory_space<hbm>>)
        %dma_wait3A_1216 = arith.constant 0 : i32
        %dma_wait3A_1217 = arith.constant 0 : i32
        %dma_wait3A_1218 = arith.constant 0 : i32
        %dma_wait3A_1219 = tpu.memref_slice %arg5[%dma_wait3A_1216, %dma_wait3A_1218] : memref<33x1280xf32, #tpu.memory_space<vmem>> -> memref<1x1280xf32, #tpu.memory_space<vmem>>
        %dma_wait3A_1220 = tpu.memref_squeeze %dma_wait3A_1219 : memref<1x1280xf32, #tpu.memory_space<vmem>> -> memref<1280xf32, #tpu.memory_space<vmem>>
        %dma_wait3A_1221 = arith.constant 0 : i32
        %dma_wait3A_1222 = tpu.memref_slice %arg4[%dma_wait3A_1217, %dma_wait3A_1221] : memref<8192x1280xf32, #tpu.memory_space<hbm>> -> memref<1x1280xf32, #tpu.memory_space<hbm>>
        %dma_wait3A_1223 = tpu.memref_squeeze %dma_wait3A_1222 : memref<1x1280xf32, #tpu.memory_space<hbm>> -> memref<1280xf32, #tpu.memory_space<hbm>>
        %dma_wait3A_1224 = arith.constant 0 : i32
        %dma_wait3A_1225 = tpu.memref_slice %arg4[%dma_wait3A_1217, %dma_wait3A_1224] : memref<8192x1280xf32, #tpu.memory_space<hbm>> -> memref<1x1280xf32, #tpu.memory_space<hbm>>
        %dma_wait3A_1226 = tpu.memref_squeeze %dma_wait3A_1225 : memref<1x1280xf32, #tpu.memory_space<hbm>> -> memref<1280xf32, #tpu.memory_space<hbm>>
        %dma_wait3A_1227 = arith.constant 0 : i32
        %dma_wait3A_1228 = tpu.memref_slice %arg5[%dma_wait3A_1216, %dma_wait3A_1227] : memref<33x1280xf32, #tpu.memory_space<vmem>> -> memref<1x1280xf32, #tpu.memory_space<vmem>>
        %dma_wait3A_1229 = tpu.memref_squeeze %dma_wait3A_1228 : memref<1x1280xf32, #tpu.memory_space<vmem>> -> memref<1280xf32, #tpu.memory_space<vmem>>
        tpu.wait_dma2 semaphore(%arg8 : memref<!tpu.dma_semaphore, #tpu.memory_space<semaphore_mem>>) src(%dma_wait3A_1229 : memref<1280xf32, #tpu.memory_space<vmem>>) dst(%dma_wait3A_1226 : memref<1280xf32, #tpu.memory_space<hbm>>)
        %dma_wait3A_1230 = arith.constant 0 : i32
        %dma_wait3A_1231 = arith.constant 0 : i32
        %dma_wait3A_1232 = arith.constant 0 : i32
        %dma_wait3A_1233 = tpu.memref_slice %arg5[%dma_wait3A_1230, %dma_wait3A_1232] : memref<33x1280xf32, #tpu.memory_space<vmem>> -> memref<1x1280xf32, #tpu.memory_space<vmem>>
        %dma_wait3A_1234 = tpu.memref_squeeze %dma_wait3A_1233 : memref<1x1280xf32, #tpu.memory_space<vmem>> -> memref<1280xf32, #tpu.memory_space<vmem>>
        %dma_wait3A_1235 = arith.constant 0 : i32
        %dma_wait3A_1236 = tpu.memref_slice %arg4[%dma_wait3A_1231, %dma_wait3A_1235] : memref<8192x1280xf32, #tpu.memory_space<hbm>> -> memref<1x1280xf32, #tpu.memory_space<hbm>>
        %dma_wait3A_1237 = tpu.memref_squeeze %dma_wait3A_1236 : memref<1x1280xf32, #tpu.memory_space<hbm>> -> memref<1280xf32, #tpu.memory_space<hbm>>
        %dma_wait3A_1238 = arith.constant 0 : i32
        %dma_wait3A_1239 = tpu.memref_slice %arg4[%dma_wait3A_1231, %dma_wait3A_1238] : memref<8192x1280xf32, #tpu.memory_space<hbm>> -> memref<1x1280xf32, #tpu.memory_space<hbm>>
        %dma_wait3A_1240 = tpu.memref_squeeze %dma_wait3A_1239 : memref<1x1280xf32, #tpu.memory_space<hbm>> -> memref<1280xf32, #tpu.memory_space<hbm>>
        %dma_wait3A_1241 = arith.constant 0 : i32
        %dma_wait3A_1242 = tpu.memref_slice %arg5[%dma_wait3A_1230, %dma_wait3A_1241] : memref<33x1280xf32, #tpu.memory_space<vmem>> -> memref<1x1280xf32, #tpu.memory_space<vmem>>
        %dma_wait3A_1243 = tpu.memref_squeeze %dma_wait3A_1242 : memref<1x1280xf32, #tpu.memory_space<vmem>> -> memref<1280xf32, #tpu.memory_space<vmem>>
        tpu.wait_dma2 semaphore(%arg8 : memref<!tpu.dma_semaphore, #tpu.memory_space<semaphore_mem>>) src(%dma_wait3A_1243 : memref<1280xf32, #tpu.memory_space<vmem>>) dst(%dma_wait3A_1240 : memref<1280xf32, #tpu.memory_space<hbm>>)
        %dma_wait3A_1244 = arith.constant 0 : i32
        %dma_wait3A_1245 = arith.constant 0 : i32
        %dma_wait3A_1246 = arith.constant 0 : i32
        %dma_wait3A_1247 = tpu.memref_slice %arg5[%dma_wait3A_1244, %dma_wait3A_1246] : memref<33x1280xf32, #tpu.memory_space<vmem>> -> memref<1x1280xf32, #tpu.memory_space<vmem>>
        %dma_wait3A_1248 = tpu.memref_squeeze %dma_wait3A_1247 : memref<1x1280xf32, #tpu.memory_space<vmem>> -> memref<1280xf32, #tpu.memory_space<vmem>>
        %dma_wait3A_1249 = arith.constant 0 : i32
        %dma_wait3A_1250 = tpu.memref_slice %arg4[%dma_wait3A_1245, %dma_wait3A_1249] : memref<8192x1280xf32, #tpu.memory_space<hbm>> -> memref<1x1280xf32, #tpu.memory_space<hbm>>
        %dma_wait3A_1251 = tpu.memref_squeeze %dma_wait3A_1250 : memref<1x1280xf32, #tpu.memory_space<hbm>> -> memref<1280xf32, #tpu.memory_space<hbm>>
        %dma_wait3A_1252 = arith.constant 0 : i32
        %dma_wait3A_1253 = tpu.memref_slice %arg4[%dma_wait3A_1245, %dma_wait3A_1252] : memref<8192x1280xf32, #tpu.memory_space<hbm>> -> memref<1x1280xf32, #tpu.memory_space<hbm>>
        %dma_wait3A_1254 = tpu.memref_squeeze %dma_wait3A_1253 : memref<1x1280xf32, #tpu.memory_space<hbm>> -> memref<1280xf32, #tpu.memory_space<hbm>>
        %dma_wait3A_1255 = arith.constant 0 : i32
        %dma_wait3A_1256 = tpu.memref_slice %arg5[%dma_wait3A_1244, %dma_wait3A_1255] : memref<33x1280xf32, #tpu.memory_space<vmem>> -> memref<1x1280xf32, #tpu.memory_space<vmem>>
        %dma_wait3A_1257 = tpu.memref_squeeze %dma_wait3A_1256 : memref<1x1280xf32, #tpu.memory_space<vmem>> -> memref<1280xf32, #tpu.memory_space<vmem>>
        tpu.wait_dma2 semaphore(%arg8 : memref<!tpu.dma_semaphore, #tpu.memory_space<semaphore_mem>>) src(%dma_wait3A_1257 : memref<1280xf32, #tpu.memory_space<vmem>>) dst(%dma_wait3A_1254 : memref<1280xf32, #tpu.memory_space<hbm>>)
        %dma_wait3A_1258 = arith.constant 0 : i32
        %dma_wait3A_1259 = arith.constant 0 : i32
        %dma_wait3A_1260 = arith.constant 0 : i32
        %dma_wait3A_1261 = tpu.memref_slice %arg5[%dma_wait3A_1258, %dma_wait3A_1260] : memref<33x1280xf32, #tpu.memory_space<vmem>> -> memref<1x1280xf32, #tpu.memory_space<vmem>>
        %dma_wait3A_1262 = tpu.memref_squeeze %dma_wait3A_1261 : memref<1x1280xf32, #tpu.memory_space<vmem>> -> memref<1280xf32, #tpu.memory_space<vmem>>
        %dma_wait3A_1263 = arith.constant 0 : i32
        %dma_wait3A_1264 = tpu.memref_slice %arg4[%dma_wait3A_1259, %dma_wait3A_1263] : memref<8192x1280xf32, #tpu.memory_space<hbm>> -> memref<1x1280xf32, #tpu.memory_space<hbm>>
        %dma_wait3A_1265 = tpu.memref_squeeze %dma_wait3A_1264 : memref<1x1280xf32, #tpu.memory_space<hbm>> -> memref<1280xf32, #tpu.memory_space<hbm>>
        %dma_wait3A_1266 = arith.constant 0 : i32
        %dma_wait3A_1267 = tpu.memref_slice %arg4[%dma_wait3A_1259, %dma_wait3A_1266] : memref<8192x1280xf32, #tpu.memory_space<hbm>> -> memref<1x1280xf32, #tpu.memory_space<hbm>>
        %dma_wait3A_1268 = tpu.memref_squeeze %dma_wait3A_1267 : memref<1x1280xf32, #tpu.memory_space<hbm>> -> memref<1280xf32, #tpu.memory_space<hbm>>
        %dma_wait3A_1269 = arith.constant 0 : i32
        %dma_wait3A_1270 = tpu.memref_slice %arg5[%dma_wait3A_1258, %dma_wait3A_1269] : memref<33x1280xf32, #tpu.memory_space<vmem>> -> memref<1x1280xf32, #tpu.memory_space<vmem>>
        %dma_wait3A_1271 = tpu.memref_squeeze %dma_wait3A_1270 : memref<1x1280xf32, #tpu.memory_space<vmem>> -> memref<1280xf32, #tpu.memory_space<vmem>>
        tpu.wait_dma2 semaphore(%arg8 : memref<!tpu.dma_semaphore, #tpu.memory_space<semaphore_mem>>) src(%dma_wait3A_1271 : memref<1280xf32, #tpu.memory_space<vmem>>) dst(%dma_wait3A_1268 : memref<1280xf32, #tpu.memory_space<hbm>>)
        %dma_wait3A_1272 = arith.constant 0 : i32
        %dma_wait3A_1273 = arith.constant 0 : i32
        %dma_wait3A_1274 = arith.constant 0 : i32
        %dma_wait3A_1275 = tpu.memref_slice %arg5[%dma_wait3A_1272, %dma_wait3A_1274] : memref<33x1280xf32, #tpu.memory_space<vmem>> -> memref<1x1280xf32, #tpu.memory_space<vmem>>
        %dma_wait3A_1276 = tpu.memref_squeeze %dma_wait3A_1275 : memref<1x1280xf32, #tpu.memory_space<vmem>> -> memref<1280xf32, #tpu.memory_space<vmem>>
        %dma_wait3A_1277 = arith.constant 0 : i32
        %dma_wait3A_1278 = tpu.memref_slice %arg4[%dma_wait3A_1273, %dma_wait3A_1277] : memref<8192x1280xf32, #tpu.memory_space<hbm>> -> memref<1x1280xf32, #tpu.memory_space<hbm>>
        %dma_wait3A_1279 = tpu.memref_squeeze %dma_wait3A_1278 : memref<1x1280xf32, #tpu.memory_space<hbm>> -> memref<1280xf32, #tpu.memory_space<hbm>>
        %dma_wait3A_1280 = arith.constant 0 : i32
        %dma_wait3A_1281 = tpu.memref_slice %arg4[%dma_wait3A_1273, %dma_wait3A_1280] : memref<8192x1280xf32, #tpu.memory_space<hbm>> -> memref<1x1280xf32, #tpu.memory_space<hbm>>
        %dma_wait3A_1282 = tpu.memref_squeeze %dma_wait3A_1281 : memref<1x1280xf32, #tpu.memory_space<hbm>> -> memref<1280xf32, #tpu.memory_space<hbm>>
        %dma_wait3A_1283 = arith.constant 0 : i32
        %dma_wait3A_1284 = tpu.memref_slice %arg5[%dma_wait3A_1272, %dma_wait3A_1283] : memref<33x1280xf32, #tpu.memory_space<vmem>> -> memref<1x1280xf32, #tpu.memory_space<vmem>>
        %dma_wait3A_1285 = tpu.memref_squeeze %dma_wait3A_1284 : memref<1x1280xf32, #tpu.memory_space<vmem>> -> memref<1280xf32, #tpu.memory_space<vmem>>
        tpu.wait_dma2 semaphore(%arg8 : memref<!tpu.dma_semaphore, #tpu.memory_space<semaphore_mem>>) src(%dma_wait3A_1285 : memref<1280xf32, #tpu.memory_space<vmem>>) dst(%dma_wait3A_1282 : memref<1280xf32, #tpu.memory_space<hbm>>)
        %dma_wait3A_1286 = arith.constant 0 : i32
        %dma_wait3A_1287 = arith.constant 0 : i32
        %dma_wait3A_1288 = arith.constant 0 : i32
        %dma_wait3A_1289 = tpu.memref_slice %arg5[%dma_wait3A_1286, %dma_wait3A_1288] : memref<33x1280xf32, #tpu.memory_space<vmem>> -> memref<1x1280xf32, #tpu.memory_space<vmem>>
        %dma_wait3A_1290 = tpu.memref_squeeze %dma_wait3A_1289 : memref<1x1280xf32, #tpu.memory_space<vmem>> -> memref<1280xf32, #tpu.memory_space<vmem>>
        %dma_wait3A_1291 = arith.constant 0 : i32
        %dma_wait3A_1292 = tpu.memref_slice %arg4[%dma_wait3A_1287, %dma_wait3A_1291] : memref<8192x1280xf32, #tpu.memory_space<hbm>> -> memref<1x1280xf32, #tpu.memory_space<hbm>>
        %dma_wait3A_1293 = tpu.memref_squeeze %dma_wait3A_1292 : memref<1x1280xf32, #tpu.memory_space<hbm>> -> memref<1280xf32, #tpu.memory_space<hbm>>
        %dma_wait3A_1294 = arith.constant 0 : i32
        %dma_wait3A_1295 = tpu.memref_slice %arg4[%dma_wait3A_1287, %dma_wait3A_1294] : memref<8192x1280xf32, #tpu.memory_space<hbm>> -> memref<1x1280xf32, #tpu.memory_space<hbm>>
        %dma_wait3A_1296 = tpu.memref_squeeze %dma_wait3A_1295 : memref<1x1280xf32, #tpu.memory_space<hbm>> -> memref<1280xf32, #tpu.memory_space<hbm>>
        %dma_wait3A_1297 = arith.constant 0 : i32
        %dma_wait3A_1298 = tpu.memref_slice %arg5[%dma_wait3A_1286, %dma_wait3A_1297] : memref<33x1280xf32, #tpu.memory_space<vmem>> -> memref<1x1280xf32, #tpu.memory_space<vmem>>
        %dma_wait3A_1299 = tpu.memref_squeeze %dma_wait3A_1298 : memref<1x1280xf32, #tpu.memory_space<vmem>> -> memref<1280xf32, #tpu.memory_space<vmem>>
        tpu.wait_dma2 semaphore(%arg8 : memref<!tpu.dma_semaphore, #tpu.memory_space<semaphore_mem>>) src(%dma_wait3A_1299 : memref<1280xf32, #tpu.memory_space<vmem>>) dst(%dma_wait3A_1296 : memref<1280xf32, #tpu.memory_space<hbm>>)
        %dma_wait3A_1300 = arith.constant 0 : i32
        %dma_wait3A_1301 = arith.constant 0 : i32
        %dma_wait3A_1302 = arith.constant 0 : i32
        %dma_wait3A_1303 = tpu.memref_slice %arg5[%dma_wait3A_1300, %dma_wait3A_1302] : memref<33x1280xf32, #tpu.memory_space<vmem>> -> memref<1x1280xf32, #tpu.memory_space<vmem>>
        %dma_wait3A_1304 = tpu.memref_squeeze %dma_wait3A_1303 : memref<1x1280xf32, #tpu.memory_space<vmem>> -> memref<1280xf32, #tpu.memory_space<vmem>>
        %dma_wait3A_1305 = arith.constant 0 : i32
        %dma_wait3A_1306 = tpu.memref_slice %arg4[%dma_wait3A_1301, %dma_wait3A_1305] : memref<8192x1280xf32, #tpu.memory_space<hbm>> -> memref<1x1280xf32, #tpu.memory_space<hbm>>
        %dma_wait3A_1307 = tpu.memref_squeeze %dma_wait3A_1306 : memref<1x1280xf32, #tpu.memory_space<hbm>> -> memref<1280xf32, #tpu.memory_space<hbm>>
        %dma_wait3A_1308 = arith.constant 0 : i32
        %dma_wait3A_1309 = tpu.memref_slice %arg4[%dma_wait3A_1301, %dma_wait3A_1308] : memref<8192x1280xf32, #tpu.memory_space<hbm>> -> memref<1x1280xf32, #tpu.memory_space<hbm>>
        %dma_wait3A_1310 = tpu.memref_squeeze %dma_wait3A_1309 : memref<1x1280xf32, #tpu.memory_space<hbm>> -> memref<1280xf32, #tpu.memory_space<hbm>>
        %dma_wait3A_1311 = arith.constant 0 : i32
        %dma_wait3A_1312 = tpu.memref_slice %arg5[%dma_wait3A_1300, %dma_wait3A_1311] : memref<33x1280xf32, #tpu.memory_space<vmem>> -> memref<1x1280xf32, #tpu.memory_space<vmem>>
        %dma_wait3A_1313 = tpu.memref_squeeze %dma_wait3A_1312 : memref<1x1280xf32, #tpu.memory_space<vmem>> -> memref<1280xf32, #tpu.memory_space<vmem>>
        tpu.wait_dma2 semaphore(%arg8 : memref<!tpu.dma_semaphore, #tpu.memory_space<semaphore_mem>>) src(%dma_wait3A_1313 : memref<1280xf32, #tpu.memory_space<vmem>>) dst(%dma_wait3A_1310 : memref<1280xf32, #tpu.memory_space<hbm>>)
        %dma_wait3A_1314 = arith.constant 0 : i32
        %dma_wait3A_1315 = arith.constant 0 : i32
        %dma_wait3A_1316 = arith.constant 0 : i32
        %dma_wait3A_1317 = tpu.memref_slice %arg5[%dma_wait3A_1314, %dma_wait3A_1316] : memref<33x1280xf32, #tpu.memory_space<vmem>> -> memref<1x1280xf32, #tpu.memory_space<vmem>>
        %dma_wait3A_1318 = tpu.memref_squeeze %dma_wait3A_1317 : memref<1x1280xf32, #tpu.memory_space<vmem>> -> memref<1280xf32, #tpu.memory_space<vmem>>
        %dma_wait3A_1319 = arith.constant 0 : i32
        %dma_wait3A_1320 = tpu.memref_slice %arg4[%dma_wait3A_1315, %dma_wait3A_1319] : memref<8192x1280xf32, #tpu.memory_space<hbm>> -> memref<1x1280xf32, #tpu.memory_space<hbm>>
        %dma_wait3A_1321 = tpu.memref_squeeze %dma_wait3A_1320 : memref<1x1280xf32, #tpu.memory_space<hbm>> -> memref<1280xf32, #tpu.memory_space<hbm>>
        %dma_wait3A_1322 = arith.constant 0 : i32
        %dma_wait3A_1323 = tpu.memref_slice %arg4[%dma_wait3A_1315, %dma_wait3A_1322] : memref<8192x1280xf32, #tpu.memory_space<hbm>> -> memref<1x1280xf32, #tpu.memory_space<hbm>>
        %dma_wait3A_1324 = tpu.memref_squeeze %dma_wait3A_1323 : memref<1x1280xf32, #tpu.memory_space<hbm>> -> memref<1280xf32, #tpu.memory_space<hbm>>
        %dma_wait3A_1325 = arith.constant 0 : i32
        %dma_wait3A_1326 = tpu.memref_slice %arg5[%dma_wait3A_1314, %dma_wait3A_1325] : memref<33x1280xf32, #tpu.memory_space<vmem>> -> memref<1x1280xf32, #tpu.memory_space<vmem>>
        %dma_wait3A_1327 = tpu.memref_squeeze %dma_wait3A_1326 : memref<1x1280xf32, #tpu.memory_space<vmem>> -> memref<1280xf32, #tpu.memory_space<vmem>>
        tpu.wait_dma2 semaphore(%arg8 : memref<!tpu.dma_semaphore, #tpu.memory_space<semaphore_mem>>) src(%dma_wait3A_1327 : memref<1280xf32, #tpu.memory_space<vmem>>) dst(%dma_wait3A_1324 : memref<1280xf32, #tpu.memory_space<hbm>>)
        %dma_wait3A_1328 = arith.constant 0 : i32
        %dma_wait3A_1329 = arith.constant 0 : i32
        %dma_wait3A_1330 = arith.constant 0 : i32
        %dma_wait3A_1331 = tpu.memref_slice %arg5[%dma_wait3A_1328, %dma_wait3A_1330] : memref<33x1280xf32, #tpu.memory_space<vmem>> -> memref<1x1280xf32, #tpu.memory_space<vmem>>
        %dma_wait3A_1332 = tpu.memref_squeeze %dma_wait3A_1331 : memref<1x1280xf32, #tpu.memory_space<vmem>> -> memref<1280xf32, #tpu.memory_space<vmem>>
        %dma_wait3A_1333 = arith.constant 0 : i32
        %dma_wait3A_1334 = tpu.memref_slice %arg4[%dma_wait3A_1329, %dma_wait3A_1333] : memref<8192x1280xf32, #tpu.memory_space<hbm>> -> memref<1x1280xf32, #tpu.memory_space<hbm>>
        %dma_wait3A_1335 = tpu.memref_squeeze %dma_wait3A_1334 : memref<1x1280xf32, #tpu.memory_space<hbm>> -> memref<1280xf32, #tpu.memory_space<hbm>>
        %dma_wait3A_1336 = arith.constant 0 : i32
        %dma_wait3A_1337 = tpu.memref_slice %arg4[%dma_wait3A_1329, %dma_wait3A_1336] : memref<8192x1280xf32, #tpu.memory_space<hbm>> -> memref<1x1280xf32, #tpu.memory_space<hbm>>
        %dma_wait3A_1338 = tpu.memref_squeeze %dma_wait3A_1337 : memref<1x1280xf32, #tpu.memory_space<hbm>> -> memref<1280xf32, #tpu.memory_space<hbm>>
        %dma_wait3A_1339 = arith.constant 0 : i32
        %dma_wait3A_1340 = tpu.memref_slice %arg5[%dma_wait3A_1328, %dma_wait3A_1339] : memref<33x1280xf32, #tpu.memory_space<vmem>> -> memref<1x1280xf32, #tpu.memory_space<vmem>>
        %dma_wait3A_1341 = tpu.memref_squeeze %dma_wait3A_1340 : memref<1x1280xf32, #tpu.memory_space<vmem>> -> memref<1280xf32, #tpu.memory_space<vmem>>
        tpu.wait_dma2 semaphore(%arg8 : memref<!tpu.dma_semaphore, #tpu.memory_space<semaphore_mem>>) src(%dma_wait3A_1341 : memref<1280xf32, #tpu.memory_space<vmem>>) dst(%dma_wait3A_1338 : memref<1280xf32, #tpu.memory_space<hbm>>)
      } else {
      }
      %mul3A_804 = arith.constant 2 : i32
      %mul3A_805 = arith.muli %mul3A_804, %scan3A_488 : i32
      %add3A_806 = arith.constant 1 : i32
      %add3A_807 = arith.addi %mul3A_805, %add3A_806 : i32
      %mul3A_808 = arith.constant 16 : i32
      %mul3A_809 = arith.muli %add3A_807, %mul3A_808 : i32
      %get3A_810 = arith.index_cast %mul3A_809 : i32 to index
      %get3A_811 = tpu.vector_load %arg6[%get3A_810] {strides = array<i32>} : memref<256xi32, #tpu.memory_space<vmem>>, vector<16xi32>,
      %get3A_812 = vector.shape_cast %get3A_811 : vector<16xi32> to vector<16xi32>
      %slice3A_813 = vector.extract_strided_slice %get3A_812 {offsets = [0], sizes = [1], strides = [1]} : vector<16xi32> to vector<1xi32>
      %squeeze3A_814 = vector.extract %slice3A_813[0] : i32 from vector<1xi32>
      %mul3A_815 = arith.constant 16 : i32
      %mul3A_816 = arith.muli %add3A_807, %mul3A_815 : i32
      %add3A_817 = arith.addi %mul3A_2, %mul3A_816 : i32
      %add3A_818 = arith.constant 0 : i32
      %add3A_819 = arith.addi %add3A_817, %add3A_818 : i32
      %dma_start3A_820 = arith.constant 0 : i32
      %dma_start3A_821 = tpu.memref_slice %arg5[%squeeze3A_814, %dma_start3A_820] : memref<33x1280xf32, #tpu.memory_space<vmem>> -> memref<1x1280xf32, #tpu.memory_space<vmem>>
      %dma_start3A_822 = tpu.memref_squeeze %dma_start3A_821 : memref<1x1280xf32, #tpu.memory_space<vmem>> -> memref<1280xf32, #tpu.memory_space<vmem>>
      %dma_start3A_823 = arith.constant 0 : i32
      %dma_start3A_824 = tpu.memref_slice %arg4[%add3A_819, %dma_start3A_823] : memref<8192x1280xf32, #tpu.memory_space<hbm>> -> memref<1x1280xf32, #tpu.memory_space<hbm>>
      %dma_start3A_825 = tpu.memref_squeeze %dma_start3A_824 : memref<1x1280xf32, #tpu.memory_space<hbm>> -> memref<1280xf32, #tpu.memory_space<hbm>>
      %dma_start3A_826 = arith.constant 0 : i32
      %dma_start3A_827 = tpu.memref_slice %arg4[%add3A_819, %dma_start3A_826] : memref<8192x1280xf32, #tpu.memory_space<hbm>> -> memref<1x1280xf32, #tpu.memory_space<hbm>>
      %dma_start3A_828 = tpu.memref_squeeze %dma_start3A_827 : memref<1x1280xf32, #tpu.memory_space<hbm>> -> memref<1280xf32, #tpu.memory_space<hbm>>
      %dma_start3A_829 = arith.constant 0 : i32
      %dma_start3A_830 = tpu.memref_slice %arg5[%squeeze3A_814, %dma_start3A_829] : memref<33x1280xf32, #tpu.memory_space<vmem>> -> memref<1x1280xf32, #tpu.memory_space<vmem>>
      %dma_start3A_831 = tpu.memref_squeeze %dma_start3A_830 : memref<1x1280xf32, #tpu.memory_space<vmem>> -> memref<1280xf32, #tpu.memory_space<vmem>>
      tpu.enqueue_dma source(%dma_start3A_831 : memref<1280xf32, #tpu.memory_space<vmem>>) target(%dma_start3A_828 : memref<1280xf32, #tpu.memory_space<hbm>>) target_semaphore(%arg8 : memref<!tpu.dma_semaphore, #tpu.memory_space<semaphore_mem>>)
      %slice3A_832 = vector.extract_strided_slice %get3A_812 {offsets = [1], sizes = [1], strides = [1]} : vector<16xi32> to vector<1xi32>
      %squeeze3A_833 = vector.extract %slice3A_832[0] : i32 from vector<1xi32>
      %mul3A_834 = arith.constant 16 : i32
      %mul3A_835 = arith.muli %add3A_807, %mul3A_834 : i32
      %add3A_836 = arith.addi %mul3A_2, %mul3A_835 : i32
      %add3A_837 = arith.constant 1 : i32
      %add3A_838 = arith.addi %add3A_836, %add3A_837 : i32
      %dma_start3A_839 = arith.constant 0 : i32
      %dma_start3A_840 = tpu.memref_slice %arg5[%squeeze3A_833, %dma_start3A_839] : memref<33x1280xf32, #tpu.memory_space<vmem>> -> memref<1x1280xf32, #tpu.memory_space<vmem>>
      %dma_start3A_841 = tpu.memref_squeeze %dma_start3A_840 : memref<1x1280xf32, #tpu.memory_space<vmem>> -> memref<1280xf32, #tpu.memory_space<vmem>>
      %dma_start3A_842 = arith.constant 0 : i32
      %dma_start3A_843 = tpu.memref_slice %arg4[%add3A_838, %dma_start3A_842] : memref<8192x1280xf32, #tpu.memory_space<hbm>> -> memref<1x1280xf32, #tpu.memory_space<hbm>>
      %dma_start3A_844 = tpu.memref_squeeze %dma_start3A_843 : memref<1x1280xf32, #tpu.memory_space<hbm>> -> memref<1280xf32, #tpu.memory_space<hbm>>
      %dma_start3A_845 = arith.constant 0 : i32
      %dma_start3A_846 = tpu.memref_slice %arg4[%add3A_838, %dma_start3A_845] : memref<8192x1280xf32, #tpu.memory_space<hbm>> -> memref<1x1280xf32, #tpu.memory_space<hbm>>
      %dma_start3A_847 = tpu.memref_squeeze %dma_start3A_846 : memref<1x1280xf32, #tpu.memory_space<hbm>> -> memref<1280xf32, #tpu.memory_space<hbm>>
      %dma_start3A_848 = arith.constant 0 : i32
      %dma_start3A_849 = tpu.memref_slice %arg5[%squeeze3A_833, %dma_start3A_848] : memref<33x1280xf32, #tpu.memory_space<vmem>> -> memref<1x1280xf32, #tpu.memory_space<vmem>>
      %dma_start3A_850 = tpu.memref_squeeze %dma_start3A_849 : memref<1x1280xf32, #tpu.memory_space<vmem>> -> memref<1280xf32, #tpu.memory_space<vmem>>
      tpu.enqueue_dma source(%dma_start3A_850 : memref<1280xf32, #tpu.memory_space<vmem>>) target(%dma_start3A_847 : memref<1280xf32, #tpu.memory_space<hbm>>) target_semaphore(%arg8 : memref<!tpu.dma_semaphore, #tpu.memory_space<semaphore_mem>>)
      %slice3A_851 = vector.extract_strided_slice %get3A_812 {offsets = [2], sizes = [1], strides = [1]} : vector<16xi32> to vector<1xi32>
      %squeeze3A_852 = vector.extract %slice3A_851[0] : i32 from vector<1xi32>
      %mul3A_853 = arith.constant 16 : i32
      %mul3A_854 = arith.muli %add3A_807, %mul3A_853 : i32
      %add3A_855 = arith.addi %mul3A_2, %mul3A_854 : i32
      %add3A_856 = arith.constant 2 : i32
      %add3A_857 = arith.addi %add3A_855, %add3A_856 : i32
      %dma_start3A_858 = arith.constant 0 : i32
      %dma_start3A_859 = tpu.memref_slice %arg5[%squeeze3A_852, %dma_start3A_858] : memref<33x1280xf32, #tpu.memory_space<vmem>> -> memref<1x1280xf32, #tpu.memory_space<vmem>>
      %dma_start3A_860 = tpu.memref_squeeze %dma_start3A_859 : memref<1x1280xf32, #tpu.memory_space<vmem>> -> memref<1280xf32, #tpu.memory_space<vmem>>
      %dma_start3A_861 = arith.constant 0 : i32
      %dma_start3A_862 = tpu.memref_slice %arg4[%add3A_857, %dma_start3A_861] : memref<8192x1280xf32, #tpu.memory_space<hbm>> -> memref<1x1280xf32, #tpu.memory_space<hbm>>
      %dma_start3A_863 = tpu.memref_squeeze %dma_start3A_862 : memref<1x1280xf32, #tpu.memory_space<hbm>> -> memref<1280xf32, #tpu.memory_space<hbm>>
      %dma_start3A_864 = arith.constant 0 : i32
      %dma_start3A_865 = tpu.memref_slice %arg4[%add3A_857, %dma_start3A_864] : memref<8192x1280xf32, #tpu.memory_space<hbm>> -> memref<1x1280xf32, #tpu.memory_space<hbm>>
      %dma_start3A_866 = tpu.memref_squeeze %dma_start3A_865 : memref<1x1280xf32, #tpu.memory_space<hbm>> -> memref<1280xf32, #tpu.memory_space<hbm>>
      %dma_start3A_867 = arith.constant 0 : i32
      %dma_start3A_868 = tpu.memref_slice %arg5[%squeeze3A_852, %dma_start3A_867] : memref<33x1280xf32, #tpu.memory_space<vmem>> -> memref<1x1280xf32, #tpu.memory_space<vmem>>
      %dma_start3A_869 = tpu.memref_squeeze %dma_start3A_868 : memref<1x1280xf32, #tpu.memory_space<vmem>> -> memref<1280xf32, #tpu.memory_space<vmem>>
      tpu.enqueue_dma source(%dma_start3A_869 : memref<1280xf32, #tpu.memory_space<vmem>>) target(%dma_start3A_866 : memref<1280xf32, #tpu.memory_space<hbm>>) target_semaphore(%arg8 : memref<!tpu.dma_semaphore, #tpu.memory_space<semaphore_mem>>)
      %slice3A_870 = vector.extract_strided_slice %get3A_812 {offsets = [3], sizes = [1], strides = [1]} : vector<16xi32> to vector<1xi32>
      %squeeze3A_871 = vector.extract %slice3A_870[0] : i32 from vector<1xi32>
      %mul3A_872 = arith.constant 16 : i32
      %mul3A_873 = arith.muli %add3A_807, %mul3A_872 : i32
      %add3A_874 = arith.addi %mul3A_2, %mul3A_873 : i32
      %add3A_875 = arith.constant 3 : i32
      %add3A_876 = arith.addi %add3A_874, %add3A_875 : i32
      %dma_start3A_877 = arith.constant 0 : i32
      %dma_start3A_878 = tpu.memref_slice %arg5[%squeeze3A_871, %dma_start3A_877] : memref<33x1280xf32, #tpu.memory_space<vmem>> -> memref<1x1280xf32, #tpu.memory_space<vmem>>
      %dma_start3A_879 = tpu.memref_squeeze %dma_start3A_878 : memref<1x1280xf32, #tpu.memory_space<vmem>> -> memref<1280xf32, #tpu.memory_space<vmem>>
      %dma_start3A_880 = arith.constant 0 : i32
      %dma_start3A_881 = tpu.memref_slice %arg4[%add3A_876, %dma_start3A_880] : memref<8192x1280xf32, #tpu.memory_space<hbm>> -> memref<1x1280xf32, #tpu.memory_space<hbm>>
      %dma_start3A_882 = tpu.memref_squeeze %dma_start3A_881 : memref<1x1280xf32, #tpu.memory_space<hbm>> -> memref<1280xf32, #tpu.memory_space<hbm>>
      %dma_start3A_883 = arith.constant 0 : i32
      %dma_start3A_884 = tpu.memref_slice %arg4[%add3A_876, %dma_start3A_883] : memref<8192x1280xf32, #tpu.memory_space<hbm>> -> memref<1x1280xf32, #tpu.memory_space<hbm>>
      %dma_start3A_885 = tpu.memref_squeeze %dma_start3A_884 : memref<1x1280xf32, #tpu.memory_space<hbm>> -> memref<1280xf32, #tpu.memory_space<hbm>>
      %dma_start3A_886 = arith.constant 0 : i32
      %dma_start3A_887 = tpu.memref_slice %arg5[%squeeze3A_871, %dma_start3A_886] : memref<33x1280xf32, #tpu.memory_space<vmem>> -> memref<1x1280xf32, #tpu.memory_space<vmem>>
      %dma_start3A_888 = tpu.memref_squeeze %dma_start3A_887 : memref<1x1280xf32, #tpu.memory_space<vmem>> -> memref<1280xf32, #tpu.memory_space<vmem>>
      tpu.enqueue_dma source(%dma_start3A_888 : memref<1280xf32, #tpu.memory_space<vmem>>) target(%dma_start3A_885 : memref<1280xf32, #tpu.memory_space<hbm>>) target_semaphore(%arg8 : memref<!tpu.dma_semaphore, #tpu.memory_space<semaphore_mem>>)
      %slice3A_889 = vector.extract_strided_slice %get3A_812 {offsets = [4], sizes = [1], strides = [1]} : vector<16xi32> to vector<1xi32>
      %squeeze3A_890 = vector.extract %slice3A_889[0] : i32 from vector<1xi32>
      %mul3A_891 = arith.constant 16 : i32
      %mul3A_892 = arith.muli %add3A_807, %mul3A_891 : i32
      %add3A_893 = arith.addi %mul3A_2, %mul3A_892 : i32
      %add3A_894 = arith.constant 4 : i32
      %add3A_895 = arith.addi %add3A_893, %add3A_894 : i32
      %dma_start3A_896 = arith.constant 0 : i32
      %dma_start3A_897 = tpu.memref_slice %arg5[%squeeze3A_890, %dma_start3A_896] : memref<33x1280xf32, #tpu.memory_space<vmem>> -> memref<1x1280xf32, #tpu.memory_space<vmem>>
      %dma_start3A_898 = tpu.memref_squeeze %dma_start3A_897 : memref<1x1280xf32, #tpu.memory_space<vmem>> -> memref<1280xf32, #tpu.memory_space<vmem>>
      %dma_start3A_899 = arith.constant 0 : i32
      %dma_start3A_900 = tpu.memref_slice %arg4[%add3A_895, %dma_start3A_899] : memref<8192x1280xf32, #tpu.memory_space<hbm>> -> memref<1x1280xf32, #tpu.memory_space<hbm>>
      %dma_start3A_901 = tpu.memref_squeeze %dma_start3A_900 : memref<1x1280xf32, #tpu.memory_space<hbm>> -> memref<1280xf32, #tpu.memory_space<hbm>>
      %dma_start3A_902 = arith.constant 0 : i32
      %dma_start3A_903 = tpu.memref_slice %arg4[%add3A_895, %dma_start3A_902] : memref<8192x1280xf32, #tpu.memory_space<hbm>> -> memref<1x1280xf32, #tpu.memory_space<hbm>>
      %dma_start3A_904 = tpu.memref_squeeze %dma_start3A_903 : memref<1x1280xf32, #tpu.memory_space<hbm>> -> memref<1280xf32, #tpu.memory_space<hbm>>
      %dma_start3A_905 = arith.constant 0 : i32
      %dma_start3A_906 = tpu.memref_slice %arg5[%squeeze3A_890, %dma_start3A_905] : memref<33x1280xf32, #tpu.memory_space<vmem>> -> memref<1x1280xf32, #tpu.memory_space<vmem>>
      %dma_start3A_907 = tpu.memref_squeeze %dma_start3A_906 : memref<1x1280xf32, #tpu.memory_space<vmem>> -> memref<1280xf32, #tpu.memory_space<vmem>>
      tpu.enqueue_dma source(%dma_start3A_907 : memref<1280xf32, #tpu.memory_space<vmem>>) target(%dma_start3A_904 : memref<1280xf32, #tpu.memory_space<hbm>>) target_semaphore(%arg8 : memref<!tpu.dma_semaphore, #tpu.memory_space<semaphore_mem>>)
      %slice3A_908 = vector.extract_strided_slice %get3A_812 {offsets = [5], sizes = [1], strides = [1]} : vector<16xi32> to vector<1xi32>
      %squeeze3A_909 = vector.extract %slice3A_908[0] : i32 from vector<1xi32>
      %mul3A_910 = arith.constant 16 : i32
      %mul3A_911 = arith.muli %add3A_807, %mul3A_910 : i32
      %add3A_912 = arith.addi %mul3A_2, %mul3A_911 : i32
      %add3A_913 = arith.constant 5 : i32
      %add3A_914 = arith.addi %add3A_912, %add3A_913 : i32
      %dma_start3A_915 = arith.constant 0 : i32
      %dma_start3A_916 = tpu.memref_slice %arg5[%squeeze3A_909, %dma_start3A_915] : memref<33x1280xf32, #tpu.memory_space<vmem>> -> memref<1x1280xf32, #tpu.memory_space<vmem>>
      %dma_start3A_917 = tpu.memref_squeeze %dma_start3A_916 : memref<1x1280xf32, #tpu.memory_space<vmem>> -> memref<1280xf32, #tpu.memory_space<vmem>>
      %dma_start3A_918 = arith.constant 0 : i32
      %dma_start3A_919 = tpu.memref_slice %arg4[%add3A_914, %dma_start3A_918] : memref<8192x1280xf32, #tpu.memory_space<hbm>> -> memref<1x1280xf32, #tpu.memory_space<hbm>>
      %dma_start3A_920 = tpu.memref_squeeze %dma_start3A_919 : memref<1x1280xf32, #tpu.memory_space<hbm>> -> memref<1280xf32, #tpu.memory_space<hbm>>
      %dma_start3A_921 = arith.constant 0 : i32
      %dma_start3A_922 = tpu.memref_slice %arg4[%add3A_914, %dma_start3A_921] : memref<8192x1280xf32, #tpu.memory_space<hbm>> -> memref<1x1280xf32, #tpu.memory_space<hbm>>
      %dma_start3A_923 = tpu.memref_squeeze %dma_start3A_922 : memref<1x1280xf32, #tpu.memory_space<hbm>> -> memref<1280xf32, #tpu.memory_space<hbm>>
      %dma_start3A_924 = arith.constant 0 : i32
      %dma_start3A_925 = tpu.memref_slice %arg5[%squeeze3A_909, %dma_start3A_924] : memref<33x1280xf32, #tpu.memory_space<vmem>> -> memref<1x1280xf32, #tpu.memory_space<vmem>>
      %dma_start3A_926 = tpu.memref_squeeze %dma_start3A_925 : memref<1x1280xf32, #tpu.memory_space<vmem>> -> memref<1280xf32, #tpu.memory_space<vmem>>
      tpu.enqueue_dma source(%dma_start3A_926 : memref<1280xf32, #tpu.memory_space<vmem>>) target(%dma_start3A_923 : memref<1280xf32, #tpu.memory_space<hbm>>) target_semaphore(%arg8 : memref<!tpu.dma_semaphore, #tpu.memory_space<semaphore_mem>>)
      %slice3A_927 = vector.extract_strided_slice %get3A_812 {offsets = [6], sizes = [1], strides = [1]} : vector<16xi32> to vector<1xi32>
      %squeeze3A_928 = vector.extract %slice3A_927[0] : i32 from vector<1xi32>
      %mul3A_929 = arith.constant 16 : i32
      %mul3A_930 = arith.muli %add3A_807, %mul3A_929 : i32
      %add3A_931 = arith.addi %mul3A_2, %mul3A_930 : i32
      %add3A_932 = arith.constant 6 : i32
      %add3A_933 = arith.addi %add3A_931, %add3A_932 : i32
      %dma_start3A_934 = arith.constant 0 : i32
      %dma_start3A_935 = tpu.memref_slice %arg5[%squeeze3A_928, %dma_start3A_934] : memref<33x1280xf32, #tpu.memory_space<vmem>> -> memref<1x1280xf32, #tpu.memory_space<vmem>>
      %dma_start3A_936 = tpu.memref_squeeze %dma_start3A_935 : memref<1x1280xf32, #tpu.memory_space<vmem>> -> memref<1280xf32, #tpu.memory_space<vmem>>
      %dma_start3A_937 = arith.constant 0 : i32
      %dma_start3A_938 = tpu.memref_slice %arg4[%add3A_933, %dma_start3A_937] : memref<8192x1280xf32, #tpu.memory_space<hbm>> -> memref<1x1280xf32, #tpu.memory_space<hbm>>
      %dma_start3A_939 = tpu.memref_squeeze %dma_start3A_938 : memref<1x1280xf32, #tpu.memory_space<hbm>> -> memref<1280xf32, #tpu.memory_space<hbm>>
      %dma_start3A_940 = arith.constant 0 : i32
      %dma_start3A_941 = tpu.memref_slice %arg4[%add3A_933, %dma_start3A_940] : memref<8192x1280xf32, #tpu.memory_space<hbm>> -> memref<1x1280xf32, #tpu.memory_space<hbm>>
      %dma_start3A_942 = tpu.memref_squeeze %dma_start3A_941 : memref<1x1280xf32, #tpu.memory_space<hbm>> -> memref<1280xf32, #tpu.memory_space<hbm>>
      %dma_start3A_943 = arith.constant 0 : i32
      %dma_start3A_944 = tpu.memref_slice %arg5[%squeeze3A_928, %dma_start3A_943] : memref<33x1280xf32, #tpu.memory_space<vmem>> -> memref<1x1280xf32, #tpu.memory_space<vmem>>
      %dma_start3A_945 = tpu.memref_squeeze %dma_start3A_944 : memref<1x1280xf32, #tpu.memory_space<vmem>> -> memref<1280xf32, #tpu.memory_space<vmem>>
      tpu.enqueue_dma source(%dma_start3A_945 : memref<1280xf32, #tpu.memory_space<vmem>>) target(%dma_start3A_942 : memref<1280xf32, #tpu.memory_space<hbm>>) target_semaphore(%arg8 : memref<!tpu.dma_semaphore, #tpu.memory_space<semaphore_mem>>)
      %slice3A_946 = vector.extract_strided_slice %get3A_812 {offsets = [7], sizes = [1], strides = [1]} : vector<16xi32> to vector<1xi32>
      %squeeze3A_947 = vector.extract %slice3A_946[0] : i32 from vector<1xi32>
      %mul3A_948 = arith.constant 16 : i32
      %mul3A_949 = arith.muli %add3A_807, %mul3A_948 : i32
      %add3A_950 = arith.addi %mul3A_2, %mul3A_949 : i32
      %add3A_951 = arith.constant 7 : i32
      %add3A_952 = arith.addi %add3A_950, %add3A_951 : i32
      %dma_start3A_953 = arith.constant 0 : i32
      %dma_start3A_954 = tpu.memref_slice %arg5[%squeeze3A_947, %dma_start3A_953] : memref<33x1280xf32, #tpu.memory_space<vmem>> -> memref<1x1280xf32, #tpu.memory_space<vmem>>
      %dma_start3A_955 = tpu.memref_squeeze %dma_start3A_954 : memref<1x1280xf32, #tpu.memory_space<vmem>> -> memref<1280xf32, #tpu.memory_space<vmem>>
      %dma_start3A_956 = arith.constant 0 : i32
      %dma_start3A_957 = tpu.memref_slice %arg4[%add3A_952, %dma_start3A_956] : memref<8192x1280xf32, #tpu.memory_space<hbm>> -> memref<1x1280xf32, #tpu.memory_space<hbm>>
      %dma_start3A_958 = tpu.memref_squeeze %dma_start3A_957 : memref<1x1280xf32, #tpu.memory_space<hbm>> -> memref<1280xf32, #tpu.memory_space<hbm>>
      %dma_start3A_959 = arith.constant 0 : i32
      %dma_start3A_960 = tpu.memref_slice %arg4[%add3A_952, %dma_start3A_959] : memref<8192x1280xf32, #tpu.memory_space<hbm>> -> memref<1x1280xf32, #tpu.memory_space<hbm>>
      %dma_start3A_961 = tpu.memref_squeeze %dma_start3A_960 : memref<1x1280xf32, #tpu.memory_space<hbm>> -> memref<1280xf32, #tpu.memory_space<hbm>>
      %dma_start3A_962 = arith.constant 0 : i32
      %dma_start3A_963 = tpu.memref_slice %arg5[%squeeze3A_947, %dma_start3A_962] : memref<33x1280xf32, #tpu.memory_space<vmem>> -> memref<1x1280xf32, #tpu.memory_space<vmem>>
      %dma_start3A_964 = tpu.memref_squeeze %dma_start3A_963 : memref<1x1280xf32, #tpu.memory_space<vmem>> -> memref<1280xf32, #tpu.memory_space<vmem>>
      tpu.enqueue_dma source(%dma_start3A_964 : memref<1280xf32, #tpu.memory_space<vmem>>) target(%dma_start3A_961 : memref<1280xf32, #tpu.memory_space<hbm>>) target_semaphore(%arg8 : memref<!tpu.dma_semaphore, #tpu.memory_space<semaphore_mem>>)
      %slice3A_965 = vector.extract_strided_slice %get3A_812 {offsets = [8], sizes = [1], strides = [1]} : vector<16xi32> to vector<1xi32>
      %squeeze3A_966 = vector.extract %slice3A_965[0] : i32 from vector<1xi32>
      %mul3A_967 = arith.constant 16 : i32
      %mul3A_968 = arith.muli %add3A_807, %mul3A_967 : i32
      %add3A_969 = arith.addi %mul3A_2, %mul3A_968 : i32
      %add3A_970 = arith.constant 8 : i32
      %add3A_971 = arith.addi %add3A_969, %add3A_970 : i32
      %dma_start3A_972 = arith.constant 0 : i32
      %dma_start3A_973 = tpu.memref_slice %arg5[%squeeze3A_966, %dma_start3A_972] : memref<33x1280xf32, #tpu.memory_space<vmem>> -> memref<1x1280xf32, #tpu.memory_space<vmem>>
      %dma_start3A_974 = tpu.memref_squeeze %dma_start3A_973 : memref<1x1280xf32, #tpu.memory_space<vmem>> -> memref<1280xf32, #tpu.memory_space<vmem>>
      %dma_start3A_975 = arith.constant 0 : i32
      %dma_start3A_976 = tpu.memref_slice %arg4[%add3A_971, %dma_start3A_975] : memref<8192x1280xf32, #tpu.memory_space<hbm>> -> memref<1x1280xf32, #tpu.memory_space<hbm>>
      %dma_start3A_977 = tpu.memref_squeeze %dma_start3A_976 : memref<1x1280xf32, #tpu.memory_space<hbm>> -> memref<1280xf32, #tpu.memory_space<hbm>>
      %dma_start3A_978 = arith.constant 0 : i32
      %dma_start3A_979 = tpu.memref_slice %arg4[%add3A_971, %dma_start3A_978] : memref<8192x1280xf32, #tpu.memory_space<hbm>> -> memref<1x1280xf32, #tpu.memory_space<hbm>>
      %dma_start3A_980 = tpu.memref_squeeze %dma_start3A_979 : memref<1x1280xf32, #tpu.memory_space<hbm>> -> memref<1280xf32, #tpu.memory_space<hbm>>
      %dma_start3A_981 = arith.constant 0 : i32
      %dma_start3A_982 = tpu.memref_slice %arg5[%squeeze3A_966, %dma_start3A_981] : memref<33x1280xf32, #tpu.memory_space<vmem>> -> memref<1x1280xf32, #tpu.memory_space<vmem>>
      %dma_start3A_983 = tpu.memref_squeeze %dma_start3A_982 : memref<1x1280xf32, #tpu.memory_space<vmem>> -> memref<1280xf32, #tpu.memory_space<vmem>>
      tpu.enqueue_dma source(%dma_start3A_983 : memref<1280xf32, #tpu.memory_space<vmem>>) target(%dma_start3A_980 : memref<1280xf32, #tpu.memory_space<hbm>>) target_semaphore(%arg8 : memref<!tpu.dma_semaphore, #tpu.memory_space<semaphore_mem>>)
      %slice3A_984 = vector.extract_strided_slice %get3A_812 {offsets = [9], sizes = [1], strides = [1]} : vector<16xi32> to vector<1xi32>
      %squeeze3A_985 = vector.extract %slice3A_984[0] : i32 from vector<1xi32>
      %mul3A_986 = arith.constant 16 : i32
      %mul3A_987 = arith.muli %add3A_807, %mul3A_986 : i32
      %add3A_988 = arith.addi %mul3A_2, %mul3A_987 : i32
      %add3A_989 = arith.constant 9 : i32
      %add3A_990 = arith.addi %add3A_988, %add3A_989 : i32
      %dma_start3A_991 = arith.constant 0 : i32
      %dma_start3A_992 = tpu.memref_slice %arg5[%squeeze3A_985, %dma_start3A_991] : memref<33x1280xf32, #tpu.memory_space<vmem>> -> memref<1x1280xf32, #tpu.memory_space<vmem>>
      %dma_start3A_993 = tpu.memref_squeeze %dma_start3A_992 : memref<1x1280xf32, #tpu.memory_space<vmem>> -> memref<1280xf32, #tpu.memory_space<vmem>>
      %dma_start3A_994 = arith.constant 0 : i32
      %dma_start3A_995 = tpu.memref_slice %arg4[%add3A_990, %dma_start3A_994] : memref<8192x1280xf32, #tpu.memory_space<hbm>> -> memref<1x1280xf32, #tpu.memory_space<hbm>>
      %dma_start3A_996 = tpu.memref_squeeze %dma_start3A_995 : memref<1x1280xf32, #tpu.memory_space<hbm>> -> memref<1280xf32, #tpu.memory_space<hbm>>
      %dma_start3A_997 = arith.constant 0 : i32
      %dma_start3A_998 = tpu.memref_slice %arg4[%add3A_990, %dma_start3A_997] : memref<8192x1280xf32, #tpu.memory_space<hbm>> -> memref<1x1280xf32, #tpu.memory_space<hbm>>
      %dma_start3A_999 = tpu.memref_squeeze %dma_start3A_998 : memref<1x1280xf32, #tpu.memory_space<hbm>> -> memref<1280xf32, #tpu.memory_space<hbm>>
      %dma_start3A_1000 = arith.constant 0 : i32
      %dma_start3A_1001 = tpu.memref_slice %arg5[%squeeze3A_985, %dma_start3A_1000] : memref<33x1280xf32, #tpu.memory_space<vmem>> -> memref<1x1280xf32, #tpu.memory_space<vmem>>
      %dma_start3A_1002 = tpu.memref_squeeze %dma_start3A_1001 : memref<1x1280xf32, #tpu.memory_space<vmem>> -> memref<1280xf32, #tpu.memory_space<vmem>>
      tpu.enqueue_dma source(%dma_start3A_1002 : memref<1280xf32, #tpu.memory_space<vmem>>) target(%dma_start3A_999 : memref<1280xf32, #tpu.memory_space<hbm>>) target_semaphore(%arg8 : memref<!tpu.dma_semaphore, #tpu.memory_space<semaphore_mem>>)
      %slice3A_1003 = vector.extract_strided_slice %get3A_812 {offsets = [10], sizes = [1], strides = [1]} : vector<16xi32> to vector<1xi32>
      %squeeze3A_1004 = vector.extract %slice3A_1003[0] : i32 from vector<1xi32>
      %mul3A_1005 = arith.constant 16 : i32
      %mul3A_1006 = arith.muli %add3A_807, %mul3A_1005 : i32
      %add3A_1007 = arith.addi %mul3A_2, %mul3A_1006 : i32
      %add3A_1008 = arith.constant 10 : i32
      %add3A_1009 = arith.addi %add3A_1007, %add3A_1008 : i32
      %dma_start3A_1010 = arith.constant 0 : i32
      %dma_start3A_1011 = tpu.memref_slice %arg5[%squeeze3A_1004, %dma_start3A_1010] : memref<33x1280xf32, #tpu.memory_space<vmem>> -> memref<1x1280xf32, #tpu.memory_space<vmem>>
      %dma_start3A_1012 = tpu.memref_squeeze %dma_start3A_1011 : memref<1x1280xf32, #tpu.memory_space<vmem>> -> memref<1280xf32, #tpu.memory_space<vmem>>
      %dma_start3A_1013 = arith.constant 0 : i32
      %dma_start3A_1014 = tpu.memref_slice %arg4[%add3A_1009, %dma_start3A_1013] : memref<8192x1280xf32, #tpu.memory_space<hbm>> -> memref<1x1280xf32, #tpu.memory_space<hbm>>
      %dma_start3A_1015 = tpu.memref_squeeze %dma_start3A_1014 : memref<1x1280xf32, #tpu.memory_space<hbm>> -> memref<1280xf32, #tpu.memory_space<hbm>>
      %dma_start3A_1016 = arith.constant 0 : i32
      %dma_start3A_1017 = tpu.memref_slice %arg4[%add3A_1009, %dma_start3A_1016] : memref<8192x1280xf32, #tpu.memory_space<hbm>> -> memref<1x1280xf32, #tpu.memory_space<hbm>>
      %dma_start3A_1018 = tpu.memref_squeeze %dma_start3A_1017 : memref<1x1280xf32, #tpu.memory_space<hbm>> -> memref<1280xf32, #tpu.memory_space<hbm>>
      %dma_start3A_1019 = arith.constant 0 : i32
      %dma_start3A_1020 = tpu.memref_slice %arg5[%squeeze3A_1004, %dma_start3A_1019] : memref<33x1280xf32, #tpu.memory_space<vmem>> -> memref<1x1280xf32, #tpu.memory_space<vmem>>
      %dma_start3A_1021 = tpu.memref_squeeze %dma_start3A_1020 : memref<1x1280xf32, #tpu.memory_space<vmem>> -> memref<1280xf32, #tpu.memory_space<vmem>>
      tpu.enqueue_dma source(%dma_start3A_1021 : memref<1280xf32, #tpu.memory_space<vmem>>) target(%dma_start3A_1018 : memref<1280xf32, #tpu.memory_space<hbm>>) target_semaphore(%arg8 : memref<!tpu.dma_semaphore, #tpu.memory_space<semaphore_mem>>)
      %slice3A_1022 = vector.extract_strided_slice %get3A_812 {offsets = [11], sizes = [1], strides = [1]} : vector<16xi32> to vector<1xi32>
      %squeeze3A_1023 = vector.extract %slice3A_1022[0] : i32 from vector<1xi32>
      %mul3A_1024 = arith.constant 16 : i32
      %mul3A_1025 = arith.muli %add3A_807, %mul3A_1024 : i32
      %add3A_1026 = arith.addi %mul3A_2, %mul3A_1025 : i32
      %add3A_1027 = arith.constant 11 : i32
      %add3A_1028 = arith.addi %add3A_1026, %add3A_1027 : i32
      %dma_start3A_1029 = arith.constant 0 : i32
      %dma_start3A_1030 = tpu.memref_slice %arg5[%squeeze3A_1023, %dma_start3A_1029] : memref<33x1280xf32, #tpu.memory_space<vmem>> -> memref<1x1280xf32, #tpu.memory_space<vmem>>
      %dma_start3A_1031 = tpu.memref_squeeze %dma_start3A_1030 : memref<1x1280xf32, #tpu.memory_space<vmem>> -> memref<1280xf32, #tpu.memory_space<vmem>>
      %dma_start3A_1032 = arith.constant 0 : i32
      %dma_start3A_1033 = tpu.memref_slice %arg4[%add3A_1028, %dma_start3A_1032] : memref<8192x1280xf32, #tpu.memory_space<hbm>> -> memref<1x1280xf32, #tpu.memory_space<hbm>>
      %dma_start3A_1034 = tpu.memref_squeeze %dma_start3A_1033 : memref<1x1280xf32, #tpu.memory_space<hbm>> -> memref<1280xf32, #tpu.memory_space<hbm>>
      %dma_start3A_1035 = arith.constant 0 : i32
      %dma_start3A_1036 = tpu.memref_slice %arg4[%add3A_1028, %dma_start3A_1035] : memref<8192x1280xf32, #tpu.memory_space<hbm>> -> memref<1x1280xf32, #tpu.memory_space<hbm>>
      %dma_start3A_1037 = tpu.memref_squeeze %dma_start3A_1036 : memref<1x1280xf32, #tpu.memory_space<hbm>> -> memref<1280xf32, #tpu.memory_space<hbm>>
      %dma_start3A_1038 = arith.constant 0 : i32
      %dma_start3A_1039 = tpu.memref_slice %arg5[%squeeze3A_1023, %dma_start3A_1038] : memref<33x1280xf32, #tpu.memory_space<vmem>> -> memref<1x1280xf32, #tpu.memory_space<vmem>>
      %dma_start3A_1040 = tpu.memref_squeeze %dma_start3A_1039 : memref<1x1280xf32, #tpu.memory_space<vmem>> -> memref<1280xf32, #tpu.memory_space<vmem>>
      tpu.enqueue_dma source(%dma_start3A_1040 : memref<1280xf32, #tpu.memory_space<vmem>>) target(%dma_start3A_1037 : memref<1280xf32, #tpu.memory_space<hbm>>) target_semaphore(%arg8 : memref<!tpu.dma_semaphore, #tpu.memory_space<semaphore_mem>>)
      %slice3A_1041 = vector.extract_strided_slice %get3A_812 {offsets = [12], sizes = [1], strides = [1]} : vector<16xi32> to vector<1xi32>
      %squeeze3A_1042 = vector.extract %slice3A_1041[0] : i32 from vector<1xi32>
      %mul3A_1043 = arith.constant 16 : i32
      %mul3A_1044 = arith.muli %add3A_807, %mul3A_1043 : i32
      %add3A_1045 = arith.addi %mul3A_2, %mul3A_1044 : i32
      %add3A_1046 = arith.constant 12 : i32
      %add3A_1047 = arith.addi %add3A_1045, %add3A_1046 : i32
      %dma_start3A_1048 = arith.constant 0 : i32
      %dma_start3A_1049 = tpu.memref_slice %arg5[%squeeze3A_1042, %dma_start3A_1048] : memref<33x1280xf32, #tpu.memory_space<vmem>> -> memref<1x1280xf32, #tpu.memory_space<vmem>>
      %dma_start3A_1050 = tpu.memref_squeeze %dma_start3A_1049 : memref<1x1280xf32, #tpu.memory_space<vmem>> -> memref<1280xf32, #tpu.memory_space<vmem>>
      %dma_start3A_1051 = arith.constant 0 : i32
      %dma_start3A_1052 = tpu.memref_slice %arg4[%add3A_1047, %dma_start3A_1051] : memref<8192x1280xf32, #tpu.memory_space<hbm>> -> memref<1x1280xf32, #tpu.memory_space<hbm>>
      %dma_start3A_1053 = tpu.memref_squeeze %dma_start3A_1052 : memref<1x1280xf32, #tpu.memory_space<hbm>> -> memref<1280xf32, #tpu.memory_space<hbm>>
      %dma_start3A_1054 = arith.constant 0 : i32
      %dma_start3A_1055 = tpu.memref_slice %arg4[%add3A_1047, %dma_start3A_1054] : memref<8192x1280xf32, #tpu.memory_space<hbm>> -> memref<1x1280xf32, #tpu.memory_space<hbm>>
      %dma_start3A_1056 = tpu.memref_squeeze %dma_start3A_1055 : memref<1x1280xf32, #tpu.memory_space<hbm>> -> memref<1280xf32, #tpu.memory_space<hbm>>
      %dma_start3A_1057 = arith.constant 0 : i32
      %dma_start3A_1058 = tpu.memref_slice %arg5[%squeeze3A_1042, %dma_start3A_1057] : memref<33x1280xf32, #tpu.memory_space<vmem>> -> memref<1x1280xf32, #tpu.memory_space<vmem>>
      %dma_start3A_1059 = tpu.memref_squeeze %dma_start3A_1058 : memref<1x1280xf32, #tpu.memory_space<vmem>> -> memref<1280xf32, #tpu.memory_space<vmem>>
      tpu.enqueue_dma source(%dma_start3A_1059 : memref<1280xf32, #tpu.memory_space<vmem>>) target(%dma_start3A_1056 : memref<1280xf32, #tpu.memory_space<hbm>>) target_semaphore(%arg8 : memref<!tpu.dma_semaphore, #tpu.memory_space<semaphore_mem>>)
      %slice3A_1060 = vector.extract_strided_slice %get3A_812 {offsets = [13], sizes = [1], strides = [1]} : vector<16xi32> to vector<1xi32>
      %squeeze3A_1061 = vector.extract %slice3A_1060[0] : i32 from vector<1xi32>
      %mul3A_1062 = arith.constant 16 : i32
      %mul3A_1063 = arith.muli %add3A_807, %mul3A_1062 : i32
      %add3A_1064 = arith.addi %mul3A_2, %mul3A_1063 : i32
      %add3A_1065 = arith.constant 13 : i32
      %add3A_1066 = arith.addi %add3A_1064, %add3A_1065 : i32
      %dma_start3A_1067 = arith.constant 0 : i32
      %dma_start3A_1068 = tpu.memref_slice %arg5[%squeeze3A_1061, %dma_start3A_1067] : memref<33x1280xf32, #tpu.memory_space<vmem>> -> memref<1x1280xf32, #tpu.memory_space<vmem>>
      %dma_start3A_1069 = tpu.memref_squeeze %dma_start3A_1068 : memref<1x1280xf32, #tpu.memory_space<vmem>> -> memref<1280xf32, #tpu.memory_space<vmem>>
      %dma_start3A_1070 = arith.constant 0 : i32
      %dma_start3A_1071 = tpu.memref_slice %arg4[%add3A_1066, %dma_start3A_1070] : memref<8192x1280xf32, #tpu.memory_space<hbm>> -> memref<1x1280xf32, #tpu.memory_space<hbm>>
      %dma_start3A_1072 = tpu.memref_squeeze %dma_start3A_1071 : memref<1x1280xf32, #tpu.memory_space<hbm>> -> memref<1280xf32, #tpu.memory_space<hbm>>
      %dma_start3A_1073 = arith.constant 0 : i32
      %dma_start3A_1074 = tpu.memref_slice %arg4[%add3A_1066, %dma_start3A_1073] : memref<8192x1280xf32, #tpu.memory_space<hbm>> -> memref<1x1280xf32, #tpu.memory_space<hbm>>
      %dma_start3A_1075 = tpu.memref_squeeze %dma_start3A_1074 : memref<1x1280xf32, #tpu.memory_space<hbm>> -> memref<1280xf32, #tpu.memory_space<hbm>>
      %dma_start3A_1076 = arith.constant 0 : i32
      %dma_start3A_1077 = tpu.memref_slice %arg5[%squeeze3A_1061, %dma_start3A_1076] : memref<33x1280xf32, #tpu.memory_space<vmem>> -> memref<1x1280xf32, #tpu.memory_space<vmem>>
      %dma_start3A_1078 = tpu.memref_squeeze %dma_start3A_1077 : memref<1x1280xf32, #tpu.memory_space<vmem>> -> memref<1280xf32, #tpu.memory_space<vmem>>
      tpu.enqueue_dma source(%dma_start3A_1078 : memref<1280xf32, #tpu.memory_space<vmem>>) target(%dma_start3A_1075 : memref<1280xf32, #tpu.memory_space<hbm>>) target_semaphore(%arg8 : memref<!tpu.dma_semaphore, #tpu.memory_space<semaphore_mem>>)
      %slice3A_1079 = vector.extract_strided_slice %get3A_812 {offsets = [14], sizes = [1], strides = [1]} : vector<16xi32> to vector<1xi32>
      %squeeze3A_1080 = vector.extract %slice3A_1079[0] : i32 from vector<1xi32>
      %mul3A_1081 = arith.constant 16 : i32
      %mul3A_1082 = arith.muli %add3A_807, %mul3A_1081 : i32
      %add3A_1083 = arith.addi %mul3A_2, %mul3A_1082 : i32
      %add3A_1084 = arith.constant 14 : i32
      %add3A_1085 = arith.addi %add3A_1083, %add3A_1084 : i32
      %dma_start3A_1086 = arith.constant 0 : i32
      %dma_start3A_1087 = tpu.memref_slice %arg5[%squeeze3A_1080, %dma_start3A_1086] : memref<33x1280xf32, #tpu.memory_space<vmem>> -> memref<1x1280xf32, #tpu.memory_space<vmem>>
      %dma_start3A_1088 = tpu.memref_squeeze %dma_start3A_1087 : memref<1x1280xf32, #tpu.memory_space<vmem>> -> memref<1280xf32, #tpu.memory_space<vmem>>
      %dma_start3A_1089 = arith.constant 0 : i32
      %dma_start3A_1090 = tpu.memref_slice %arg4[%add3A_1085, %dma_start3A_1089] : memref<8192x1280xf32, #tpu.memory_space<hbm>> -> memref<1x1280xf32, #tpu.memory_space<hbm>>
      %dma_start3A_1091 = tpu.memref_squeeze %dma_start3A_1090 : memref<1x1280xf32, #tpu.memory_space<hbm>> -> memref<1280xf32, #tpu.memory_space<hbm>>
      %dma_start3A_1092 = arith.constant 0 : i32
      %dma_start3A_1093 = tpu.memref_slice %arg4[%add3A_1085, %dma_start3A_1092] : memref<8192x1280xf32, #tpu.memory_space<hbm>> -> memref<1x1280xf32, #tpu.memory_space<hbm>>
      %dma_start3A_1094 = tpu.memref_squeeze %dma_start3A_1093 : memref<1x1280xf32, #tpu.memory_space<hbm>> -> memref<1280xf32, #tpu.memory_space<hbm>>
      %dma_start3A_1095 = arith.constant 0 : i32
      %dma_start3A_1096 = tpu.memref_slice %arg5[%squeeze3A_1080, %dma_start3A_1095] : memref<33x1280xf32, #tpu.memory_space<vmem>> -> memref<1x1280xf32, #tpu.memory_space<vmem>>
      %dma_start3A_1097 = tpu.memref_squeeze %dma_start3A_1096 : memref<1x1280xf32, #tpu.memory_space<vmem>> -> memref<1280xf32, #tpu.memory_space<vmem>>
      tpu.enqueue_dma source(%dma_start3A_1097 : memref<1280xf32, #tpu.memory_space<vmem>>) target(%dma_start3A_1094 : memref<1280xf32, #tpu.memory_space<hbm>>) target_semaphore(%arg8 : memref<!tpu.dma_semaphore, #tpu.memory_space<semaphore_mem>>)
      %slice3A_1098 = vector.extract_strided_slice %get3A_812 {offsets = [15], sizes = [1], strides = [1]} : vector<16xi32> to vector<1xi32>
      %squeeze3A_1099 = vector.extract %slice3A_1098[0] : i32 from vector<1xi32>
      %mul3A_1100 = arith.constant 16 : i32
      %mul3A_1101 = arith.muli %add3A_807, %mul3A_1100 : i32
      %add3A_1102 = arith.addi %mul3A_2, %mul3A_1101 : i32
      %add3A_1103 = arith.constant 15 : i32
      %add3A_1104 = arith.addi %add3A_1102, %add3A_1103 : i32
      %dma_start3A_1105 = arith.constant 0 : i32
      %dma_start3A_1106 = tpu.memref_slice %arg5[%squeeze3A_1099, %dma_start3A_1105] : memref<33x1280xf32, #tpu.memory_space<vmem>> -> memref<1x1280xf32, #tpu.memory_space<vmem>>
      %dma_start3A_1107 = tpu.memref_squeeze %dma_start3A_1106 : memref<1x1280xf32, #tpu.memory_space<vmem>> -> memref<1280xf32, #tpu.memory_space<vmem>>
      %dma_start3A_1108 = arith.constant 0 : i32
      %dma_start3A_1109 = tpu.memref_slice %arg4[%add3A_1104, %dma_start3A_1108] : memref<8192x1280xf32, #tpu.memory_space<hbm>> -> memref<1x1280xf32, #tpu.memory_space<hbm>>
      %dma_start3A_1110 = tpu.memref_squeeze %dma_start3A_1109 : memref<1x1280xf32, #tpu.memory_space<hbm>> -> memref<1280xf32, #tpu.memory_space<hbm>>
      %dma_start3A_1111 = arith.constant 0 : i32
      %dma_start3A_1112 = tpu.memref_slice %arg4[%add3A_1104, %dma_start3A_1111] : memref<8192x1280xf32, #tpu.memory_space<hbm>> -> memref<1x1280xf32, #tpu.memory_space<hbm>>
      %dma_start3A_1113 = tpu.memref_squeeze %dma_start3A_1112 : memref<1x1280xf32, #tpu.memory_space<hbm>> -> memref<1280xf32, #tpu.memory_space<hbm>>
      %dma_start3A_1114 = arith.constant 0 : i32
      %dma_start3A_1115 = tpu.memref_slice %arg5[%squeeze3A_1099, %dma_start3A_1114] : memref<33x1280xf32, #tpu.memory_space<vmem>> -> memref<1x1280xf32, #tpu.memory_space<vmem>>
      %dma_start3A_1116 = tpu.memref_squeeze %dma_start3A_1115 : memref<1x1280xf32, #tpu.memory_space<vmem>> -> memref<1280xf32, #tpu.memory_space<vmem>>
      tpu.enqueue_dma source(%dma_start3A_1116 : memref<1280xf32, #tpu.memory_space<vmem>>) target(%dma_start3A_1113 : memref<1280xf32, #tpu.memory_space<hbm>>) target_semaphore(%arg8 : memref<!tpu.dma_semaphore, #tpu.memory_space<semaphore_mem>>)
      %scan3A_1117 = arith.constant 0 : i32
      scf.yield %scan3A_1117 : i32
    }
    %scan3A_40 = arith.constant 8 : i32
    %dma_wait3A = arith.constant 0 : i32
    %dma_wait3A_41 = arith.constant 0 : i32
    %dma_wait3A_42 = arith.constant 0 : i32
    %dma_wait3A_43 = tpu.memref_slice %arg5[%dma_wait3A, %dma_wait3A_42] : memref<33x1280xf32, #tpu.memory_space<vmem>> -> memref<1x1280xf32, #tpu.memory_space<vmem>>
    %dma_wait3A_44 = tpu.memref_squeeze %dma_wait3A_43 : memref<1x1280xf32, #tpu.memory_space<vmem>> -> memref<1280xf32, #tpu.memory_space<vmem>>
    %dma_wait3A_45 = arith.constant 0 : i32
    %dma_wait3A_46 = tpu.memref_slice %arg4[%dma_wait3A_41, %dma_wait3A_45] : memref<8192x1280xf32, #tpu.memory_space<hbm>> -> memref<1x1280xf32, #tpu.memory_space<hbm>>
    %dma_wait3A_47 = tpu.memref_squeeze %dma_wait3A_46 : memref<1x1280xf32, #tpu.memory_space<hbm>> -> memref<1280xf32, #tpu.memory_space<hbm>>
    %dma_wait3A_48 = arith.constant 0 : i32
    %dma_wait3A_49 = tpu.memref_slice %arg4[%dma_wait3A_41, %dma_wait3A_48] : memref<8192x1280xf32, #tpu.memory_space<hbm>> -> memref<1x1280xf32, #tpu.memory_space<hbm>>
    %dma_wait3A_50 = tpu.memref_squeeze %dma_wait3A_49 : memref<1x1280xf32, #tpu.memory_space<hbm>> -> memref<1280xf32, #tpu.memory_space<hbm>>
    %dma_wait3A_51 = arith.constant 0 : i32
    %dma_wait3A_52 = tpu.memref_slice %arg5[%dma_wait3A, %dma_wait3A_51] : memref<33x1280xf32, #tpu.memory_space<vmem>> -> memref<1x1280xf32, #tpu.memory_space<vmem>>
    %dma_wait3A_53 = tpu.memref_squeeze %dma_wait3A_52 : memref<1x1280xf32, #tpu.memory_space<vmem>> -> memref<1280xf32, #tpu.memory_space<vmem>>
    tpu.wait_dma2 semaphore(%arg7 : memref<!tpu.dma_semaphore, #tpu.memory_space<semaphore_mem>>) src(%dma_wait3A_53 : memref<1280xf32, #tpu.memory_space<vmem>>) dst(%dma_wait3A_50 : memref<1280xf32, #tpu.memory_space<hbm>>)
    %dma_wait3A_54 = arith.constant 0 : i32
    %dma_wait3A_55 = arith.constant 0 : i32
    %dma_wait3A_56 = arith.constant 0 : i32
    %dma_wait3A_57 = tpu.memref_slice %arg5[%dma_wait3A_54, %dma_wait3A_56] : memref<33x1280xf32, #tpu.memory_space<vmem>> -> memref<1x1280xf32, #tpu.memory_space<vmem>>
    %dma_wait3A_58 = tpu.memref_squeeze %dma_wait3A_57 : memref<1x1280xf32, #tpu.memory_space<vmem>> -> memref<1280xf32, #tpu.memory_space<vmem>>
    %dma_wait3A_59 = arith.constant 0 : i32
    %dma_wait3A_60 = tpu.memref_slice %arg4[%dma_wait3A_55, %dma_wait3A_59] : memref<8192x1280xf32, #tpu.memory_space<hbm>> -> memref<1x1280xf32, #tpu.memory_space<hbm>>
    %dma_wait3A_61 = tpu.memref_squeeze %dma_wait3A_60 : memref<1x1280xf32, #tpu.memory_space<hbm>> -> memref<1280xf32, #tpu.memory_space<hbm>>
    %dma_wait3A_62 = arith.constant 0 : i32
    %dma_wait3A_63 = tpu.memref_slice %arg4[%dma_wait3A_55, %dma_wait3A_62] : memref<8192x1280xf32, #tpu.memory_space<hbm>> -> memref<1x1280xf32, #tpu.memory_space<hbm>>
    %dma_wait3A_64 = tpu.memref_squeeze %dma_wait3A_63 : memref<1x1280xf32, #tpu.memory_space<hbm>> -> memref<1280xf32, #tpu.memory_space<hbm>>
    %dma_wait3A_65 = arith.constant 0 : i32
    %dma_wait3A_66 = tpu.memref_slice %arg5[%dma_wait3A_54, %dma_wait3A_65] : memref<33x1280xf32, #tpu.memory_space<vmem>> -> memref<1x1280xf32, #tpu.memory_space<vmem>>
    %dma_wait3A_67 = tpu.memref_squeeze %dma_wait3A_66 : memref<1x1280xf32, #tpu.memory_space<vmem>> -> memref<1280xf32, #tpu.memory_space<vmem>>
    tpu.wait_dma2 semaphore(%arg7 : memref<!tpu.dma_semaphore, #tpu.memory_space<semaphore_mem>>) src(%dma_wait3A_67 : memref<1280xf32, #tpu.memory_space<vmem>>) dst(%dma_wait3A_64 : memref<1280xf32, #tpu.memory_space<hbm>>)
    %dma_wait3A_68 = arith.constant 0 : i32
    %dma_wait3A_69 = arith.constant 0 : i32
    %dma_wait3A_70 = arith.constant 0 : i32
    %dma_wait3A_71 = tpu.memref_slice %arg5[%dma_wait3A_68, %dma_wait3A_70] : memref<33x1280xf32, #tpu.memory_space<vmem>> -> memref<1x1280xf32, #tpu.memory_space<vmem>>
    %dma_wait3A_72 = tpu.memref_squeeze %dma_wait3A_71 : memref<1x1280xf32, #tpu.memory_space<vmem>> -> memref<1280xf32, #tpu.memory_space<vmem>>
    %dma_wait3A_73 = arith.constant 0 : i32
    %dma_wait3A_74 = tpu.memref_slice %arg4[%dma_wait3A_69, %dma_wait3A_73] : memref<8192x1280xf32, #tpu.memory_space<hbm>> -> memref<1x1280xf32, #tpu.memory_space<hbm>>
    %dma_wait3A_75 = tpu.memref_squeeze %dma_wait3A_74 : memref<1x1280xf32, #tpu.memory_space<hbm>> -> memref<1280xf32, #tpu.memory_space<hbm>>
    %dma_wait3A_76 = arith.constant 0 : i32
    %dma_wait3A_77 = tpu.memref_slice %arg4[%dma_wait3A_69, %dma_wait3A_76] : memref<8192x1280xf32, #tpu.memory_space<hbm>> -> memref<1x1280xf32, #tpu.memory_space<hbm>>
    %dma_wait3A_78 = tpu.memref_squeeze %dma_wait3A_77 : memref<1x1280xf32, #tpu.memory_space<hbm>> -> memref<1280xf32, #tpu.memory_space<hbm>>
    %dma_wait3A_79 = arith.constant 0 : i32
    %dma_wait3A_80 = tpu.memref_slice %arg5[%dma_wait3A_68, %dma_wait3A_79] : memref<33x1280xf32, #tpu.memory_space<vmem>> -> memref<1x1280xf32, #tpu.memory_space<vmem>>
    %dma_wait3A_81 = tpu.memref_squeeze %dma_wait3A_80 : memref<1x1280xf32, #tpu.memory_space<vmem>> -> memref<1280xf32, #tpu.memory_space<vmem>>
    tpu.wait_dma2 semaphore(%arg7 : memref<!tpu.dma_semaphore, #tpu.memory_space<semaphore_mem>>) src(%dma_wait3A_81 : memref<1280xf32, #tpu.memory_space<vmem>>) dst(%dma_wait3A_78 : memref<1280xf32, #tpu.memory_space<hbm>>)
    %dma_wait3A_82 = arith.constant 0 : i32
    %dma_wait3A_83 = arith.constant 0 : i32
    %dma_wait3A_84 = arith.constant 0 : i32
    %dma_wait3A_85 = tpu.memref_slice %arg5[%dma_wait3A_82, %dma_wait3A_84] : memref<33x1280xf32, #tpu.memory_space<vmem>> -> memref<1x1280xf32, #tpu.memory_space<vmem>>
    %dma_wait3A_86 = tpu.memref_squeeze %dma_wait3A_85 : memref<1x1280xf32, #tpu.memory_space<vmem>> -> memref<1280xf32, #tpu.memory_space<vmem>>
    %dma_wait3A_87 = arith.constant 0 : i32
    %dma_wait3A_88 = tpu.memref_slice %arg4[%dma_wait3A_83, %dma_wait3A_87] : memref<8192x1280xf32, #tpu.memory_space<hbm>> -> memref<1x1280xf32, #tpu.memory_space<hbm>>
    %dma_wait3A_89 = tpu.memref_squeeze %dma_wait3A_88 : memref<1x1280xf32, #tpu.memory_space<hbm>> -> memref<1280xf32, #tpu.memory_space<hbm>>
    %dma_wait3A_90 = arith.constant 0 : i32
    %dma_wait3A_91 = tpu.memref_slice %arg4[%dma_wait3A_83, %dma_wait3A_90] : memref<8192x1280xf32, #tpu.memory_space<hbm>> -> memref<1x1280xf32, #tpu.memory_space<hbm>>
    %dma_wait3A_92 = tpu.memref_squeeze %dma_wait3A_91 : memref<1x1280xf32, #tpu.memory_space<hbm>> -> memref<1280xf32, #tpu.memory_space<hbm>>
    %dma_wait3A_93 = arith.constant 0 : i32
    %dma_wait3A_94 = tpu.memref_slice %arg5[%dma_wait3A_82, %dma_wait3A_93] : memref<33x1280xf32, #tpu.memory_space<vmem>> -> memref<1x1280xf32, #tpu.memory_space<vmem>>
    %dma_wait3A_95 = tpu.memref_squeeze %dma_wait3A_94 : memref<1x1280xf32, #tpu.memory_space<vmem>> -> memref<1280xf32, #tpu.memory_space<vmem>>
    tpu.wait_dma2 semaphore(%arg7 : memref<!tpu.dma_semaphore, #tpu.memory_space<semaphore_mem>>) src(%dma_wait3A_95 : memref<1280xf32, #tpu.memory_space<vmem>>) dst(%dma_wait3A_92 : memref<1280xf32, #tpu.memory_space<hbm>>)
    %dma_wait3A_96 = arith.constant 0 : i32
    %dma_wait3A_97 = arith.constant 0 : i32
    %dma_wait3A_98 = arith.constant 0 : i32
    %dma_wait3A_99 = tpu.memref_slice %arg5[%dma_wait3A_96, %dma_wait3A_98] : memref<33x1280xf32, #tpu.memory_space<vmem>> -> memref<1x1280xf32, #tpu.memory_space<vmem>>
    %dma_wait3A_100 = tpu.memref_squeeze %dma_wait3A_99 : memref<1x1280xf32, #tpu.memory_space<vmem>> -> memref<1280xf32, #tpu.memory_space<vmem>>
    %dma_wait3A_101 = arith.constant 0 : i32
    %dma_wait3A_102 = tpu.memref_slice %arg4[%dma_wait3A_97, %dma_wait3A_101] : memref<8192x1280xf32, #tpu.memory_space<hbm>> -> memref<1x1280xf32, #tpu.memory_space<hbm>>
    %dma_wait3A_103 = tpu.memref_squeeze %dma_wait3A_102 : memref<1x1280xf32, #tpu.memory_space<hbm>> -> memref<1280xf32, #tpu.memory_space<hbm>>
    %dma_wait3A_104 = arith.constant 0 : i32
    %dma_wait3A_105 = tpu.memref_slice %arg4[%dma_wait3A_97, %dma_wait3A_104] : memref<8192x1280xf32, #tpu.memory_space<hbm>> -> memref<1x1280xf32, #tpu.memory_space<hbm>>
    %dma_wait3A_106 = tpu.memref_squeeze %dma_wait3A_105 : memref<1x1280xf32, #tpu.memory_space<hbm>> -> memref<1280xf32, #tpu.memory_space<hbm>>
    %dma_wait3A_107 = arith.constant 0 : i32
    %dma_wait3A_108 = tpu.memref_slice %arg5[%dma_wait3A_96, %dma_wait3A_107] : memref<33x1280xf32, #tpu.memory_space<vmem>> -> memref<1x1280xf32, #tpu.memory_space<vmem>>
    %dma_wait3A_109 = tpu.memref_squeeze %dma_wait3A_108 : memref<1x1280xf32, #tpu.memory_space<vmem>> -> memref<1280xf32, #tpu.memory_space<vmem>>
    tpu.wait_dma2 semaphore(%arg7 : memref<!tpu.dma_semaphore, #tpu.memory_space<semaphore_mem>>) src(%dma_wait3A_109 : memref<1280xf32, #tpu.memory_space<vmem>>) dst(%dma_wait3A_106 : memref<1280xf32, #tpu.memory_space<hbm>>)
    %dma_wait3A_110 = arith.constant 0 : i32
    %dma_wait3A_111 = arith.constant 0 : i32
    %dma_wait3A_112 = arith.constant 0 : i32
    %dma_wait3A_113 = tpu.memref_slice %arg5[%dma_wait3A_110, %dma_wait3A_112] : memref<33x1280xf32, #tpu.memory_space<vmem>> -> memref<1x1280xf32, #tpu.memory_space<vmem>>
    %dma_wait3A_114 = tpu.memref_squeeze %dma_wait3A_113 : memref<1x1280xf32, #tpu.memory_space<vmem>> -> memref<1280xf32, #tpu.memory_space<vmem>>
    %dma_wait3A_115 = arith.constant 0 : i32
    %dma_wait3A_116 = tpu.memref_slice %arg4[%dma_wait3A_111, %dma_wait3A_115] : memref<8192x1280xf32, #tpu.memory_space<hbm>> -> memref<1x1280xf32, #tpu.memory_space<hbm>>
    %dma_wait3A_117 = tpu.memref_squeeze %dma_wait3A_116 : memref<1x1280xf32, #tpu.memory_space<hbm>> -> memref<1280xf32, #tpu.memory_space<hbm>>
    %dma_wait3A_118 = arith.constant 0 : i32
    %dma_wait3A_119 = tpu.memref_slice %arg4[%dma_wait3A_111, %dma_wait3A_118] : memref<8192x1280xf32, #tpu.memory_space<hbm>> -> memref<1x1280xf32, #tpu.memory_space<hbm>>
    %dma_wait3A_120 = tpu.memref_squeeze %dma_wait3A_119 : memref<1x1280xf32, #tpu.memory_space<hbm>> -> memref<1280xf32, #tpu.memory_space<hbm>>
    %dma_wait3A_121 = arith.constant 0 : i32
    %dma_wait3A_122 = tpu.memref_slice %arg5[%dma_wait3A_110, %dma_wait3A_121] : memref<33x1280xf32, #tpu.memory_space<vmem>> -> memref<1x1280xf32, #tpu.memory_space<vmem>>
    %dma_wait3A_123 = tpu.memref_squeeze %dma_wait3A_122 : memref<1x1280xf32, #tpu.memory_space<vmem>> -> memref<1280xf32, #tpu.memory_space<vmem>>
    tpu.wait_dma2 semaphore(%arg7 : memref<!tpu.dma_semaphore, #tpu.memory_space<semaphore_mem>>) src(%dma_wait3A_123 : memref<1280xf32, #tpu.memory_space<vmem>>) dst(%dma_wait3A_120 : memref<1280xf32, #tpu.memory_space<hbm>>)
    %dma_wait3A_124 = arith.constant 0 : i32
    %dma_wait3A_125 = arith.constant 0 : i32
    %dma_wait3A_126 = arith.constant 0 : i32
    %dma_wait3A_127 = tpu.memref_slice %arg5[%dma_wait3A_124, %dma_wait3A_126] : memref<33x1280xf32, #tpu.memory_space<vmem>> -> memref<1x1280xf32, #tpu.memory_space<vmem>>
    %dma_wait3A_128 = tpu.memref_squeeze %dma_wait3A_127 : memref<1x1280xf32, #tpu.memory_space<vmem>> -> memref<1280xf32, #tpu.memory_space<vmem>>
    %dma_wait3A_129 = arith.constant 0 : i32
    %dma_wait3A_130 = tpu.memref_slice %arg4[%dma_wait3A_125, %dma_wait3A_129] : memref<8192x1280xf32, #tpu.memory_space<hbm>> -> memref<1x1280xf32, #tpu.memory_space<hbm>>
    %dma_wait3A_131 = tpu.memref_squeeze %dma_wait3A_130 : memref<1x1280xf32, #tpu.memory_space<hbm>> -> memref<1280xf32, #tpu.memory_space<hbm>>
    %dma_wait3A_132 = arith.constant 0 : i32
    %dma_wait3A_133 = tpu.memref_slice %arg4[%dma_wait3A_125, %dma_wait3A_132] : memref<8192x1280xf32, #tpu.memory_space<hbm>> -> memref<1x1280xf32, #tpu.memory_space<hbm>>
    %dma_wait3A_134 = tpu.memref_squeeze %dma_wait3A_133 : memref<1x1280xf32, #tpu.memory_space<hbm>> -> memref<1280xf32, #tpu.memory_space<hbm>>
    %dma_wait3A_135 = arith.constant 0 : i32
    %dma_wait3A_136 = tpu.memref_slice %arg5[%dma_wait3A_124, %dma_wait3A_135] : memref<33x1280xf32, #tpu.memory_space<vmem>> -> memref<1x1280xf32, #tpu.memory_space<vmem>>
    %dma_wait3A_137 = tpu.memref_squeeze %dma_wait3A_136 : memref<1x1280xf32, #tpu.memory_space<vmem>> -> memref<1280xf32, #tpu.memory_space<vmem>>
    tpu.wait_dma2 semaphore(%arg7 : memref<!tpu.dma_semaphore, #tpu.memory_space<semaphore_mem>>) src(%dma_wait3A_137 : memref<1280xf32, #tpu.memory_space<vmem>>) dst(%dma_wait3A_134 : memref<1280xf32, #tpu.memory_space<hbm>>)
    %dma_wait3A_138 = arith.constant 0 : i32
    %dma_wait3A_139 = arith.constant 0 : i32
    %dma_wait3A_140 = arith.constant 0 : i32
    %dma_wait3A_141 = tpu.memref_slice %arg5[%dma_wait3A_138, %dma_wait3A_140] : memref<33x1280xf32, #tpu.memory_space<vmem>> -> memref<1x1280xf32, #tpu.memory_space<vmem>>
    %dma_wait3A_142 = tpu.memref_squeeze %dma_wait3A_141 : memref<1x1280xf32, #tpu.memory_space<vmem>> -> memref<1280xf32, #tpu.memory_space<vmem>>
    %dma_wait3A_143 = arith.constant 0 : i32
    %dma_wait3A_144 = tpu.memref_slice %arg4[%dma_wait3A_139, %dma_wait3A_143] : memref<8192x1280xf32, #tpu.memory_space<hbm>> -> memref<1x1280xf32, #tpu.memory_space<hbm>>
    %dma_wait3A_145 = tpu.memref_squeeze %dma_wait3A_144 : memref<1x1280xf32, #tpu.memory_space<hbm>> -> memref<1280xf32, #tpu.memory_space<hbm>>
    %dma_wait3A_146 = arith.constant 0 : i32
    %dma_wait3A_147 = tpu.memref_slice %arg4[%dma_wait3A_139, %dma_wait3A_146] : memref<8192x1280xf32, #tpu.memory_space<hbm>> -> memref<1x1280xf32, #tpu.memory_space<hbm>>
    %dma_wait3A_148 = tpu.memref_squeeze %dma_wait3A_147 : memref<1x1280xf32, #tpu.memory_space<hbm>> -> memref<1280xf32, #tpu.memory_space<hbm>>
    %dma_wait3A_149 = arith.constant 0 : i32
    %dma_wait3A_150 = tpu.memref_slice %arg5[%dma_wait3A_138, %dma_wait3A_149] : memref<33x1280xf32, #tpu.memory_space<vmem>> -> memref<1x1280xf32, #tpu.memory_space<vmem>>
    %dma_wait3A_151 = tpu.memref_squeeze %dma_wait3A_150 : memref<1x1280xf32, #tpu.memory_space<vmem>> -> memref<1280xf32, #tpu.memory_space<vmem>>
    tpu.wait_dma2 semaphore(%arg7 : memref<!tpu.dma_semaphore, #tpu.memory_space<semaphore_mem>>) src(%dma_wait3A_151 : memref<1280xf32, #tpu.memory_space<vmem>>) dst(%dma_wait3A_148 : memref<1280xf32, #tpu.memory_space<hbm>>)
    %dma_wait3A_152 = arith.constant 0 : i32
    %dma_wait3A_153 = arith.constant 0 : i32
    %dma_wait3A_154 = arith.constant 0 : i32
    %dma_wait3A_155 = tpu.memref_slice %arg5[%dma_wait3A_152, %dma_wait3A_154] : memref<33x1280xf32, #tpu.memory_space<vmem>> -> memref<1x1280xf32, #tpu.memory_space<vmem>>
    %dma_wait3A_156 = tpu.memref_squeeze %dma_wait3A_155 : memref<1x1280xf32, #tpu.memory_space<vmem>> -> memref<1280xf32, #tpu.memory_space<vmem>>
    %dma_wait3A_157 = arith.constant 0 : i32
    %dma_wait3A_158 = tpu.memref_slice %arg4[%dma_wait3A_153, %dma_wait3A_157] : memref<8192x1280xf32, #tpu.memory_space<hbm>> -> memref<1x1280xf32, #tpu.memory_space<hbm>>
    %dma_wait3A_159 = tpu.memref_squeeze %dma_wait3A_158 : memref<1x1280xf32, #tpu.memory_space<hbm>> -> memref<1280xf32, #tpu.memory_space<hbm>>
    %dma_wait3A_160 = arith.constant 0 : i32
    %dma_wait3A_161 = tpu.memref_slice %arg4[%dma_wait3A_153, %dma_wait3A_160] : memref<8192x1280xf32, #tpu.memory_space<hbm>> -> memref<1x1280xf32, #tpu.memory_space<hbm>>
    %dma_wait3A_162 = tpu.memref_squeeze %dma_wait3A_161 : memref<1x1280xf32, #tpu.memory_space<hbm>> -> memref<1280xf32, #tpu.memory_space<hbm>>
    %dma_wait3A_163 = arith.constant 0 : i32
    %dma_wait3A_164 = tpu.memref_slice %arg5[%dma_wait3A_152, %dma_wait3A_163] : memref<33x1280xf32, #tpu.memory_space<vmem>> -> memref<1x1280xf32, #tpu.memory_space<vmem>>
    %dma_wait3A_165 = tpu.memref_squeeze %dma_wait3A_164 : memref<1x1280xf32, #tpu.memory_space<vmem>> -> memref<1280xf32, #tpu.memory_space<vmem>>
    tpu.wait_dma2 semaphore(%arg7 : memref<!tpu.dma_semaphore, #tpu.memory_space<semaphore_mem>>) src(%dma_wait3A_165 : memref<1280xf32, #tpu.memory_space<vmem>>) dst(%dma_wait3A_162 : memref<1280xf32, #tpu.memory_space<hbm>>)
    %dma_wait3A_166 = arith.constant 0 : i32
    %dma_wait3A_167 = arith.constant 0 : i32
    %dma_wait3A_168 = arith.constant 0 : i32
    %dma_wait3A_169 = tpu.memref_slice %arg5[%dma_wait3A_166, %dma_wait3A_168] : memref<33x1280xf32, #tpu.memory_space<vmem>> -> memref<1x1280xf32, #tpu.memory_space<vmem>>
    %dma_wait3A_170 = tpu.memref_squeeze %dma_wait3A_169 : memref<1x1280xf32, #tpu.memory_space<vmem>> -> memref<1280xf32, #tpu.memory_space<vmem>>
    %dma_wait3A_171 = arith.constant 0 : i32
    %dma_wait3A_172 = tpu.memref_slice %arg4[%dma_wait3A_167, %dma_wait3A_171] : memref<8192x1280xf32, #tpu.memory_space<hbm>> -> memref<1x1280xf32, #tpu.memory_space<hbm>>
    %dma_wait3A_173 = tpu.memref_squeeze %dma_wait3A_172 : memref<1x1280xf32, #tpu.memory_space<hbm>> -> memref<1280xf32, #tpu.memory_space<hbm>>
    %dma_wait3A_174 = arith.constant 0 : i32
    %dma_wait3A_175 = tpu.memref_slice %arg4[%dma_wait3A_167, %dma_wait3A_174] : memref<8192x1280xf32, #tpu.memory_space<hbm>> -> memref<1x1280xf32, #tpu.memory_space<hbm>>
    %dma_wait3A_176 = tpu.memref_squeeze %dma_wait3A_175 : memref<1x1280xf32, #tpu.memory_space<hbm>> -> memref<1280xf32, #tpu.memory_space<hbm>>
    %dma_wait3A_177 = arith.constant 0 : i32
    %dma_wait3A_178 = tpu.memref_slice %arg5[%dma_wait3A_166, %dma_wait3A_177] : memref<33x1280xf32, #tpu.memory_space<vmem>> -> memref<1x1280xf32, #tpu.memory_space<vmem>>
    %dma_wait3A_179 = tpu.memref_squeeze %dma_wait3A_178 : memref<1x1280xf32, #tpu.memory_space<vmem>> -> memref<1280xf32, #tpu.memory_space<vmem>>
    tpu.wait_dma2 semaphore(%arg7 : memref<!tpu.dma_semaphore, #tpu.memory_space<semaphore_mem>>) src(%dma_wait3A_179 : memref<1280xf32, #tpu.memory_space<vmem>>) dst(%dma_wait3A_176 : memref<1280xf32, #tpu.memory_space<hbm>>)
    %dma_wait3A_180 = arith.constant 0 : i32
    %dma_wait3A_181 = arith.constant 0 : i32
    %dma_wait3A_182 = arith.constant 0 : i32
    %dma_wait3A_183 = tpu.memref_slice %arg5[%dma_wait3A_180, %dma_wait3A_182] : memref<33x1280xf32, #tpu.memory_space<vmem>> -> memref<1x1280xf32, #tpu.memory_space<vmem>>
    %dma_wait3A_184 = tpu.memref_squeeze %dma_wait3A_183 : memref<1x1280xf32, #tpu.memory_space<vmem>> -> memref<1280xf32, #tpu.memory_space<vmem>>
    %dma_wait3A_185 = arith.constant 0 : i32
    %dma_wait3A_186 = tpu.memref_slice %arg4[%dma_wait3A_181, %dma_wait3A_185] : memref<8192x1280xf32, #tpu.memory_space<hbm>> -> memref<1x1280xf32, #tpu.memory_space<hbm>>
    %dma_wait3A_187 = tpu.memref_squeeze %dma_wait3A_186 : memref<1x1280xf32, #tpu.memory_space<hbm>> -> memref<1280xf32, #tpu.memory_space<hbm>>
    %dma_wait3A_188 = arith.constant 0 : i32
    %dma_wait3A_189 = tpu.memref_slice %arg4[%dma_wait3A_181, %dma_wait3A_188] : memref<8192x1280xf32, #tpu.memory_space<hbm>> -> memref<1x1280xf32, #tpu.memory_space<hbm>>
    %dma_wait3A_190 = tpu.memref_squeeze %dma_wait3A_189 : memref<1x1280xf32, #tpu.memory_space<hbm>> -> memref<1280xf32, #tpu.memory_space<hbm>>
    %dma_wait3A_191 = arith.constant 0 : i32
    %dma_wait3A_192 = tpu.memref_slice %arg5[%dma_wait3A_180, %dma_wait3A_191] : memref<33x1280xf32, #tpu.memory_space<vmem>> -> memref<1x1280xf32, #tpu.memory_space<vmem>>
    %dma_wait3A_193 = tpu.memref_squeeze %dma_wait3A_192 : memref<1x1280xf32, #tpu.memory_space<vmem>> -> memref<1280xf32, #tpu.memory_space<vmem>>
    tpu.wait_dma2 semaphore(%arg7 : memref<!tpu.dma_semaphore, #tpu.memory_space<semaphore_mem>>) src(%dma_wait3A_193 : memref<1280xf32, #tpu.memory_space<vmem>>) dst(%dma_wait3A_190 : memref<1280xf32, #tpu.memory_space<hbm>>)
    %dma_wait3A_194 = arith.constant 0 : i32
    %dma_wait3A_195 = arith.constant 0 : i32
    %dma_wait3A_196 = arith.constant 0 : i32
    %dma_wait3A_197 = tpu.memref_slice %arg5[%dma_wait3A_194, %dma_wait3A_196] : memref<33x1280xf32, #tpu.memory_space<vmem>> -> memref<1x1280xf32, #tpu.memory_space<vmem>>
    %dma_wait3A_198 = tpu.memref_squeeze %dma_wait3A_197 : memref<1x1280xf32, #tpu.memory_space<vmem>> -> memref<1280xf32, #tpu.memory_space<vmem>>
    %dma_wait3A_199 = arith.constant 0 : i32
    %dma_wait3A_200 = tpu.memref_slice %arg4[%dma_wait3A_195, %dma_wait3A_199] : memref<8192x1280xf32, #tpu.memory_space<hbm>> -> memref<1x1280xf32, #tpu.memory_space<hbm>>
    %dma_wait3A_201 = tpu.memref_squeeze %dma_wait3A_200 : memref<1x1280xf32, #tpu.memory_space<hbm>> -> memref<1280xf32, #tpu.memory_space<hbm>>
    %dma_wait3A_202 = arith.constant 0 : i32
    %dma_wait3A_203 = tpu.memref_slice %arg4[%dma_wait3A_195, %dma_wait3A_202] : memref<8192x1280xf32, #tpu.memory_space<hbm>> -> memref<1x1280xf32, #tpu.memory_space<hbm>>
    %dma_wait3A_204 = tpu.memref_squeeze %dma_wait3A_203 : memref<1x1280xf32, #tpu.memory_space<hbm>> -> memref<1280xf32, #tpu.memory_space<hbm>>
    %dma_wait3A_205 = arith.constant 0 : i32
    %dma_wait3A_206 = tpu.memref_slice %arg5[%dma_wait3A_194, %dma_wait3A_205] : memref<33x1280xf32, #tpu.memory_space<vmem>> -> memref<1x1280xf32, #tpu.memory_space<vmem>>
    %dma_wait3A_207 = tpu.memref_squeeze %dma_wait3A_206 : memref<1x1280xf32, #tpu.memory_space<vmem>> -> memref<1280xf32, #tpu.memory_space<vmem>>
    tpu.wait_dma2 semaphore(%arg7 : memref<!tpu.dma_semaphore, #tpu.memory_space<semaphore_mem>>) src(%dma_wait3A_207 : memref<1280xf32, #tpu.memory_space<vmem>>) dst(%dma_wait3A_204 : memref<1280xf32, #tpu.memory_space<hbm>>)
    %dma_wait3A_208 = arith.constant 0 : i32
    %dma_wait3A_209 = arith.constant 0 : i32
    %dma_wait3A_210 = arith.constant 0 : i32
    %dma_wait3A_211 = tpu.memref_slice %arg5[%dma_wait3A_208, %dma_wait3A_210] : memref<33x1280xf32, #tpu.memory_space<vmem>> -> memref<1x1280xf32, #tpu.memory_space<vmem>>
    %dma_wait3A_212 = tpu.memref_squeeze %dma_wait3A_211 : memref<1x1280xf32, #tpu.memory_space<vmem>> -> memref<1280xf32, #tpu.memory_space<vmem>>
    %dma_wait3A_213 = arith.constant 0 : i32
    %dma_wait3A_214 = tpu.memref_slice %arg4[%dma_wait3A_209, %dma_wait3A_213] : memref<8192x1280xf32, #tpu.memory_space<hbm>> -> memref<1x1280xf32, #tpu.memory_space<hbm>>
    %dma_wait3A_215 = tpu.memref_squeeze %dma_wait3A_214 : memref<1x1280xf32, #tpu.memory_space<hbm>> -> memref<1280xf32, #tpu.memory_space<hbm>>
    %dma_wait3A_216 = arith.constant 0 : i32
    %dma_wait3A_217 = tpu.memref_slice %arg4[%dma_wait3A_209, %dma_wait3A_216] : memref<8192x1280xf32, #tpu.memory_space<hbm>> -> memref<1x1280xf32, #tpu.memory_space<hbm>>
    %dma_wait3A_218 = tpu.memref_squeeze %dma_wait3A_217 : memref<1x1280xf32, #tpu.memory_space<hbm>> -> memref<1280xf32, #tpu.memory_space<hbm>>
    %dma_wait3A_219 = arith.constant 0 : i32
    %dma_wait3A_220 = tpu.memref_slice %arg5[%dma_wait3A_208, %dma_wait3A_219] : memref<33x1280xf32, #tpu.memory_space<vmem>> -> memref<1x1280xf32, #tpu.memory_space<vmem>>
    %dma_wait3A_221 = tpu.memref_squeeze %dma_wait3A_220 : memref<1x1280xf32, #tpu.memory_space<vmem>> -> memref<1280xf32, #tpu.memory_space<vmem>>
    tpu.wait_dma2 semaphore(%arg7 : memref<!tpu.dma_semaphore, #tpu.memory_space<semaphore_mem>>) src(%dma_wait3A_221 : memref<1280xf32, #tpu.memory_space<vmem>>) dst(%dma_wait3A_218 : memref<1280xf32, #tpu.memory_space<hbm>>)
    %dma_wait3A_222 = arith.constant 0 : i32
    %dma_wait3A_223 = arith.constant 0 : i32
    %dma_wait3A_224 = arith.constant 0 : i32
    %dma_wait3A_225 = tpu.memref_slice %arg5[%dma_wait3A_222, %dma_wait3A_224] : memref<33x1280xf32, #tpu.memory_space<vmem>> -> memref<1x1280xf32, #tpu.memory_space<vmem>>
    %dma_wait3A_226 = tpu.memref_squeeze %dma_wait3A_225 : memref<1x1280xf32, #tpu.memory_space<vmem>> -> memref<1280xf32, #tpu.memory_space<vmem>>
    %dma_wait3A_227 = arith.constant 0 : i32
    %dma_wait3A_228 = tpu.memref_slice %arg4[%dma_wait3A_223, %dma_wait3A_227] : memref<8192x1280xf32, #tpu.memory_space<hbm>> -> memref<1x1280xf32, #tpu.memory_space<hbm>>
    %dma_wait3A_229 = tpu.memref_squeeze %dma_wait3A_228 : memref<1x1280xf32, #tpu.memory_space<hbm>> -> memref<1280xf32, #tpu.memory_space<hbm>>
    %dma_wait3A_230 = arith.constant 0 : i32
    %dma_wait3A_231 = tpu.memref_slice %arg4[%dma_wait3A_223, %dma_wait3A_230] : memref<8192x1280xf32, #tpu.memory_space<hbm>> -> memref<1x1280xf32, #tpu.memory_space<hbm>>
    %dma_wait3A_232 = tpu.memref_squeeze %dma_wait3A_231 : memref<1x1280xf32, #tpu.memory_space<hbm>> -> memref<1280xf32, #tpu.memory_space<hbm>>
    %dma_wait3A_233 = arith.constant 0 : i32
    %dma_wait3A_234 = tpu.memref_slice %arg5[%dma_wait3A_222, %dma_wait3A_233] : memref<33x1280xf32, #tpu.memory_space<vmem>> -> memref<1x1280xf32, #tpu.memory_space<vmem>>
    %dma_wait3A_235 = tpu.memref_squeeze %dma_wait3A_234 : memref<1x1280xf32, #tpu.memory_space<vmem>> -> memref<1280xf32, #tpu.memory_space<vmem>>
    tpu.wait_dma2 semaphore(%arg7 : memref<!tpu.dma_semaphore, #tpu.memory_space<semaphore_mem>>) src(%dma_wait3A_235 : memref<1280xf32, #tpu.memory_space<vmem>>) dst(%dma_wait3A_232 : memref<1280xf32, #tpu.memory_space<hbm>>)
    %dma_wait3A_236 = arith.constant 0 : i32
    %dma_wait3A_237 = arith.constant 0 : i32
    %dma_wait3A_238 = arith.constant 0 : i32
    %dma_wait3A_239 = tpu.memref_slice %arg5[%dma_wait3A_236, %dma_wait3A_238] : memref<33x1280xf32, #tpu.memory_space<vmem>> -> memref<1x1280xf32, #tpu.memory_space<vmem>>
    %dma_wait3A_240 = tpu.memref_squeeze %dma_wait3A_239 : memref<1x1280xf32, #tpu.memory_space<vmem>> -> memref<1280xf32, #tpu.memory_space<vmem>>
    %dma_wait3A_241 = arith.constant 0 : i32
    %dma_wait3A_242 = tpu.memref_slice %arg4[%dma_wait3A_237, %dma_wait3A_241] : memref<8192x1280xf32, #tpu.memory_space<hbm>> -> memref<1x1280xf32, #tpu.memory_space<hbm>>
    %dma_wait3A_243 = tpu.memref_squeeze %dma_wait3A_242 : memref<1x1280xf32, #tpu.memory_space<hbm>> -> memref<1280xf32, #tpu.memory_space<hbm>>
    %dma_wait3A_244 = arith.constant 0 : i32
    %dma_wait3A_245 = tpu.memref_slice %arg4[%dma_wait3A_237, %dma_wait3A_244] : memref<8192x1280xf32, #tpu.memory_space<hbm>> -> memref<1x1280xf32, #tpu.memory_space<hbm>>
    %dma_wait3A_246 = tpu.memref_squeeze %dma_wait3A_245 : memref<1x1280xf32, #tpu.memory_space<hbm>> -> memref<1280xf32, #tpu.memory_space<hbm>>
    %dma_wait3A_247 = arith.constant 0 : i32
    %dma_wait3A_248 = tpu.memref_slice %arg5[%dma_wait3A_236, %dma_wait3A_247] : memref<33x1280xf32, #tpu.memory_space<vmem>> -> memref<1x1280xf32, #tpu.memory_space<vmem>>
    %dma_wait3A_249 = tpu.memref_squeeze %dma_wait3A_248 : memref<1x1280xf32, #tpu.memory_space<vmem>> -> memref<1280xf32, #tpu.memory_space<vmem>>
    tpu.wait_dma2 semaphore(%arg7 : memref<!tpu.dma_semaphore, #tpu.memory_space<semaphore_mem>>) src(%dma_wait3A_249 : memref<1280xf32, #tpu.memory_space<vmem>>) dst(%dma_wait3A_246 : memref<1280xf32, #tpu.memory_space<hbm>>)
    %dma_wait3A_250 = arith.constant 0 : i32
    %dma_wait3A_251 = arith.constant 0 : i32
    %dma_wait3A_252 = arith.constant 0 : i32
    %dma_wait3A_253 = tpu.memref_slice %arg5[%dma_wait3A_250, %dma_wait3A_252] : memref<33x1280xf32, #tpu.memory_space<vmem>> -> memref<1x1280xf32, #tpu.memory_space<vmem>>
    %dma_wait3A_254 = tpu.memref_squeeze %dma_wait3A_253 : memref<1x1280xf32, #tpu.memory_space<vmem>> -> memref<1280xf32, #tpu.memory_space<vmem>>
    %dma_wait3A_255 = arith.constant 0 : i32
    %dma_wait3A_256 = tpu.memref_slice %arg4[%dma_wait3A_251, %dma_wait3A_255] : memref<8192x1280xf32, #tpu.memory_space<hbm>> -> memref<1x1280xf32, #tpu.memory_space<hbm>>
    %dma_wait3A_257 = tpu.memref_squeeze %dma_wait3A_256 : memref<1x1280xf32, #tpu.memory_space<hbm>> -> memref<1280xf32, #tpu.memory_space<hbm>>
    %dma_wait3A_258 = arith.constant 0 : i32
    %dma_wait3A_259 = tpu.memref_slice %arg4[%dma_wait3A_251, %dma_wait3A_258] : memref<8192x1280xf32, #tpu.memory_space<hbm>> -> memref<1x1280xf32, #tpu.memory_space<hbm>>
    %dma_wait3A_260 = tpu.memref_squeeze %dma_wait3A_259 : memref<1x1280xf32, #tpu.memory_space<hbm>> -> memref<1280xf32, #tpu.memory_space<hbm>>
    %dma_wait3A_261 = arith.constant 0 : i32
    %dma_wait3A_262 = tpu.memref_slice %arg5[%dma_wait3A_250, %dma_wait3A_261] : memref<33x1280xf32, #tpu.memory_space<vmem>> -> memref<1x1280xf32, #tpu.memory_space<vmem>>
    %dma_wait3A_263 = tpu.memref_squeeze %dma_wait3A_262 : memref<1x1280xf32, #tpu.memory_space<vmem>> -> memref<1280xf32, #tpu.memory_space<vmem>>
    tpu.wait_dma2 semaphore(%arg7 : memref<!tpu.dma_semaphore, #tpu.memory_space<semaphore_mem>>) src(%dma_wait3A_263 : memref<1280xf32, #tpu.memory_space<vmem>>) dst(%dma_wait3A_260 : memref<1280xf32, #tpu.memory_space<hbm>>)
    %dma_wait3A_264 = arith.constant 0 : i32
    %dma_wait3A_265 = arith.constant 0 : i32
    %dma_wait3A_266 = arith.constant 0 : i32
    %dma_wait3A_267 = tpu.memref_slice %arg5[%dma_wait3A_264, %dma_wait3A_266] : memref<33x1280xf32, #tpu.memory_space<vmem>> -> memref<1x1280xf32, #tpu.memory_space<vmem>>
    %dma_wait3A_268 = tpu.memref_squeeze %dma_wait3A_267 : memref<1x1280xf32, #tpu.memory_space<vmem>> -> memref<1280xf32, #tpu.memory_space<vmem>>
    %dma_wait3A_269 = arith.constant 0 : i32
    %dma_wait3A_270 = tpu.memref_slice %arg4[%dma_wait3A_265, %dma_wait3A_269] : memref<8192x1280xf32, #tpu.memory_space<hbm>> -> memref<1x1280xf32, #tpu.memory_space<hbm>>
    %dma_wait3A_271 = tpu.memref_squeeze %dma_wait3A_270 : memref<1x1280xf32, #tpu.memory_space<hbm>> -> memref<1280xf32, #tpu.memory_space<hbm>>
    %dma_wait3A_272 = arith.constant 0 : i32
    %dma_wait3A_273 = tpu.memref_slice %arg4[%dma_wait3A_265, %dma_wait3A_272] : memref<8192x1280xf32, #tpu.memory_space<hbm>> -> memref<1x1280xf32, #tpu.memory_space<hbm>>
    %dma_wait3A_274 = tpu.memref_squeeze %dma_wait3A_273 : memref<1x1280xf32, #tpu.memory_space<hbm>> -> memref<1280xf32, #tpu.memory_space<hbm>>
    %dma_wait3A_275 = arith.constant 0 : i32
    %dma_wait3A_276 = tpu.memref_slice %arg5[%dma_wait3A_264, %dma_wait3A_275] : memref<33x1280xf32, #tpu.memory_space<vmem>> -> memref<1x1280xf32, #tpu.memory_space<vmem>>
    %dma_wait3A_277 = tpu.memref_squeeze %dma_wait3A_276 : memref<1x1280xf32, #tpu.memory_space<vmem>> -> memref<1280xf32, #tpu.memory_space<vmem>>
    tpu.wait_dma2 semaphore(%arg8 : memref<!tpu.dma_semaphore, #tpu.memory_space<semaphore_mem>>) src(%dma_wait3A_277 : memref<1280xf32, #tpu.memory_space<vmem>>) dst(%dma_wait3A_274 : memref<1280xf32, #tpu.memory_space<hbm>>)
    %dma_wait3A_278 = arith.constant 0 : i32
    %dma_wait3A_279 = arith.constant 0 : i32
    %dma_wait3A_280 = arith.constant 0 : i32
    %dma_wait3A_281 = tpu.memref_slice %arg5[%dma_wait3A_278, %dma_wait3A_280] : memref<33x1280xf32, #tpu.memory_space<vmem>> -> memref<1x1280xf32, #tpu.memory_space<vmem>>
    %dma_wait3A_282 = tpu.memref_squeeze %dma_wait3A_281 : memref<1x1280xf32, #tpu.memory_space<vmem>> -> memref<1280xf32, #tpu.memory_space<vmem>>
    %dma_wait3A_283 = arith.constant 0 : i32
    %dma_wait3A_284 = tpu.memref_slice %arg4[%dma_wait3A_279, %dma_wait3A_283] : memref<8192x1280xf32, #tpu.memory_space<hbm>> -> memref<1x1280xf32, #tpu.memory_space<hbm>>
    %dma_wait3A_285 = tpu.memref_squeeze %dma_wait3A_284 : memref<1x1280xf32, #tpu.memory_space<hbm>> -> memref<1280xf32, #tpu.memory_space<hbm>>
    %dma_wait3A_286 = arith.constant 0 : i32
    %dma_wait3A_287 = tpu.memref_slice %arg4[%dma_wait3A_279, %dma_wait3A_286] : memref<8192x1280xf32, #tpu.memory_space<hbm>> -> memref<1x1280xf32, #tpu.memory_space<hbm>>
    %dma_wait3A_288 = tpu.memref_squeeze %dma_wait3A_287 : memref<1x1280xf32, #tpu.memory_space<hbm>> -> memref<1280xf32, #tpu.memory_space<hbm>>
    %dma_wait3A_289 = arith.constant 0 : i32
    %dma_wait3A_290 = tpu.memref_slice %arg5[%dma_wait3A_278, %dma_wait3A_289] : memref<33x1280xf32, #tpu.memory_space<vmem>> -> memref<1x1280xf32, #tpu.memory_space<vmem>>
    %dma_wait3A_291 = tpu.memref_squeeze %dma_wait3A_290 : memref<1x1280xf32, #tpu.memory_space<vmem>> -> memref<1280xf32, #tpu.memory_space<vmem>>
    tpu.wait_dma2 semaphore(%arg8 : memref<!tpu.dma_semaphore, #tpu.memory_space<semaphore_mem>>) src(%dma_wait3A_291 : memref<1280xf32, #tpu.memory_space<vmem>>) dst(%dma_wait3A_288 : memref<1280xf32, #tpu.memory_space<hbm>>)
    %dma_wait3A_292 = arith.constant 0 : i32
    %dma_wait3A_293 = arith.constant 0 : i32
    %dma_wait3A_294 = arith.constant 0 : i32
    %dma_wait3A_295 = tpu.memref_slice %arg5[%dma_wait3A_292, %dma_wait3A_294] : memref<33x1280xf32, #tpu.memory_space<vmem>> -> memref<1x1280xf32, #tpu.memory_space<vmem>>
    %dma_wait3A_296 = tpu.memref_squeeze %dma_wait3A_295 : memref<1x1280xf32, #tpu.memory_space<vmem>> -> memref<1280xf32, #tpu.memory_space<vmem>>
    %dma_wait3A_297 = arith.constant 0 : i32
    %dma_wait3A_298 = tpu.memref_slice %arg4[%dma_wait3A_293, %dma_wait3A_297] : memref<8192x1280xf32, #tpu.memory_space<hbm>> -> memref<1x1280xf32, #tpu.memory_space<hbm>>
    %dma_wait3A_299 = tpu.memref_squeeze %dma_wait3A_298 : memref<1x1280xf32, #tpu.memory_space<hbm>> -> memref<1280xf32, #tpu.memory_space<hbm>>
    %dma_wait3A_300 = arith.constant 0 : i32
    %dma_wait3A_301 = tpu.memref_slice %arg4[%dma_wait3A_293, %dma_wait3A_300] : memref<8192x1280xf32, #tpu.memory_space<hbm>> -> memref<1x1280xf32, #tpu.memory_space<hbm>>
    %dma_wait3A_302 = tpu.memref_squeeze %dma_wait3A_301 : memref<1x1280xf32, #tpu.memory_space<hbm>> -> memref<1280xf32, #tpu.memory_space<hbm>>
    %dma_wait3A_303 = arith.constant 0 : i32
    %dma_wait3A_304 = tpu.memref_slice %arg5[%dma_wait3A_292, %dma_wait3A_303] : memref<33x1280xf32, #tpu.memory_space<vmem>> -> memref<1x1280xf32, #tpu.memory_space<vmem>>
    %dma_wait3A_305 = tpu.memref_squeeze %dma_wait3A_304 : memref<1x1280xf32, #tpu.memory_space<vmem>> -> memref<1280xf32, #tpu.memory_space<vmem>>
    tpu.wait_dma2 semaphore(%arg8 : memref<!tpu.dma_semaphore, #tpu.memory_space<semaphore_mem>>) src(%dma_wait3A_305 : memref<1280xf32, #tpu.memory_space<vmem>>) dst(%dma_wait3A_302 : memref<1280xf32, #tpu.memory_space<hbm>>)
    %dma_wait3A_306 = arith.constant 0 : i32
    %dma_wait3A_307 = arith.constant 0 : i32
    %dma_wait3A_308 = arith.constant 0 : i32
    %dma_wait3A_309 = tpu.memref_slice %arg5[%dma_wait3A_306, %dma_wait3A_308] : memref<33x1280xf32, #tpu.memory_space<vmem>> -> memref<1x1280xf32, #tpu.memory_space<vmem>>
    %dma_wait3A_310 = tpu.memref_squeeze %dma_wait3A_309 : memref<1x1280xf32, #tpu.memory_space<vmem>> -> memref<1280xf32, #tpu.memory_space<vmem>>
    %dma_wait3A_311 = arith.constant 0 : i32
    %dma_wait3A_312 = tpu.memref_slice %arg4[%dma_wait3A_307, %dma_wait3A_311] : memref<8192x1280xf32, #tpu.memory_space<hbm>> -> memref<1x1280xf32, #tpu.memory_space<hbm>>
    %dma_wait3A_313 = tpu.memref_squeeze %dma_wait3A_312 : memref<1x1280xf32, #tpu.memory_space<hbm>> -> memref<1280xf32, #tpu.memory_space<hbm>>
    %dma_wait3A_314 = arith.constant 0 : i32
    %dma_wait3A_315 = tpu.memref_slice %arg4[%dma_wait3A_307, %dma_wait3A_314] : memref<8192x1280xf32, #tpu.memory_space<hbm>> -> memref<1x1280xf32, #tpu.memory_space<hbm>>
    %dma_wait3A_316 = tpu.memref_squeeze %dma_wait3A_315 : memref<1x1280xf32, #tpu.memory_space<hbm>> -> memref<1280xf32, #tpu.memory_space<hbm>>
    %dma_wait3A_317 = arith.constant 0 : i32
    %dma_wait3A_318 = tpu.memref_slice %arg5[%dma_wait3A_306, %dma_wait3A_317] : memref<33x1280xf32, #tpu.memory_space<vmem>> -> memref<1x1280xf32, #tpu.memory_space<vmem>>
    %dma_wait3A_319 = tpu.memref_squeeze %dma_wait3A_318 : memref<1x1280xf32, #tpu.memory_space<vmem>> -> memref<1280xf32, #tpu.memory_space<vmem>>
    tpu.wait_dma2 semaphore(%arg8 : memref<!tpu.dma_semaphore, #tpu.memory_space<semaphore_mem>>) src(%dma_wait3A_319 : memref<1280xf32, #tpu.memory_space<vmem>>) dst(%dma_wait3A_316 : memref<1280xf32, #tpu.memory_space<hbm>>)
    %dma_wait3A_320 = arith.constant 0 : i32
    %dma_wait3A_321 = arith.constant 0 : i32
    %dma_wait3A_322 = arith.constant 0 : i32
    %dma_wait3A_323 = tpu.memref_slice %arg5[%dma_wait3A_320, %dma_wait3A_322] : memref<33x1280xf32, #tpu.memory_space<vmem>> -> memref<1x1280xf32, #tpu.memory_space<vmem>>
    %dma_wait3A_324 = tpu.memref_squeeze %dma_wait3A_323 : memref<1x1280xf32, #tpu.memory_space<vmem>> -> memref<1280xf32, #tpu.memory_space<vmem>>
    %dma_wait3A_325 = arith.constant 0 : i32
    %dma_wait3A_326 = tpu.memref_slice %arg4[%dma_wait3A_321, %dma_wait3A_325] : memref<8192x1280xf32, #tpu.memory_space<hbm>> -> memref<1x1280xf32, #tpu.memory_space<hbm>>
    %dma_wait3A_327 = tpu.memref_squeeze %dma_wait3A_326 : memref<1x1280xf32, #tpu.memory_space<hbm>> -> memref<1280xf32, #tpu.memory_space<hbm>>
    %dma_wait3A_328 = arith.constant 0 : i32
    %dma_wait3A_329 = tpu.memref_slice %arg4[%dma_wait3A_321, %dma_wait3A_328] : memref<8192x1280xf32, #tpu.memory_space<hbm>> -> memref<1x1280xf32, #tpu.memory_space<hbm>>
    %dma_wait3A_330 = tpu.memref_squeeze %dma_wait3A_329 : memref<1x1280xf32, #tpu.memory_space<hbm>> -> memref<1280xf32, #tpu.memory_space<hbm>>
    %dma_wait3A_331 = arith.constant 0 : i32
    %dma_wait3A_332 = tpu.memref_slice %arg5[%dma_wait3A_320, %dma_wait3A_331] : memref<33x1280xf32, #tpu.memory_space<vmem>> -> memref<1x1280xf32, #tpu.memory_space<vmem>>
    %dma_wait3A_333 = tpu.memref_squeeze %dma_wait3A_332 : memref<1x1280xf32, #tpu.memory_space<vmem>> -> memref<1280xf32, #tpu.memory_space<vmem>>
    tpu.wait_dma2 semaphore(%arg8 : memref<!tpu.dma_semaphore, #tpu.memory_space<semaphore_mem>>) src(%dma_wait3A_333 : memref<1280xf32, #tpu.memory_space<vmem>>) dst(%dma_wait3A_330 : memref<1280xf32, #tpu.memory_space<hbm>>)
    %dma_wait3A_334 = arith.constant 0 : i32
    %dma_wait3A_335 = arith.constant 0 : i32
    %dma_wait3A_336 = arith.constant 0 : i32
    %dma_wait3A_337 = tpu.memref_slice %arg5[%dma_wait3A_334, %dma_wait3A_336] : memref<33x1280xf32, #tpu.memory_space<vmem>> -> memref<1x1280xf32, #tpu.memory_space<vmem>>
    %dma_wait3A_338 = tpu.memref_squeeze %dma_wait3A_337 : memref<1x1280xf32, #tpu.memory_space<vmem>> -> memref<1280xf32, #tpu.memory_space<vmem>>
    %dma_wait3A_339 = arith.constant 0 : i32
    %dma_wait3A_340 = tpu.memref_slice %arg4[%dma_wait3A_335, %dma_wait3A_339] : memref<8192x1280xf32, #tpu.memory_space<hbm>> -> memref<1x1280xf32, #tpu.memory_space<hbm>>
    %dma_wait3A_341 = tpu.memref_squeeze %dma_wait3A_340 : memref<1x1280xf32, #tpu.memory_space<hbm>> -> memref<1280xf32, #tpu.memory_space<hbm>>
    %dma_wait3A_342 = arith.constant 0 : i32
    %dma_wait3A_343 = tpu.memref_slice %arg4[%dma_wait3A_335, %dma_wait3A_342] : memref<8192x1280xf32, #tpu.memory_space<hbm>> -> memref<1x1280xf32, #tpu.memory_space<hbm>>
    %dma_wait3A_344 = tpu.memref_squeeze %dma_wait3A_343 : memref<1x1280xf32, #tpu.memory_space<hbm>> -> memref<1280xf32, #tpu.memory_space<hbm>>
    %dma_wait3A_345 = arith.constant 0 : i32
    %dma_wait3A_346 = tpu.memref_slice %arg5[%dma_wait3A_334, %dma_wait3A_345] : memref<33x1280xf32, #tpu.memory_space<vmem>> -> memref<1x1280xf32, #tpu.memory_space<vmem>>
    %dma_wait3A_347 = tpu.memref_squeeze %dma_wait3A_346 : memref<1x1280xf32, #tpu.memory_space<vmem>> -> memref<1280xf32, #tpu.memory_space<vmem>>
    tpu.wait_dma2 semaphore(%arg8 : memref<!tpu.dma_semaphore, #tpu.memory_space<semaphore_mem>>) src(%dma_wait3A_347 : memref<1280xf32, #tpu.memory_space<vmem>>) dst(%dma_wait3A_344 : memref<1280xf32, #tpu.memory_space<hbm>>)
    %dma_wait3A_348 = arith.constant 0 : i32
    %dma_wait3A_349 = arith.constant 0 : i32
    %dma_wait3A_350 = arith.constant 0 : i32
    %dma_wait3A_351 = tpu.memref_slice %arg5[%dma_wait3A_348, %dma_wait3A_350] : memref<33x1280xf32, #tpu.memory_space<vmem>> -> memref<1x1280xf32, #tpu.memory_space<vmem>>
    %dma_wait3A_352 = tpu.memref_squeeze %dma_wait3A_351 : memref<1x1280xf32, #tpu.memory_space<vmem>> -> memref<1280xf32, #tpu.memory_space<vmem>>
    %dma_wait3A_353 = arith.constant 0 : i32
    %dma_wait3A_354 = tpu.memref_slice %arg4[%dma_wait3A_349, %dma_wait3A_353] : memref<8192x1280xf32, #tpu.memory_space<hbm>> -> memref<1x1280xf32, #tpu.memory_space<hbm>>
    %dma_wait3A_355 = tpu.memref_squeeze %dma_wait3A_354 : memref<1x1280xf32, #tpu.memory_space<hbm>> -> memref<1280xf32, #tpu.memory_space<hbm>>
    %dma_wait3A_356 = arith.constant 0 : i32
    %dma_wait3A_357 = tpu.memref_slice %arg4[%dma_wait3A_349, %dma_wait3A_356] : memref<8192x1280xf32, #tpu.memory_space<hbm>> -> memref<1x1280xf32, #tpu.memory_space<hbm>>
    %dma_wait3A_358 = tpu.memref_squeeze %dma_wait3A_357 : memref<1x1280xf32, #tpu.memory_space<hbm>> -> memref<1280xf32, #tpu.memory_space<hbm>>
    %dma_wait3A_359 = arith.constant 0 : i32
    %dma_wait3A_360 = tpu.memref_slice %arg5[%dma_wait3A_348, %dma_wait3A_359] : memref<33x1280xf32, #tpu.memory_space<vmem>> -> memref<1x1280xf32, #tpu.memory_space<vmem>>
    %dma_wait3A_361 = tpu.memref_squeeze %dma_wait3A_360 : memref<1x1280xf32, #tpu.memory_space<vmem>> -> memref<1280xf32, #tpu.memory_space<vmem>>
    tpu.wait_dma2 semaphore(%arg8 : memref<!tpu.dma_semaphore, #tpu.memory_space<semaphore_mem>>) src(%dma_wait3A_361 : memref<1280xf32, #tpu.memory_space<vmem>>) dst(%dma_wait3A_358 : memref<1280xf32, #tpu.memory_space<hbm>>)
    %dma_wait3A_362 = arith.constant 0 : i32
    %dma_wait3A_363 = arith.constant 0 : i32
    %dma_wait3A_364 = arith.constant 0 : i32
    %dma_wait3A_365 = tpu.memref_slice %arg5[%dma_wait3A_362, %dma_wait3A_364] : memref<33x1280xf32, #tpu.memory_space<vmem>> -> memref<1x1280xf32, #tpu.memory_space<vmem>>
    %dma_wait3A_366 = tpu.memref_squeeze %dma_wait3A_365 : memref<1x1280xf32, #tpu.memory_space<vmem>> -> memref<1280xf32, #tpu.memory_space<vmem>>
    %dma_wait3A_367 = arith.constant 0 : i32
    %dma_wait3A_368 = tpu.memref_slice %arg4[%dma_wait3A_363, %dma_wait3A_367] : memref<8192x1280xf32, #tpu.memory_space<hbm>> -> memref<1x1280xf32, #tpu.memory_space<hbm>>
    %dma_wait3A_369 = tpu.memref_squeeze %dma_wait3A_368 : memref<1x1280xf32, #tpu.memory_space<hbm>> -> memref<1280xf32, #tpu.memory_space<hbm>>
    %dma_wait3A_370 = arith.constant 0 : i32
    %dma_wait3A_371 = tpu.memref_slice %arg4[%dma_wait3A_363, %dma_wait3A_370] : memref<8192x1280xf32, #tpu.memory_space<hbm>> -> memref<1x1280xf32, #tpu.memory_space<hbm>>
    %dma_wait3A_372 = tpu.memref_squeeze %dma_wait3A_371 : memref<1x1280xf32, #tpu.memory_space<hbm>> -> memref<1280xf32, #tpu.memory_space<hbm>>
    %dma_wait3A_373 = arith.constant 0 : i32
    %dma_wait3A_374 = tpu.memref_slice %arg5[%dma_wait3A_362, %dma_wait3A_373] : memref<33x1280xf32, #tpu.memory_space<vmem>> -> memref<1x1280xf32, #tpu.memory_space<vmem>>
    %dma_wait3A_375 = tpu.memref_squeeze %dma_wait3A_374 : memref<1x1280xf32, #tpu.memory_space<vmem>> -> memref<1280xf32, #tpu.memory_space<vmem>>
    tpu.wait_dma2 semaphore(%arg8 : memref<!tpu.dma_semaphore, #tpu.memory_space<semaphore_mem>>) src(%dma_wait3A_375 : memref<1280xf32, #tpu.memory_space<vmem>>) dst(%dma_wait3A_372 : memref<1280xf32, #tpu.memory_space<hbm>>)
    %dma_wait3A_376 = arith.constant 0 : i32
    %dma_wait3A_377 = arith.constant 0 : i32
    %dma_wait3A_378 = arith.constant 0 : i32
    %dma_wait3A_379 = tpu.memref_slice %arg5[%dma_wait3A_376, %dma_wait3A_378] : memref<33x1280xf32, #tpu.memory_space<vmem>> -> memref<1x1280xf32, #tpu.memory_space<vmem>>
    %dma_wait3A_380 = tpu.memref_squeeze %dma_wait3A_379 : memref<1x1280xf32, #tpu.memory_space<vmem>> -> memref<1280xf32, #tpu.memory_space<vmem>>
    %dma_wait3A_381 = arith.constant 0 : i32
    %dma_wait3A_382 = tpu.memref_slice %arg4[%dma_wait3A_377, %dma_wait3A_381] : memref<8192x1280xf32, #tpu.memory_space<hbm>> -> memref<1x1280xf32, #tpu.memory_space<hbm>>
    %dma_wait3A_383 = tpu.memref_squeeze %dma_wait3A_382 : memref<1x1280xf32, #tpu.memory_space<hbm>> -> memref<1280xf32, #tpu.memory_space<hbm>>
    %dma_wait3A_384 = arith.constant 0 : i32
    %dma_wait3A_385 = tpu.memref_slice %arg4[%dma_wait3A_377, %dma_wait3A_384] : memref<8192x1280xf32, #tpu.memory_space<hbm>> -> memref<1x1280xf32, #tpu.memory_space<hbm>>
    %dma_wait3A_386 = tpu.memref_squeeze %dma_wait3A_385 : memref<1x1280xf32, #tpu.memory_space<hbm>> -> memref<1280xf32, #tpu.memory_space<hbm>>
    %dma_wait3A_387 = arith.constant 0 : i32
    %dma_wait3A_388 = tpu.memref_slice %arg5[%dma_wait3A_376, %dma_wait3A_387] : memref<33x1280xf32, #tpu.memory_space<vmem>> -> memref<1x1280xf32, #tpu.memory_space<vmem>>
    %dma_wait3A_389 = tpu.memref_squeeze %dma_wait3A_388 : memref<1x1280xf32, #tpu.memory_space<vmem>> -> memref<1280xf32, #tpu.memory_space<vmem>>
    tpu.wait_dma2 semaphore(%arg8 : memref<!tpu.dma_semaphore, #tpu.memory_space<semaphore_mem>>) src(%dma_wait3A_389 : memref<1280xf32, #tpu.memory_space<vmem>>) dst(%dma_wait3A_386 : memref<1280xf32, #tpu.memory_space<hbm>>)
    %dma_wait3A_390 = arith.constant 0 : i32
    %dma_wait3A_391 = arith.constant 0 : i32
    %dma_wait3A_392 = arith.constant 0 : i32
    %dma_wait3A_393 = tpu.memref_slice %arg5[%dma_wait3A_390, %dma_wait3A_392] : memref<33x1280xf32, #tpu.memory_space<vmem>> -> memref<1x1280xf32, #tpu.memory_space<vmem>>
    %dma_wait3A_394 = tpu.memref_squeeze %dma_wait3A_393 : memref<1x1280xf32, #tpu.memory_space<vmem>> -> memref<1280xf32, #tpu.memory_space<vmem>>
    %dma_wait3A_395 = arith.constant 0 : i32
    %dma_wait3A_396 = tpu.memref_slice %arg4[%dma_wait3A_391, %dma_wait3A_395] : memref<8192x1280xf32, #tpu.memory_space<hbm>> -> memref<1x1280xf32, #tpu.memory_space<hbm>>
    %dma_wait3A_397 = tpu.memref_squeeze %dma_wait3A_396 : memref<1x1280xf32, #tpu.memory_space<hbm>> -> memref<1280xf32, #tpu.memory_space<hbm>>
    %dma_wait3A_398 = arith.constant 0 : i32
    %dma_wait3A_399 = tpu.memref_slice %arg4[%dma_wait3A_391, %dma_wait3A_398] : memref<8192x1280xf32, #tpu.memory_space<hbm>> -> memref<1x1280xf32, #tpu.memory_space<hbm>>
    %dma_wait3A_400 = tpu.memref_squeeze %dma_wait3A_399 : memref<1x1280xf32, #tpu.memory_space<hbm>> -> memref<1280xf32, #tpu.memory_space<hbm>>
    %dma_wait3A_401 = arith.constant 0 : i32
    %dma_wait3A_402 = tpu.memref_slice %arg5[%dma_wait3A_390, %dma_wait3A_401] : memref<33x1280xf32, #tpu.memory_space<vmem>> -> memref<1x1280xf32, #tpu.memory_space<vmem>>
    %dma_wait3A_403 = tpu.memref_squeeze %dma_wait3A_402 : memref<1x1280xf32, #tpu.memory_space<vmem>> -> memref<1280xf32, #tpu.memory_space<vmem>>
    tpu.wait_dma2 semaphore(%arg8 : memref<!tpu.dma_semaphore, #tpu.memory_space<semaphore_mem>>) src(%dma_wait3A_403 : memref<1280xf32, #tpu.memory_space<vmem>>) dst(%dma_wait3A_400 : memref<1280xf32, #tpu.memory_space<hbm>>)
    %dma_wait3A_404 = arith.constant 0 : i32
    %dma_wait3A_405 = arith.constant 0 : i32
    %dma_wait3A_406 = arith.constant 0 : i32
    %dma_wait3A_407 = tpu.memref_slice %arg5[%dma_wait3A_404, %dma_wait3A_406] : memref<33x1280xf32, #tpu.memory_space<vmem>> -> memref<1x1280xf32, #tpu.memory_space<vmem>>
    %dma_wait3A_408 = tpu.memref_squeeze %dma_wait3A_407 : memref<1x1280xf32, #tpu.memory_space<vmem>> -> memref<1280xf32, #tpu.memory_space<vmem>>
    %dma_wait3A_409 = arith.constant 0 : i32
    %dma_wait3A_410 = tpu.memref_slice %arg4[%dma_wait3A_405, %dma_wait3A_409] : memref<8192x1280xf32, #tpu.memory_space<hbm>> -> memref<1x1280xf32, #tpu.memory_space<hbm>>
    %dma_wait3A_411 = tpu.memref_squeeze %dma_wait3A_410 : memref<1x1280xf32, #tpu.memory_space<hbm>> -> memref<1280xf32, #tpu.memory_space<hbm>>
    %dma_wait3A_412 = arith.constant 0 : i32
    %dma_wait3A_413 = tpu.memref_slice %arg4[%dma_wait3A_405, %dma_wait3A_412] : memref<8192x1280xf32, #tpu.memory_space<hbm>> -> memref<1x1280xf32, #tpu.memory_space<hbm>>
    %dma_wait3A_414 = tpu.memref_squeeze %dma_wait3A_413 : memref<1x1280xf32, #tpu.memory_space<hbm>> -> memref<1280xf32, #tpu.memory_space<hbm>>
    %dma_wait3A_415 = arith.constant 0 : i32
    %dma_wait3A_416 = tpu.memref_slice %arg5[%dma_wait3A_404, %dma_wait3A_415] : memref<33x1280xf32, #tpu.memory_space<vmem>> -> memref<1x1280xf32, #tpu.memory_space<vmem>>
    %dma_wait3A_417 = tpu.memref_squeeze %dma_wait3A_416 : memref<1x1280xf32, #tpu.memory_space<vmem>> -> memref<1280xf32, #tpu.memory_space<vmem>>
    tpu.wait_dma2 semaphore(%arg8 : memref<!tpu.dma_semaphore, #tpu.memory_space<semaphore_mem>>) src(%dma_wait3A_417 : memref<1280xf32, #tpu.memory_space<vmem>>) dst(%dma_wait3A_414 : memref<1280xf32, #tpu.memory_space<hbm>>)
    %dma_wait3A_418 = arith.constant 0 : i32
    %dma_wait3A_419 = arith.constant 0 : i32
    %dma_wait3A_420 = arith.constant 0 : i32
    %dma_wait3A_421 = tpu.memref_slice %arg5[%dma_wait3A_418, %dma_wait3A_420] : memref<33x1280xf32, #tpu.memory_space<vmem>> -> memref<1x1280xf32, #tpu.memory_space<vmem>>
    %dma_wait3A_422 = tpu.memref_squeeze %dma_wait3A_421 : memref<1x1280xf32, #tpu.memory_space<vmem>> -> memref<1280xf32, #tpu.memory_space<vmem>>
    %dma_wait3A_423 = arith.constant 0 : i32
    %dma_wait3A_424 = tpu.memref_slice %arg4[%dma_wait3A_419, %dma_wait3A_423] : memref<8192x1280xf32, #tpu.memory_space<hbm>> -> memref<1x1280xf32, #tpu.memory_space<hbm>>
    %dma_wait3A_425 = tpu.memref_squeeze %dma_wait3A_424 : memref<1x1280xf32, #tpu.memory_space<hbm>> -> memref<1280xf32, #tpu.memory_space<hbm>>
    %dma_wait3A_426 = arith.constant 0 : i32
    %dma_wait3A_427 = tpu.memref_slice %arg4[%dma_wait3A_419, %dma_wait3A_426] : memref<8192x1280xf32, #tpu.memory_space<hbm>> -> memref<1x1280xf32, #tpu.memory_space<hbm>>
    %dma_wait3A_428 = tpu.memref_squeeze %dma_wait3A_427 : memref<1x1280xf32, #tpu.memory_space<hbm>> -> memref<1280xf32, #tpu.memory_space<hbm>>
    %dma_wait3A_429 = arith.constant 0 : i32
    %dma_wait3A_430 = tpu.memref_slice %arg5[%dma_wait3A_418, %dma_wait3A_429] : memref<33x1280xf32, #tpu.memory_space<vmem>> -> memref<1x1280xf32, #tpu.memory_space<vmem>>
    %dma_wait3A_431 = tpu.memref_squeeze %dma_wait3A_430 : memref<1x1280xf32, #tpu.memory_space<vmem>> -> memref<1280xf32, #tpu.memory_space<vmem>>
    tpu.wait_dma2 semaphore(%arg8 : memref<!tpu.dma_semaphore, #tpu.memory_space<semaphore_mem>>) src(%dma_wait3A_431 : memref<1280xf32, #tpu.memory_space<vmem>>) dst(%dma_wait3A_428 : memref<1280xf32, #tpu.memory_space<hbm>>)
    %dma_wait3A_432 = arith.constant 0 : i32
    %dma_wait3A_433 = arith.constant 0 : i32
    %dma_wait3A_434 = arith.constant 0 : i32
    %dma_wait3A_435 = tpu.memref_slice %arg5[%dma_wait3A_432, %dma_wait3A_434] : memref<33x1280xf32, #tpu.memory_space<vmem>> -> memref<1x1280xf32, #tpu.memory_space<vmem>>
    %dma_wait3A_436 = tpu.memref_squeeze %dma_wait3A_435 : memref<1x1280xf32, #tpu.memory_space<vmem>> -> memref<1280xf32, #tpu.memory_space<vmem>>
    %dma_wait3A_437 = arith.constant 0 : i32
    %dma_wait3A_438 = tpu.memref_slice %arg4[%dma_wait3A_433, %dma_wait3A_437] : memref<8192x1280xf32, #tpu.memory_space<hbm>> -> memref<1x1280xf32, #tpu.memory_space<hbm>>
    %dma_wait3A_439 = tpu.memref_squeeze %dma_wait3A_438 : memref<1x1280xf32, #tpu.memory_space<hbm>> -> memref<1280xf32, #tpu.memory_space<hbm>>
    %dma_wait3A_440 = arith.constant 0 : i32
    %dma_wait3A_441 = tpu.memref_slice %arg4[%dma_wait3A_433, %dma_wait3A_440] : memref<8192x1280xf32, #tpu.memory_space<hbm>> -> memref<1x1280xf32, #tpu.memory_space<hbm>>
    %dma_wait3A_442 = tpu.memref_squeeze %dma_wait3A_441 : memref<1x1280xf32, #tpu.memory_space<hbm>> -> memref<1280xf32, #tpu.memory_space<hbm>>
    %dma_wait3A_443 = arith.constant 0 : i32
    %dma_wait3A_444 = tpu.memref_slice %arg5[%dma_wait3A_432, %dma_wait3A_443] : memref<33x1280xf32, #tpu.memory_space<vmem>> -> memref<1x1280xf32, #tpu.memory_space<vmem>>
    %dma_wait3A_445 = tpu.memref_squeeze %dma_wait3A_444 : memref<1x1280xf32, #tpu.memory_space<vmem>> -> memref<1280xf32, #tpu.memory_space<vmem>>
    tpu.wait_dma2 semaphore(%arg8 : memref<!tpu.dma_semaphore, #tpu.memory_space<semaphore_mem>>) src(%dma_wait3A_445 : memref<1280xf32, #tpu.memory_space<vmem>>) dst(%dma_wait3A_442 : memref<1280xf32, #tpu.memory_space<hbm>>)
    %dma_wait3A_446 = arith.constant 0 : i32
    %dma_wait3A_447 = arith.constant 0 : i32
    %dma_wait3A_448 = arith.constant 0 : i32
    %dma_wait3A_449 = tpu.memref_slice %arg5[%dma_wait3A_446, %dma_wait3A_448] : memref<33x1280xf32, #tpu.memory_space<vmem>> -> memref<1x1280xf32, #tpu.memory_space<vmem>>
    %dma_wait3A_450 = tpu.memref_squeeze %dma_wait3A_449 : memref<1x1280xf32, #tpu.memory_space<vmem>> -> memref<1280xf32, #tpu.memory_space<vmem>>
    %dma_wait3A_451 = arith.constant 0 : i32
    %dma_wait3A_452 = tpu.memref_slice %arg4[%dma_wait3A_447, %dma_wait3A_451] : memref<8192x1280xf32, #tpu.memory_space<hbm>> -> memref<1x1280xf32, #tpu.memory_space<hbm>>
    %dma_wait3A_453 = tpu.memref_squeeze %dma_wait3A_452 : memref<1x1280xf32, #tpu.memory_space<hbm>> -> memref<1280xf32, #tpu.memory_space<hbm>>
    %dma_wait3A_454 = arith.constant 0 : i32
    %dma_wait3A_455 = tpu.memref_slice %arg4[%dma_wait3A_447, %dma_wait3A_454] : memref<8192x1280xf32, #tpu.memory_space<hbm>> -> memref<1x1280xf32, #tpu.memory_space<hbm>>
    %dma_wait3A_456 = tpu.memref_squeeze %dma_wait3A_455 : memref<1x1280xf32, #tpu.memory_space<hbm>> -> memref<1280xf32, #tpu.memory_space<hbm>>
    %dma_wait3A_457 = arith.constant 0 : i32
    %dma_wait3A_458 = tpu.memref_slice %arg5[%dma_wait3A_446, %dma_wait3A_457] : memref<33x1280xf32, #tpu.memory_space<vmem>> -> memref<1x1280xf32, #tpu.memory_space<vmem>>
    %dma_wait3A_459 = tpu.memref_squeeze %dma_wait3A_458 : memref<1x1280xf32, #tpu.memory_space<vmem>> -> memref<1280xf32, #tpu.memory_space<vmem>>
    tpu.wait_dma2 semaphore(%arg8 : memref<!tpu.dma_semaphore, #tpu.memory_space<semaphore_mem>>) src(%dma_wait3A_459 : memref<1280xf32, #tpu.memory_space<vmem>>) dst(%dma_wait3A_456 : memref<1280xf32, #tpu.memory_space<hbm>>)
    %dma_wait3A_460 = arith.constant 0 : i32
    %dma_wait3A_461 = arith.constant 0 : i32
    %dma_wait3A_462 = arith.constant 0 : i32
    %dma_wait3A_463 = tpu.memref_slice %arg5[%dma_wait3A_460, %dma_wait3A_462] : memref<33x1280xf32, #tpu.memory_space<vmem>> -> memref<1x1280xf32, #tpu.memory_space<vmem>>
    %dma_wait3A_464 = tpu.memref_squeeze %dma_wait3A_463 : memref<1x1280xf32, #tpu.memory_space<vmem>> -> memref<1280xf32, #tpu.memory_space<vmem>>
    %dma_wait3A_465 = arith.constant 0 : i32
    %dma_wait3A_466 = tpu.memref_slice %arg4[%dma_wait3A_461, %dma_wait3A_465] : memref<8192x1280xf32, #tpu.memory_space<hbm>> -> memref<1x1280xf32, #tpu.memory_space<hbm>>
    %dma_wait3A_467 = tpu.memref_squeeze %dma_wait3A_466 : memref<1x1280xf32, #tpu.memory_space<hbm>> -> memref<1280xf32, #tpu.memory_space<hbm>>
    %dma_wait3A_468 = arith.constant 0 : i32
    %dma_wait3A_469 = tpu.memref_slice %arg4[%dma_wait3A_461, %dma_wait3A_468] : memref<8192x1280xf32, #tpu.memory_space<hbm>> -> memref<1x1280xf32, #tpu.memory_space<hbm>>
    %dma_wait3A_470 = tpu.memref_squeeze %dma_wait3A_469 : memref<1x1280xf32, #tpu.memory_space<hbm>> -> memref<1280xf32, #tpu.memory_space<hbm>>
    %dma_wait3A_471 = arith.constant 0 : i32
    %dma_wait3A_472 = tpu.memref_slice %arg5[%dma_wait3A_460, %dma_wait3A_471] : memref<33x1280xf32, #tpu.memory_space<vmem>> -> memref<1x1280xf32, #tpu.memory_space<vmem>>
    %dma_wait3A_473 = tpu.memref_squeeze %dma_wait3A_472 : memref<1x1280xf32, #tpu.memory_space<vmem>> -> memref<1280xf32, #tpu.memory_space<vmem>>
    tpu.wait_dma2 semaphore(%arg8 : memref<!tpu.dma_semaphore, #tpu.memory_space<semaphore_mem>>) src(%dma_wait3A_473 : memref<1280xf32, #tpu.memory_space<vmem>>) dst(%dma_wait3A_470 : memref<1280xf32, #tpu.memory_space<hbm>>)
    %dma_wait3A_474 = arith.constant 0 : i32
    %dma_wait3A_475 = arith.constant 0 : i32
    %dma_wait3A_476 = arith.constant 0 : i32
    %dma_wait3A_477 = tpu.memref_slice %arg5[%dma_wait3A_474, %dma_wait3A_476] : memref<33x1280xf32, #tpu.memory_space<vmem>> -> memref<1x1280xf32, #tpu.memory_space<vmem>>
    %dma_wait3A_478 = tpu.memref_squeeze %dma_wait3A_477 : memref<1x1280xf32, #tpu.memory_space<vmem>> -> memref<1280xf32, #tpu.memory_space<vmem>>
    %dma_wait3A_479 = arith.constant 0 : i32
    %dma_wait3A_480 = tpu.memref_slice %arg4[%dma_wait3A_475, %dma_wait3A_479] : memref<8192x1280xf32, #tpu.memory_space<hbm>> -> memref<1x1280xf32, #tpu.memory_space<hbm>>
    %dma_wait3A_481 = tpu.memref_squeeze %dma_wait3A_480 : memref<1x1280xf32, #tpu.memory_space<hbm>> -> memref<1280xf32, #tpu.memory_space<hbm>>
    %dma_wait3A_482 = arith.constant 0 : i32
    %dma_wait3A_483 = tpu.memref_slice %arg4[%dma_wait3A_475, %dma_wait3A_482] : memref<8192x1280xf32, #tpu.memory_space<hbm>> -> memref<1x1280xf32, #tpu.memory_space<hbm>>
    %dma_wait3A_484 = tpu.memref_squeeze %dma_wait3A_483 : memref<1x1280xf32, #tpu.memory_space<hbm>> -> memref<1280xf32, #tpu.memory_space<hbm>>
    %dma_wait3A_485 = arith.constant 0 : i32
    %dma_wait3A_486 = tpu.memref_slice %arg5[%dma_wait3A_474, %dma_wait3A_485] : memref<33x1280xf32, #tpu.memory_space<vmem>> -> memref<1x1280xf32, #tpu.memory_space<vmem>>
    %dma_wait3A_487 = tpu.memref_squeeze %dma_wait3A_486 : memref<1x1280xf32, #tpu.memory_space<vmem>> -> memref<1280xf32, #tpu.memory_space<vmem>>
    tpu.wait_dma2 semaphore(%arg8 : memref<!tpu.dma_semaphore, #tpu.memory_space<semaphore_mem>>) src(%dma_wait3A_487 : memref<1280xf32, #tpu.memory_space<vmem>>) dst(%dma_wait3A_484 : memref<1280xf32, #tpu.memory_space<hbm>>)
    return
  }
}

</mosaic_0001>

<sc_bundles>
// kernel: kernel.3.cloned.1.call-start
scs
__scs_entry_jumppad:
0x0: {  	(pc) =	sbr.rel $0x88, $3  }
0x1: {  	(tag) =	ssettag $0x0;
	lr =	simm.s32 $0x1  }
0x2: {  	[smem:$0x3F9F] =	sst lr;
	_ =	strace $0xD0000000  }
0x3: {  	_ = 	snop  }
0x4: {  	_ = 	snop  }
0x5: {  	_ = 	snop  }
0x6: {  	_ = 	snop  }
0x7: {  	_ = 	snop  }
__scs_overlays_trampoline_lowered:
0x8: {  	[smem:$0x3FAE] =	sst s0  }
0x9: {  	[smem:$0x3FAF] =	sst s1  }
0xa: {  	[smem:$0x3FB0] =	sst s2  }
0xb: {  	[smem:$0x3FB1] =	sst s3  }
0xc: {  	[smem:$0x3FB2] =	sst s4  }
0xd: {  	[smem:$0x3FB3] =	sst s5  }
0xe: {  	[smem:$0x3FB4] =	sst s6  }
0xf: {  	[smem:$0x3FB5] =	sst s7  }
0x10: {  	[smem:$0x3FB6] =	sst s8  }
0x11: {  	[smem:$0x3FB7] =	sst s9;
	s0 =	simm.s32 @!p0 $0x0  }
0x12: {  	s1 =	sld [smem:$0x3F9D];
	s0 =	simm.s32 @p0 $0x1  }
0x13: {  	[smem:$0x3FB8] =	sst s0;
	s0 =	simm.s32 @!p1 $0x0  }
0x14: {  	s2 =	sld [smem:$0x3F9C];
	s0 =	simm.s32 @p1 $0x1  }
0x15: {  	[smem:$0x3FB9] =	sst s0;
	s0 =	simm.s32 @!p2 $0x0  }
0x16: {  	s3 =	sld [smem:$0x3FDB];
	s0 =	simm.s32 @p2 $0x1  }
0x17: {  	s4 =	simm.s32 $0x1BF5;
	[smem:$0x3FBB] =	sst s0  }
0x18: {  	s0 =	sld [smem:$0x3F9E];
	_ =	swait.ge [sflag:s4], $0x0  }
0x19: {  	s7 =	sld [smem:$0x3F9F]  }
0x1a: {  	s8 =	sadd.s32 $0xFFFFE003, lr  }
0x1b: {  	s9 =	sadd.s32 $0xFFFFFEF7, lr;
	s5 =	simm.s32 $0xFFFFFFFF;
	p2 =	slt.u32 s8, $0xFFFFF086  }
0x1c: {  	p1 =	slt.u32 s9, $0xF7A;
	s5 =	simm.s32 @!p2 $0x0  }
0x1d: {  	s5 =	simm.s32 @p1 $0x1;
	p0 =	seq.s32 s7, s2  }
0x1e: {  	s7 =	smul.u32 @!p0 $0xF7A, s2;
	p2 =	seq.s32 @!p0 s5, $0x0  }
0x1f: {  	s9 =	smul.u32 $0xF7A, s1;
	s8 =	simm.s32 @!p0 $0x1BF5;
	p2 =	por !p2, p0  }
0x20: {  	[sflag:s8] =	ssyncset.s32 @!p0 $0xFFFFF086;
	s6 =	sadd.s32 @!p0 s3, s7;
	s7 =	simm.s32 @!p0 $0x108  }
0x21: {  	s3 =	sadd.s32 s3, s9;
	s6 =	sadd.s32 @!p0 $0x88, s6;
	s7 =	simm.s32 @p2 $0x1082  }
0x22: {  	[simem:s7], [sflag:s8] =	dma.local @!p0 [hbm:s6], $0xF7A  }
0x23: {  	s9 =	sor.u32 $0xD0000000, s2;
	s6 =	simm.s32 $0x108;
	_ =	swait.ge @!p0 [sflag:s8], $0x0  }
0x24: {  	s3 =	sadd.s32 $0x88, s3;
	s6 =	simm.s32 @!p1 $0x1082;
	[sflag:s4] =	ssyncset.s32 $0xFFFFF086  }
0x25: {  	[simem:s6], [sflag:s4] =	dma.local [hbm:s3], $0xF7A  }
0x26: {  	[smem:$0x3F9F] =	sst s1;
	(tag) =	ssettag s2;
	_ =	strace s9  }
0x27: {  	s1 =	sld [smem:$0x3FAF]  }
0x28: {  	s2 =	sld [smem:$0x3FB0]  }
0x29: {  	s4 =	sld [smem:$0x3FB2]  }
0x2a: {  	p0 =	seq.s32 s5, $0x0;
	s5 =	sld [smem:$0x3FB3]  }
0x2b: {  	s6 =	sld [smem:$0x3FB4]  }
0x2c: {  	s7 =	sld [smem:$0x3FB5]  }
0x2d: {  	s3 =	simm.s32 $0x108;
	s8 =	sld [smem:$0x3FB6]  }
0x2e: {  	s3 =	simm.s32 @!p0 $0x1082;
	s9 =	sld [smem:$0x3FB7]  }
0x2f: {  	lr =	sadd.s32 s0, s3;
	s0 =	sld [smem:$0x3FAE]  }
0x30: {  	s3 =	sld [smem:$0x3FB1]  }
0x31: {  	[smem:$0x3FBA] =	sst s10  }
0x32: {  	s10 =	sld [smem:$0x3FB8];
	_ =	sdelay $0x3  }
0x33: {  	p0 =	seq.s32 s10, $0x1;
	s10 =	sld [smem:$0x3FBA];
	_ =	sdelay $0x3  }
0x34: {  	[smem:$0x3FBA] =	sst s10  }
0x35: {  	s10 =	sld [smem:$0x3FB9];
	_ =	sdelay $0x3  }
0x36: {  	p1 =	seq.s32 s10, $0x1;
	s10 =	sld [smem:$0x3FBA];
	_ =	sdelay $0x3  }
0x37: {  	[smem:$0x3FBA] =	sst s10  }
0x38: {  	s10 =	sld [smem:$0x3FBB]  }
0x39: {  	_ = 	snop;
	(pc) =	sbr.ind lr, $3  }
0x3a: {  	_ = 	snop  }
0x3b: {  	_ = 	snop  }
0x3c: {  	p2 =	seq.s32 s10, $0x1;
	s10 =	sld [smem:$0x3FBA]  }
0x3d: {  	_ =	shalt  }
0x3e: {  	_ =	shalt  }
0x3f: {  	_ =	shalt  }
0x40: {  	_ =	shalt  }
0x41: {  	_ =	shalt  }
0x42: {  	_ =	shalt  }
0x43: {  	_ =	shalt  }
0x44: {  	_ =	shalt  }
0x45: {  	_ =	shalt  }
0x46: {  	_ =	shalt  }
0x47: {  	_ =	shalt  }
0x48: {  	_ =	shalt  }
0x49: {  	_ =	shalt  }
0x4a: {  	_ =	shalt  }
0x4b: {  	_ =	shalt  }
0x4c: {  	_ =	shalt  }
0x4d: {  	_ =	shalt  }
0x4e: {  	_ =	shalt  }
0x4f: {  	_ =	shalt  }
0x50: {  	_ =	shalt  }
0x51: {  	_ =	shalt  }
0x52: {  	_ =	shalt  }
0x53: {  	_ =	shalt  }
0x54: {  	_ =	shalt  }
0x55: {  	_ =	shalt  }
0x56: {  	_ =	shalt  }
0x57: {  	_ =	shalt  }
0x58: {  	_ =	shalt  }
0x59: {  	_ =	shalt  }
0x5a: {  	_ =	shalt  }
0x5b: {  	_ =	shalt  }
0x5c: {  	_ =	shalt  }
0x5d: {  	_ =	shalt  }
0x5e: {  	_ =	shalt  }
0x5f: {  	_ =	shalt  }
0x60: {  	_ =	shalt  }
0x61: {  	_ =	shalt  }
0x62: {  	_ =	shalt  }
0x63: {  	_ =	shalt  }
0x64: {  	_ =	shalt  }
0x65: {  	_ =	shalt  }
0x66: {  	_ =	shalt  }
0x67: {  	_ =	shalt  }
0x68: {  	_ =	shalt  }
0x69: {  	_ =	shalt  }
0x6a: {  	_ =	shalt  }
0x6b: {  	_ =	shalt  }
0x6c: {  	_ =	shalt  }
0x6d: {  	_ =	shalt  }
0x6e: {  	_ =	shalt  }
0x6f: {  	_ =	shalt  }
0x70: {  	_ =	shalt  }
0x71: {  	_ =	shalt  }
0x72: {  	_ =	shalt  }
0x73: {  	_ =	shalt  }
0x74: {  	_ =	shalt  }
0x75: {  	_ =	shalt  }
0x76: {  	_ =	shalt  }
0x77: {  	_ =	shalt  }
0x78: {  	_ =	shalt  }
0x79: {  	_ =	shalt  }
0x7a: {  	_ =	shalt  }
0x7b: {  	_ =	shalt  }
0x7c: {  	_ =	shalt  }
0x7d: {  	_ =	shalt  }
0x7e: {  	_ =	shalt  }
0x7f: {  	_ =	shalt  }
0x80: {  	_ =	shalt  }
0x81: {  	_ =	shalt  }
0x82: {  	_ =	shalt  }
0x83: {  	_ =	shalt  }
0x84: {  	_ =	shalt  }
0x85: {  	_ =	shalt  }
0x86: {  	_ =	shalt  }
0x87: {  	_ =	shalt  }
.Lfunc_end0:
.L_simem_size_0:
called_computation_lowered:
.L_overlay_start_0:
0x88: {  	s2 =	sld [smem:$0x3FD9]  }
0x89: {  	s3 =	sld [smem:$0x3FFE];
	_ =	sdelay $0x1  }
0x8a: {  	s1 =	srdreg.scid  }
0x8b: {  	s0 =	sand.u32 $0x1, s1  }
0x8c: {  	s18 =	sshll.u32 s0, $0xA;
	s2 =	sadd.s32 s3, s2  }
0x8d: {  	s2 =	sadd.s32 s2, s18  }
0x8e: {  	[smem:$0x3FC6] =	sst s2  }
0x8f: {  	_ = 	snop  }
0x90: {  	s2 =	sld [smem:$0x3FC9]  }
0x91: {  	s19 =	sld [smem:$0x3FC8]  }
0x92: {  	s4 =	sld [smem:$0x3FD0];
	(tm) =	ssettm $0x1  }
0x93: {  	s5 =	sld [smem:$0x3FFB];
	_ =	sdelay $0x3  }
0x94: {  	_ =	strace s5  }
0x95: {  	s5 =	sld [smem:$0x3FFC];
	_ =	sdelay $0x3  }
0x96: {  	_ =	strace s5  }
0x97: {  	s5 =	sld [smem:$0x3FFD];
	_ =	sdelay $0x3  }
0x98: {  	_ =	strace s5  }
0x99: {  	_ =	strace $0x8FFFFFFF  }
0x9a: {  	s20 =	sld [smem:$0x3FDB];
	_ =	sdelay $0x1  }
0x9b: {  	s6 =	simm.s32 $_scs_section_size  }
0x9c: {  	s7 =	simm.s32 $_size__tile_overlayer_lowered;
	s8 =	simm.s32 $_tile_overlayer_lowered  }
0x9d: {  	s23 =	simm.s32 $0x1BFF;
	s22 =	sshll.u32 s8, $0x1;
	s5 =	sadd.s32 s6, s20  }
0x9e: {  	s9 =	simm.s32 $0x0;
	s21 =	sshll.u32 s7, $0x1;
	s7 =	sadd.s32 s22, s5  }
0x9f: {  	[timem:s9], [sflag:s23] =	dma.local [hbm:s7], s21  }
0xa0: {  	_ =	swait.ge [sflag:s23], s21  }
0xa1: {  	s6 =	ssub.s32 $0x0, s21;
	[sflag:s23] =	ssyncset.done $0x0  }
0xa2: {  	[sflag:s23] =	ssyncadd.s32 s6;
	_ =	sdelay $0x1  }
0xa3: {  	s24 =	simm.s32 $0x1B8B  }
0xa4: {  	_ =	swait.ge [sflag:s24], $0x1  }
0xa5: {  	[sflag:s24] =	ssyncset.done $0x0  }
0xa6: {  	s25 =	simm.s32 $0x1B8E;
	[sflag:s24] =	ssyncadd.s32 $0xFFFFFFFF  }
0xa7: {  	s26 =	simm.s32 $execute0_lowered;
	[smem:$0x3FD2] =	sst s25  }
0xa8: {  	s6 =	sshll.u32 s26, $0x1;
	_ =	strace $0x80000046;
	[dreg:$0x1] =	wrdreg $0xFFFFFFFF  }
0xa9: {  	s28 =	simm.s32 $_size_execute0_lowered;
	s5 =	sadd.s32 s5, s6;
	[dreg:$0x0] =	wrdreg $0x0  }
0xaa: {  	s6 =	sshll.u32 s28, $0x1;
	[dreg:$0x2] =	wrdreg s5  }
0xab: {  	[dreg:$0x3] =	wrdreg s6  }
0xac: {  	[dreg:$0x4] =	wrdreg $0xC0  }
0xad: {  	_ =	task [dreg:s9], $0x5FFFF  }
0xae: {  	[dreg:$0x1] =	wrdreg $0xFFFFFFFF  }
0xaf: {  	[dreg:$0x0] =	wrdreg $0x60  }
0xb0: {  	[dreg:$0x2] =	wrdreg s19  }
0xb1: {  	[dreg:$0x3] =	wrdreg s2  }
0xb2: {  	[dreg:$0x4] =	wrdreg s4  }
0xb3: {  	[dreg:$0x5] =	wrdreg $0x9  }
0xb4: {  	_ =	task.clear_ibuf [dreg:s9], $0x6FFFF;
	_ =	strace $0x90000046  }
0xb5: {  	s29 =	simm.s32 $0x9;
	_ =	strace $0x80000048  }
0xb6: {  	_ =	swait.ge [sflag:s29], $0x1  }
0xb7: {  	[sflag:s29] =	ssyncadd.s32 $0xFFFFFFFF  }
0xb8: {  	_ =	strace $0x90000048  }
0xb9: {  	_ =	sfence  }
0xba: {  	s30 =	sld [smem:$0x0];
	_ =	sdelay $0x2  }
0xbb: {  	s31 =	sshll.u32 s1, $0xD;
	s1 =	sshrl.u32 s1, $0x2  }
0xbc: {  	s3 =	sand.u32 $0x4000, s31;
	s1 =	sadd.s32 s1, s30  }
0xbd: {  	s0 =	sor.u32 s3, s0;
	s1 =	sshll.u32 s1, $0x11  }
0xbe: {  	s0 =	sor.u32 s1, s0  }
0xbf: {  	s0 =	sadd.s32 $0x8F2B, s0  }
0xc0: {  	[sflag:s0] =	ssyncadd.remote.s32 $0x1  }
0xc1: {  	_ =	sfence.sel $0xFFFF  }
0xc2: {  	[dreg:$0x0] =	wrdreg $0xFFFFFFFF;
	(pc) =	sbr.abs _section_cstart, $3  }
0xc3: {  	[dreg:$0x1] =	wrdreg $0xFFFFFFFF  }
0xc4: {  	_ =	task.clear_ibuf [dreg:s9], $0x2FFFF;
	_ =	strace $0x9FFFFFFF  }
0xc5: {  	(tm) =	ssettm $0x7FFFFFFF  }
tec
execute0_lowered:
.L_overlay_start_1:
0x0: {  	(tag) =	ssettag $0x1  }
0x1: {  	s1 =	rddreg [dreg:$0x0]  }
0x2: {  	s4 =	rddreg [dreg:$0x1]  }
0x3: {  	s5 =	rddreg [dreg:$0x2]  }
0x4: {  	s0 =	rddreg [dreg:$0x3];
	s6 =	srdreg.scid  }
0x5: {  	s3 =	simm.s32 $0x0;
	s2 =	stileid.u32;
	s12 =	simm.s32 $0x0  }
0x6: {  	s6 =	sand.u32 $0x1, s6;
	s8 =	sshll.u32 s2, $0x9;
	[smem:$0x7FF] =	sst s3  }
0x7: {  	s29 =	sshll.u32 s2, $0x8;
	s11 =	sshll.u32 s2, $0x2;
	s7 =	ssub.s32 $0x2, s6  }
0x8: {  	s9 =	sshll.u32 s6, $0x8;
	_ =	strace $0x80000047;
	s6 =	sshll.u32 s6, $0x7  }
0x9: {  	s30 =	sand.u32 $0x30, s11;
	s11 =	simm.s32 $0x2;
	s10 =	sshrl.u32 s7, $0x1  }
0xa: {  	s8 =	sor.u32 s9, s8;
	s6 =	sor.u32 s6, s29;
	s4 =	sadd.s32 s4, s30  }
0xb: {  	s7 =	ssub.s32 s7, s10;
	s9 =	sor.u32 $0x10, s8;
	s8 =	sshrl.u32 s8, $0x3  }
0xc: {  	s6 =	sand.u32 $0x380, s6;
	s9 =	sshrl.u32 s9, $0x3;
	s8 =	smul.u32 $0x500, s8  }
0xd: {  	s10 =	simm.s32 $0x1;
	s4 =	sadd.s32 s6, s4;
	s9 =	smul.u32 $0x500, s9  }
0xe: {  	s6 =	simm.s32 $0x3;
	s31 =	sadd.s32 s8, s5;
	s8 =	simm.s32 $0x200  }
0xf: {  	s9 =	sadd.s32 s9, s5;
	s5 =	smax.u32 s7, $0x1;
	[dreg:$0x4] =	wrdreg s31  }
0x10: {  	s7 =	simm.s32 $0x80;
	[dreg:$0x5] =	wrdreg s9;
	s9 =	simm.s32 $0xC800  }
.LBB2_1:
0x11: {  	[tilespmem:s3], [sflag:$0x3] =	stream.linear.gather [hbm4b:s1+s3], $0xC800, $0x38;
	[tilespmem:$0xC900] =	vst v63  }
0x12: {  	_ =	swait.ge [sflag:s6], $0xC800  }
0x13: {  	[sflag:s6] =	ssyncset.done $0x0  }
0x14: {  	[sflag:s6] =	ssyncadd.s32 $0xFFFF3800  }
0x15: {  	[tilespmem:s9], [sflag:$0x3] =	stream.strided.gather [hbm4b:s4+s7], $0x100, s8, s7, $0x38;
	[tilespmem:$0xC900] =	vst v63  }
0x16: {  	_ =	swait.ge [sflag:s6], $0x100  }
0x17: {  	[sflag:s6] =	ssyncset.done $0x0  }
0x18: {  	s13 =	simm.s32 $0xC810;
	s14 =	simm.s32 $0x0;
	[sflag:s6] =	ssyncadd.s32 $0xFFFFFF00  }
.LBB2_2:
0x19: {  	p0 =	seq.s32 s14, $0x0  }
0x1a: {  	s15 =	simm.s32 @!p0 $0x1  }
0x1b: {  	_ =	swait.ge @!p0 [sflag:s15], $0x500  }
0x1c: {  	[sflag:s15] =	ssyncset.done @!p0 $0x0  }
0x1d: {  	[sflag:s15] =	ssyncadd.s32 @!p0 $0xFFFFFB00  }
0x1e: {  	_ =	swait.ge @!p0 [sflag:s15], $0x500  }
0x1f: {  	[sflag:s15] =	ssyncset.done @!p0 $0x0  }
0x20: {  	[sflag:s15] =	ssyncadd.s32 @!p0 $0xFFFFFB00  }
0x21: {  	_ =	swait.ge @!p0 [sflag:s15], $0x500  }
0x22: {  	[sflag:s15] =	ssyncset.done @!p0 $0x0  }
0x23: {  	[sflag:s15] =	ssyncadd.s32 @!p0 $0xFFFFFB00  }
0x24: {  	_ =	swait.ge @!p0 [sflag:s15], $0x500  }
0x25: {  	[sflag:s15] =	ssyncset.done @!p0 $0x0  }
0x26: {  	[sflag:s15] =	ssyncadd.s32 @!p0 $0xFFFFFB00  }
0x27: {  	_ =	swait.ge @!p0 [sflag:s15], $0x500  }
0x28: {  	[sflag:s15] =	ssyncset.done @!p0 $0x0  }
0x29: {  	[sflag:s15] =	ssyncadd.s32 @!p0 $0xFFFFFB00  }
0x2a: {  	_ =	swait.ge @!p0 [sflag:s15], $0x500  }
0x2b: {  	[sflag:s15] =	ssyncset.done @!p0 $0x0  }
0x2c: {  	[sflag:s15] =	ssyncadd.s32 @!p0 $0xFFFFFB00  }
0x2d: {  	_ =	swait.ge @!p0 [sflag:s15], $0x500  }
0x2e: {  	[sflag:s15] =	ssyncset.done @!p0 $0x0  }
0x2f: {  	[sflag:s15] =	ssyncadd.s32 @!p0 $0xFFFFFB00  }
0x30: {  	_ =	swait.ge @!p0 [sflag:s15], $0x500  }
0x31: {  	[sflag:s15] =	ssyncset.done @!p0 $0x0  }
0x32: {  	[sflag:s15] =	ssyncadd.s32 @!p0 $0xFFFFFB00  }
0x33: {  	_ =	swait.ge @!p0 [sflag:s15], $0x500  }
0x34: {  	[sflag:s15] =	ssyncset.done @!p0 $0x0  }
0x35: {  	[sflag:s15] =	ssyncadd.s32 @!p0 $0xFFFFFB00  }
0x36: {  	_ =	swait.ge @!p0 [sflag:s15], $0x500  }
0x37: {  	[sflag:s15] =	ssyncset.done @!p0 $0x0  }
0x38: {  	[sflag:s15] =	ssyncadd.s32 @!p0 $0xFFFFFB00  }
0x39: {  	_ =	swait.ge @!p0 [sflag:s15], $0x500  }
0x3a: {  	[sflag:s15] =	ssyncset.done @!p0 $0x0  }
0x3b: {  	[sflag:s15] =	ssyncadd.s32 @!p0 $0xFFFFFB00  }
0x3c: {  	_ =	swait.ge @!p0 [sflag:s15], $0x500  }
0x3d: {  	[sflag:s15] =	ssyncset.done @!p0 $0x0  }
0x3e: {  	[sflag:s15] =	ssyncadd.s32 @!p0 $0xFFFFFB00  }
0x3f: {  	_ =	swait.ge @!p0 [sflag:s15], $0x500  }
0x40: {  	[sflag:s15] =	ssyncset.done @!p0 $0x0  }
0x41: {  	[sflag:s15] =	ssyncadd.s32 @!p0 $0xFFFFFB00  }
0x42: {  	_ =	swait.ge @!p0 [sflag:s15], $0x500  }
0x43: {  	[sflag:s15] =	ssyncset.done @!p0 $0x0  }
0x44: {  	[sflag:s15] =	ssyncadd.s32 @!p0 $0xFFFFFB00  }
0x45: {  	_ =	swait.ge @!p0 [sflag:s15], $0x500  }
0x46: {  	[sflag:s15] =	ssyncset.done @!p0 $0x0  }
0x47: {  	[sflag:s15] =	ssyncadd.s32 @!p0 $0xFFFFFB00  }
0x48: {  	_ =	swait.ge @!p0 [sflag:s15], $0x500  }
0x49: {  	[sflag:s15] =	ssyncset.done @!p0 $0x0  }
0x4a: {  	[sflag:s15] =	ssyncadd.s32 @!p0 $0xFFFFFB00  }
0x4b: {  	v0 =	vld [tilespmem:s13+$0xFFFFFFF0];
	_ =	sdelay $0x4  }
0x4c: {  	(v2sf) =	vpush v0, $0x0;
	_ =	sdelay $0xe  }
0x4d: {  	s20 =	spop (v2sf)  }
0x4e: {  	s16 =	sshrl.u32 s20, $0x3  }
0x4f: {  	s16 =	smul.u32 $0xA000, s16  }
0x50: {  	s15 =	sshll.u32 s20, $0x7  }
0x51: {  	s17 =	rddreg [dreg:$0x4];
	(v2sf) =	vpush v0, $0x1;
	s18 =	sand.u32 $0x380, s15;
	s16 =	sshra.s32 s16, $0x2  }
0x52: {  	s15 =	sadd.s32 s14, s17;
	s16 =	sor.u32 s18, s16  }
0x53: {  	[hbm4b:s15+s3] =	stream.linear.scatter [tilespmem:s16], [sflag:$0x1], $0x80, $0x38;
	[tilespmem:$0xC900] =	vst v63  }
0x54: {  	s22 =	sadd.s32 $0x80, s15;
	s21 =	sor.u32 $0x400, s16  }
0x55: {  	[hbm4b:s22+s3] =	stream.linear.scatter [tilespmem:s21], [sflag:$0x1], $0x80, $0x38;
	[tilespmem:$0xC900] =	vst v63  }
0x56: {  	s24 =	sadd.s32 $0x100, s15;
	s23 =	sadd.s32 $0x800, s16  }
0x57: {  	[hbm4b:s24+s3] =	stream.linear.scatter [tilespmem:s23], [sflag:$0x1], $0x80, $0x38;
	[tilespmem:$0xC900] =	vst v63  }
0x58: {  	s26 =	sadd.s32 $0x180, s15;
	s25 =	sadd.s32 $0xC00, s16  }
0x59: {  	[hbm4b:s26+s3] =	stream.linear.scatter [tilespmem:s25], [sflag:$0x1], $0x80, $0x38;
	[tilespmem:$0xC900] =	vst v63  }
0x5a: {  	s29 =	sadd.s32 $0x200, s15;
	s28 =	sadd.s32 $0x1000, s16  }
0x5b: {  	[hbm4b:s29+s3] =	stream.linear.scatter [tilespmem:s28], [sflag:$0x1], $0x80, $0x38;
	[tilespmem:$0xC900] =	vst v63  }
0x5c: {  	s31 =	sadd.s32 $0x280, s15;
	s30 =	sadd.s32 $0x1400, s16  }
0x5d: {  	[hbm4b:s31+s3] =	stream.linear.scatter [tilespmem:s30], [sflag:$0x1], $0x80, $0x38;
	[tilespmem:$0xC900] =	vst v63  }
0x5e: {  	s19 =	sadd.s32 $0x300, s15;
	s18 =	sadd.s32 $0x1800, s16  }
0x5f: {  	[hbm4b:s19+s3] =	stream.linear.scatter [tilespmem:s18], [sflag:$0x1], $0x80, $0x38;
	[tilespmem:$0xC900] =	vst v63  }
0x60: {  	s20 =	sadd.s32 $0x1C00, s16;
	s21 =	sadd.s32 $0x380, s15;
	s25 =	spop (v2sf)  }
0x61: {  	[hbm4b:s21+s3] =	stream.linear.scatter [tilespmem:s20], [sflag:$0x1], $0x80, $0x38;
	[tilespmem:$0xC900] =	vst v63  }
0x62: {  	s22 =	sadd.s32 $0x2000, s16;
	s23 =	sadd.s32 $0x400, s15;
	s26 =	sshrl.u32 s25, $0x3  }
0x63: {  	[hbm4b:s23+s3] =	stream.linear.scatter [tilespmem:s22], [sflag:$0x1], $0x80, $0x38;
	[tilespmem:$0xC900] =	vst v63  }
0x64: {  	s16 =	sadd.s32 $0x2400, s16;
	s24 =	sadd.s32 $0x480, s15;
	s17 =	smul.u32 $0xA000, s26  }
0x65: {  	[hbm4b:s24+s3] =	stream.linear.scatter [tilespmem:s16], [sflag:$0x1], $0x80, $0x38;
	[tilespmem:$0xC900] =	vst v63  }
0x66: {  	s16 =	sshll.u32 s25, $0x7  }
0x67: {  	(v2sf) =	vpush v0, $0x2;
	s17 =	sshra.s32 s17, $0x2;
	s16 =	sand.u32 $0x380, s16  }
0x68: {  	s28 =	sadd.s32 $0x10, s15;
	s16 =	sor.u32 s16, s17  }
0x69: {  	[hbm4b:s28+s3] =	stream.linear.scatter [tilespmem:s16], [sflag:$0x1], $0x80, $0x38;
	[tilespmem:$0xC900] =	vst v63  }
0x6a: {  	s29 =	sadd.s32 $0x90, s15;
	s17 =	sor.u32 $0x400, s16  }
0x6b: {  	[hbm4b:s29+s3] =	stream.linear.scatter [tilespmem:s17], [sflag:$0x1], $0x80, $0x38;
	[tilespmem:$0xC900] =	vst v63  }
0x6c: {  	s31 =	sadd.s32 $0x110, s15;
	s30 =	sadd.s32 $0x800, s16  }
0x6d: {  	[hbm4b:s31+s3] =	stream.linear.scatter [tilespmem:s30], [sflag:$0x1], $0x80, $0x38;
	[tilespmem:$0xC900] =	vst v63  }
0x6e: {  	s20 =	sadd.s32 $0x190, s15;
	s19 =	sadd.s32 $0xC00, s16  }
0x6f: {  	[hbm4b:s20+s3] =	stream.linear.scatter [tilespmem:s19], [sflag:$0x1], $0x80, $0x38;
	[tilespmem:$0xC900] =	vst v63  }
0x70: {  	s22 =	sadd.s32 $0x210, s15;
	s21 =	sadd.s32 $0x1000, s16  }
0x71: {  	[hbm4b:s22+s3] =	stream.linear.scatter [tilespmem:s21], [sflag:$0x1], $0x80, $0x38;
	[tilespmem:$0xC900] =	vst v63  }
0x72: {  	s24 =	sadd.s32 $0x290, s15;
	s23 =	sadd.s32 $0x1400, s16  }
0x73: {  	[hbm4b:s24+s3] =	stream.linear.scatter [tilespmem:s23], [sflag:$0x1], $0x80, $0x38;
	[tilespmem:$0xC900] =	vst v63  }
0x74: {  	s26 =	sadd.s32 $0x310, s15;
	s25 =	sadd.s32 $0x1800, s16  }
0x75: {  	[hbm4b:s26+s3] =	stream.linear.scatter [tilespmem:s25], [sflag:$0x1], $0x80, $0x38;
	[tilespmem:$0xC900] =	vst v63  }
0x76: {  	s28 =	sadd.s32 $0x1C00, s16;
	s29 =	sadd.s32 $0x390, s15;
	s19 =	spop (v2sf)  }
0x77: {  	[hbm4b:s29+s3] =	stream.linear.scatter [tilespmem:s28], [sflag:$0x1], $0x80, $0x38;
	[tilespmem:$0xC900] =	vst v63  }
0x78: {  	s30 =	sadd.s32 $0x2000, s16;
	s31 =	sadd.s32 $0x410, s15;
	s20 =	sshrl.u32 s19, $0x3  }
0x79: {  	[hbm4b:s31+s3] =	stream.linear.scatter [tilespmem:s30], [sflag:$0x1], $0x80, $0x38;
	[tilespmem:$0xC900] =	vst v63  }
0x7a: {  	s18 =	sadd.s32 $0x490, s15;
	s16 =	sadd.s32 $0x2400, s16;
	s17 =	smul.u32 $0xA000, s20  }
0x7b: {  	[hbm4b:s18+s3] =	stream.linear.scatter [tilespmem:s16], [sflag:$0x1], $0x80, $0x38;
	[tilespmem:$0xC900] =	vst v63  }
0x7c: {  	s16 =	sshll.u32 s19, $0x7  }
0x7d: {  	(v2sf) =	vpush v0, $0x3;
	s17 =	sshra.s32 s17, $0x2;
	s16 =	sand.u32 $0x380, s16  }
0x7e: {  	s21 =	sadd.s32 $0x20, s15;
	s16 =	sor.u32 s16, s17  }
0x7f: {  	[hbm4b:s21+s3] =	stream.linear.scatter [tilespmem:s16], [sflag:$0x1], $0x80, $0x38;
	[tilespmem:$0xC900] =	vst v63  }
0x80: {  	s22 =	sadd.s32 $0xA0, s15;
	s17 =	sor.u32 $0x400, s16  }
0x81: {  	[hbm4b:s22+s3] =	stream.linear.scatter [tilespmem:s17], [sflag:$0x1], $0x80, $0x38;
	[tilespmem:$0xC900] =	vst v63  }
0x82: {  	s24 =	sadd.s32 $0x120, s15;
	s23 =	sadd.s32 $0x800, s16  }
0x83: {  	[hbm4b:s24+s3] =	stream.linear.scatter [tilespmem:s23], [sflag:$0x1], $0x80, $0x38;
	[tilespmem:$0xC900] =	vst v63  }
0x84: {  	s26 =	sadd.s32 $0x1A0, s15;
	s25 =	sadd.s32 $0xC00, s16  }
0x85: {  	[hbm4b:s26+s3] =	stream.linear.scatter [tilespmem:s25], [sflag:$0x1], $0x80, $0x38;
	[tilespmem:$0xC900] =	vst v63  }
0x86: {  	s29 =	sadd.s32 $0x220, s15;
	s28 =	sadd.s32 $0x1000, s16  }
0x87: {  	[hbm4b:s29+s3] =	stream.linear.scatter [tilespmem:s28], [sflag:$0x1], $0x80, $0x38;
	[tilespmem:$0xC900] =	vst v63  }
0x88: {  	s31 =	sadd.s32 $0x2A0, s15;
	s30 =	sadd.s32 $0x1400, s16  }
0x89: {  	[hbm4b:s31+s3] =	stream.linear.scatter [tilespmem:s30], [sflag:$0x1], $0x80, $0x38;
	[tilespmem:$0xC900] =	vst v63  }
0x8a: {  	s19 =	sadd.s32 $0x320, s15;
	s18 =	sadd.s32 $0x1800, s16  }
0x8b: {  	[hbm4b:s19+s3] =	stream.linear.scatter [tilespmem:s18], [sflag:$0x1], $0x80, $0x38;
	[tilespmem:$0xC900] =	vst v63  }
0x8c: {  	s20 =	sadd.s32 $0x1C00, s16;
	s21 =	sadd.s32 $0x3A0, s15;
	s25 =	spop (v2sf)  }
0x8d: {  	[hbm4b:s21+s3] =	stream.linear.scatter [tilespmem:s20], [sflag:$0x1], $0x80, $0x38;
	[tilespmem:$0xC900] =	vst v63  }
0x8e: {  	s22 =	sadd.s32 $0x2000, s16;
	s23 =	sadd.s32 $0x420, s15;
	s26 =	sshrl.u32 s25, $0x3  }
0x8f: {  	[hbm4b:s23+s3] =	stream.linear.scatter [tilespmem:s22], [sflag:$0x1], $0x80, $0x38;
	[tilespmem:$0xC900] =	vst v63  }
0x90: {  	s16 =	sadd.s32 $0x2400, s16;
	s24 =	sadd.s32 $0x4A0, s15;
	s17 =	smul.u32 $0xA000, s26  }
0x91: {  	[hbm4b:s24+s3] =	stream.linear.scatter [tilespmem:s16], [sflag:$0x1], $0x80, $0x38;
	[tilespmem:$0xC900] =	vst v63  }
0x92: {  	s16 =	sshll.u32 s25, $0x7  }
0x93: {  	(v2sf) =	vpush v0, $0x4;
	s17 =	sshra.s32 s17, $0x2;
	s16 =	sand.u32 $0x380, s16  }
0x94: {  	s28 =	sadd.s32 $0x30, s15;
	s16 =	sor.u32 s16, s17  }
0x95: {  	[hbm4b:s28+s3] =	stream.linear.scatter [tilespmem:s16], [sflag:$0x1], $0x80, $0x38;
	[tilespmem:$0xC900] =	vst v63  }
0x96: {  	s29 =	sadd.s32 $0xB0, s15;
	s17 =	sor.u32 $0x400, s16  }
0x97: {  	[hbm4b:s29+s3] =	stream.linear.scatter [tilespmem:s17], [sflag:$0x1], $0x80, $0x38;
	[tilespmem:$0xC900] =	vst v63  }
0x98: {  	s31 =	sadd.s32 $0x130, s15;
	s30 =	sadd.s32 $0x800, s16  }
0x99: {  	[hbm4b:s31+s3] =	stream.linear.scatter [tilespmem:s30], [sflag:$0x1], $0x80, $0x38;
	[tilespmem:$0xC900] =	vst v63  }
0x9a: {  	s20 =	sadd.s32 $0x1B0, s15;
	s19 =	sadd.s32 $0xC00, s16  }
0x9b: {  	[hbm4b:s20+s3] =	stream.linear.scatter [tilespmem:s19], [sflag:$0x1], $0x80, $0x38;
	[tilespmem:$0xC900] =	vst v63  }
0x9c: {  	s22 =	sadd.s32 $0x230, s15;
	s21 =	sadd.s32 $0x1000, s16  }
0x9d: {  	[hbm4b:s22+s3] =	stream.linear.scatter [tilespmem:s21], [sflag:$0x1], $0x80, $0x38;
	[tilespmem:$0xC900] =	vst v63  }
0x9e: {  	s24 =	sadd.s32 $0x2B0, s15;
	s23 =	sadd.s32 $0x1400, s16  }
0x9f: {  	[hbm4b:s24+s3] =	stream.linear.scatter [tilespmem:s23], [sflag:$0x1], $0x80, $0x38;
	[tilespmem:$0xC900] =	vst v63  }
0xa0: {  	s26 =	sadd.s32 $0x330, s15;
	s25 =	sadd.s32 $0x1800, s16  }
0xa1: {  	[hbm4b:s26+s3] =	stream.linear.scatter [tilespmem:s25], [sflag:$0x1], $0x80, $0x38;
	[tilespmem:$0xC900] =	vst v63  }
0xa2: {  	s28 =	sadd.s32 $0x1C00, s16;
	s29 =	sadd.s32 $0x3B0, s15;
	s19 =	spop (v2sf)  }
0xa3: {  	[hbm4b:s29+s3] =	stream.linear.scatter [tilespmem:s28], [sflag:$0x1], $0x80, $0x38;
	[tilespmem:$0xC900] =	vst v63  }
0xa4: {  	s30 =	sadd.s32 $0x2000, s16;
	s31 =	sadd.s32 $0x430, s15;
	s20 =	sshrl.u32 s19, $0x3  }
0xa5: {  	[hbm4b:s31+s3] =	stream.linear.scatter [tilespmem:s30], [sflag:$0x1], $0x80, $0x38;
	[tilespmem:$0xC900] =	vst v63  }
0xa6: {  	s18 =	sadd.s32 $0x4B0, s15;
	s16 =	sadd.s32 $0x2400, s16;
	s17 =	smul.u32 $0xA000, s20  }
0xa7: {  	[hbm4b:s18+s3] =	stream.linear.scatter [tilespmem:s16], [sflag:$0x1], $0x80, $0x38;
	[tilespmem:$0xC900] =	vst v63  }
0xa8: {  	s16 =	sshll.u32 s19, $0x7  }
0xa9: {  	(v2sf) =	vpush v0, $0x5;
	s17 =	sshra.s32 s17, $0x2;
	s16 =	sand.u32 $0x380, s16  }
0xaa: {  	s21 =	sadd.s32 $0x40, s15;
	s16 =	sor.u32 s16, s17  }
0xab: {  	[hbm4b:s21+s3] =	stream.linear.scatter [tilespmem:s16], [sflag:$0x1], $0x80, $0x38;
	[tilespmem:$0xC900] =	vst v63  }
0xac: {  	s22 =	sadd.s32 $0xC0, s15;
	s17 =	sor.u32 $0x400, s16  }
0xad: {  	[hbm4b:s22+s3] =	stream.linear.scatter [tilespmem:s17], [sflag:$0x1], $0x80, $0x38;
	[tilespmem:$0xC900] =	vst v63  }
0xae: {  	s24 =	sadd.s32 $0x140, s15;
	s23 =	sadd.s32 $0x800, s16  }
0xaf: {  	[hbm4b:s24+s3] =	stream.linear.scatter [tilespmem:s23], [sflag:$0x1], $0x80, $0x38;
	[tilespmem:$0xC900] =	vst v63  }
0xb0: {  	s26 =	sadd.s32 $0x1C0, s15;
	s25 =	sadd.s32 $0xC00, s16  }
0xb1: {  	[hbm4b:s26+s3] =	stream.linear.scatter [tilespmem:s25], [sflag:$0x1], $0x80, $0x38;
	[tilespmem:$0xC900] =	vst v63  }
0xb2: {  	s29 =	sadd.s32 $0x240, s15;
	s28 =	sadd.s32 $0x1000, s16  }
0xb3: {  	[hbm4b:s29+s3] =	stream.linear.scatter [tilespmem:s28], [sflag:$0x1], $0x80, $0x38;
	[tilespmem:$0xC900] =	vst v63  }
0xb4: {  	s31 =	sadd.s32 $0x2C0, s15;
	s30 =	sadd.s32 $0x1400, s16  }
0xb5: {  	[hbm4b:s31+s3] =	stream.linear.scatter [tilespmem:s30], [sflag:$0x1], $0x80, $0x38;
	[tilespmem:$0xC900] =	vst v63  }
0xb6: {  	s19 =	sadd.s32 $0x340, s15;
	s18 =	sadd.s32 $0x1800, s16  }
0xb7: {  	[hbm4b:s19+s3] =	stream.linear.scatter [tilespmem:s18], [sflag:$0x1], $0x80, $0x38;
	[tilespmem:$0xC900] =	vst v63  }
0xb8: {  	s20 =	sadd.s32 $0x1C00, s16;
	s21 =	sadd.s32 $0x3C0, s15;
	s25 =	spop (v2sf)  }
0xb9: {  	[hbm4b:s21+s3] =	stream.linear.scatter [tilespmem:s20], [sflag:$0x1], $0x80, $0x38;
	[tilespmem:$0xC900] =	vst v63  }
0xba: {  	s22 =	sadd.s32 $0x2000, s16;
	s23 =	sadd.s32 $0x440, s15;
	s26 =	sshrl.u32 s25, $0x3  }
0xbb: {  	[hbm4b:s23+s3] =	stream.linear.scatter [tilespmem:s22], [sflag:$0x1], $0x80, $0x38;
	[tilespmem:$0xC900] =	vst v63  }
0xbc: {  	s16 =	sadd.s32 $0x2400, s16;
	s24 =	sadd.s32 $0x4C0, s15;
	s17 =	smul.u32 $0xA000, s26  }
0xbd: {  	[hbm4b:s24+s3] =	stream.linear.scatter [tilespmem:s16], [sflag:$0x1], $0x80, $0x38;
	[tilespmem:$0xC900] =	vst v63  }
0xbe: {  	s16 =	sshll.u32 s25, $0x7  }
0xbf: {  	(v2sf) =	vpush v0, $0x6;
	s17 =	sshra.s32 s17, $0x2;
	s16 =	sand.u32 $0x380, s16  }
0xc0: {  	s28 =	sadd.s32 $0x50, s15;
	s16 =	sor.u32 s16, s17  }
0xc1: {  	[hbm4b:s28+s3] =	stream.linear.scatter [tilespmem:s16], [sflag:$0x1], $0x80, $0x38;
	[tilespmem:$0xC900] =	vst v63  }
0xc2: {  	s29 =	sadd.s32 $0xD0, s15;
	s17 =	sor.u32 $0x400, s16  }
0xc3: {  	[hbm4b:s29+s3] =	stream.linear.scatter [tilespmem:s17], [sflag:$0x1], $0x80, $0x38;
	[tilespmem:$0xC900] =	vst v63  }
0xc4: {  	s31 =	sadd.s32 $0x150, s15;
	s30 =	sadd.s32 $0x800, s16  }
0xc5: {  	[hbm4b:s31+s3] =	stream.linear.scatter [tilespmem:s30], [sflag:$0x1], $0x80, $0x38;
	[tilespmem:$0xC900] =	vst v63  }
0xc6: {  	s20 =	sadd.s32 $0x1D0, s15;
	s19 =	sadd.s32 $0xC00, s16  }
0xc7: {  	[hbm4b:s20+s3] =	stream.linear.scatter [tilespmem:s19], [sflag:$0x1], $0x80, $0x38;
	[tilespmem:$0xC900] =	vst v63  }
0xc8: {  	s22 =	sadd.s32 $0x250, s15;
	s21 =	sadd.s32 $0x1000, s16  }
0xc9: {  	[hbm4b:s22+s3] =	stream.linear.scatter [tilespmem:s21], [sflag:$0x1], $0x80, $0x38;
	[tilespmem:$0xC900] =	vst v63  }
0xca: {  	s24 =	sadd.s32 $0x2D0, s15;
	s23 =	sadd.s32 $0x1400, s16  }
0xcb: {  	[hbm4b:s24+s3] =	stream.linear.scatter [tilespmem:s23], [sflag:$0x1], $0x80, $0x38;
	[tilespmem:$0xC900] =	vst v63  }
0xcc: {  	s26 =	sadd.s32 $0x350, s15;
	s25 =	sadd.s32 $0x1800, s16  }
0xcd: {  	[hbm4b:s26+s3] =	stream.linear.scatter [tilespmem:s25], [sflag:$0x1], $0x80, $0x38;
	[tilespmem:$0xC900] =	vst v63  }
0xce: {  	s28 =	sadd.s32 $0x1C00, s16;
	s29 =	sadd.s32 $0x3D0, s15;
	s19 =	spop (v2sf)  }
0xcf: {  	[hbm4b:s29+s3] =	stream.linear.scatter [tilespmem:s28], [sflag:$0x1], $0x80, $0x38;
	[tilespmem:$0xC900] =	vst v63  }
0xd0: {  	s30 =	sadd.s32 $0x2000, s16;
	s31 =	sadd.s32 $0x450, s15;
	s20 =	sshrl.u32 s19, $0x3  }
0xd1: {  	[hbm4b:s31+s3] =	stream.linear.scatter [tilespmem:s30], [sflag:$0x1], $0x80, $0x38;
	[tilespmem:$0xC900] =	vst v63  }
0xd2: {  	s18 =	sadd.s32 $0x4D0, s15;
	s16 =	sadd.s32 $0x2400, s16;
	s17 =	smul.u32 $0xA000, s20  }
0xd3: {  	[hbm4b:s18+s3] =	stream.linear.scatter [tilespmem:s16], [sflag:$0x1], $0x80, $0x38;
	[tilespmem:$0xC900] =	vst v63  }
0xd4: {  	s16 =	sshll.u32 s19, $0x7  }
0xd5: {  	(v2sf) =	vpush v0, $0x7;
	s17 =	sshra.s32 s17, $0x2;
	s16 =	sand.u32 $0x380, s16  }
0xd6: {  	s21 =	sadd.s32 $0x60, s15;
	s16 =	sor.u32 s16, s17  }
0xd7: {  	[hbm4b:s21+s3] =	stream.linear.scatter [tilespmem:s16], [sflag:$0x1], $0x80, $0x38;
	[tilespmem:$0xC900] =	vst v63  }
0xd8: {  	s22 =	sadd.s32 $0xE0, s15;
	s17 =	sor.u32 $0x400, s16  }
0xd9: {  	[hbm4b:s22+s3] =	stream.linear.scatter [tilespmem:s17], [sflag:$0x1], $0x80, $0x38;
	[tilespmem:$0xC900] =	vst v63  }
0xda: {  	s24 =	sadd.s32 $0x160, s15;
	s23 =	sadd.s32 $0x800, s16  }
0xdb: {  	[hbm4b:s24+s3] =	stream.linear.scatter [tilespmem:s23], [sflag:$0x1], $0x80, $0x38;
	[tilespmem:$0xC900] =	vst v63  }
0xdc: {  	s26 =	sadd.s32 $0x1E0, s15;
	s25 =	sadd.s32 $0xC00, s16  }
0xdd: {  	[hbm4b:s26+s3] =	stream.linear.scatter [tilespmem:s25], [sflag:$0x1], $0x80, $0x38;
	[tilespmem:$0xC900] =	vst v63  }
0xde: {  	s29 =	sadd.s32 $0x260, s15;
	s28 =	sadd.s32 $0x1000, s16  }
0xdf: {  	[hbm4b:s29+s3] =	stream.linear.scatter [tilespmem:s28], [sflag:$0x1], $0x80, $0x38;
	[tilespmem:$0xC900] =	vst v63  }
0xe0: {  	s31 =	sadd.s32 $0x2E0, s15;
	s30 =	sadd.s32 $0x1400, s16  }
0xe1: {  	[hbm4b:s31+s3] =	stream.linear.scatter [tilespmem:s30], [sflag:$0x1], $0x80, $0x38;
	[tilespmem:$0xC900] =	vst v63  }
0xe2: {  	s19 =	sadd.s32 $0x360, s15;
	s18 =	sadd.s32 $0x1800, s16  }
0xe3: {  	[hbm4b:s19+s3] =	stream.linear.scatter [tilespmem:s18], [sflag:$0x1], $0x80, $0x38;
	[tilespmem:$0xC900] =	vst v63  }
0xe4: {  	s20 =	sadd.s32 $0x1C00, s16;
	s21 =	sadd.s32 $0x3E0, s15;
	s25 =	spop (v2sf)  }
0xe5: {  	[hbm4b:s21+s3] =	stream.linear.scatter [tilespmem:s20], [sflag:$0x1], $0x80, $0x38;
	[tilespmem:$0xC900] =	vst v63  }
0xe6: {  	s22 =	sadd.s32 $0x2000, s16;
	s23 =	sadd.s32 $0x460, s15;
	s26 =	sshrl.u32 s25, $0x3  }
0xe7: {  	[hbm4b:s23+s3] =	stream.linear.scatter [tilespmem:s22], [sflag:$0x1], $0x80, $0x38;
	[tilespmem:$0xC900] =	vst v63  }
0xe8: {  	s16 =	sadd.s32 $0x2400, s16;
	s24 =	sadd.s32 $0x4E0, s15;
	s17 =	smul.u32 $0xA000, s26  }
0xe9: {  	[hbm4b:s24+s3] =	stream.linear.scatter [tilespmem:s16], [sflag:$0x1], $0x80, $0x38;
	[tilespmem:$0xC900] =	vst v63  }
0xea: {  	s16 =	sshll.u32 s25, $0x7  }
0xeb: {  	(v2sf) =	vpush v0, $0x8;
	s17 =	sshra.s32 s17, $0x2;
	s16 =	sand.u32 $0x380, s16  }
0xec: {  	s28 =	sadd.s32 $0x70, s15;
	s16 =	sor.u32 s16, s17  }
0xed: {  	[hbm4b:s28+s3] =	stream.linear.scatter [tilespmem:s16], [sflag:$0x1], $0x80, $0x38;
	[tilespmem:$0xC900] =	vst v63  }
0xee: {  	s29 =	sadd.s32 $0xF0, s15;
	s17 =	sor.u32 $0x400, s16  }
0xef: {  	[hbm4b:s29+s3] =	stream.linear.scatter [tilespmem:s17], [sflag:$0x1], $0x80, $0x38;
	[tilespmem:$0xC900] =	vst v63  }
0xf0: {  	s31 =	sadd.s32 $0x170, s15;
	s30 =	sadd.s32 $0x800, s16  }
0xf1: {  	[hbm4b:s31+s3] =	stream.linear.scatter [tilespmem:s30], [sflag:$0x1], $0x80, $0x38;
	[tilespmem:$0xC900] =	vst v63  }
0xf2: {  	s20 =	sadd.s32 $0x1F0, s15;
	s19 =	sadd.s32 $0xC00, s16  }
0xf3: {  	[hbm4b:s20+s3] =	stream.linear.scatter [tilespmem:s19], [sflag:$0x1], $0x80, $0x38;
	[tilespmem:$0xC900] =	vst v63  }
0xf4: {  	s22 =	sadd.s32 $0x270, s15;
	s21 =	sadd.s32 $0x1000, s16  }
0xf5: {  	[hbm4b:s22+s3] =	stream.linear.scatter [tilespmem:s21], [sflag:$0x1], $0x80, $0x38;
	[tilespmem:$0xC900] =	vst v63  }
0xf6: {  	s24 =	sadd.s32 $0x2F0, s15;
	s23 =	sadd.s32 $0x1400, s16  }
0xf7: {  	[hbm4b:s24+s3] =	stream.linear.scatter [tilespmem:s23], [sflag:$0x1], $0x80, $0x38;
	[tilespmem:$0xC900] =	vst v63  }
0xf8: {  	s26 =	sadd.s32 $0x370, s15;
	s25 =	sadd.s32 $0x1800, s16  }
0xf9: {  	[hbm4b:s26+s3] =	stream.linear.scatter [tilespmem:s25], [sflag:$0x1], $0x80, $0x38;
	[tilespmem:$0xC900] =	vst v63  }
0xfa: {  	s28 =	sadd.s32 $0x1C00, s16;
	s29 =	sadd.s32 $0x3F0, s15;
	s19 =	spop (v2sf)  }
0xfb: {  	[hbm4b:s29+s3] =	stream.linear.scatter [tilespmem:s28], [sflag:$0x1], $0x80, $0x38;
	[tilespmem:$0xC900] =	vst v63  }
0xfc: {  	s30 =	sadd.s32 $0x2000, s16;
	s31 =	sadd.s32 $0x470, s15;
	s20 =	sshrl.u32 s19, $0x3  }
0xfd: {  	[hbm4b:s31+s3] =	stream.linear.scatter [tilespmem:s30], [sflag:$0x1], $0x80, $0x38;
	[tilespmem:$0xC900] =	vst v63  }
0xfe: {  	s18 =	sadd.s32 $0x4F0, s15;
	s16 =	sadd.s32 $0x2400, s16;
	s17 =	smul.u32 $0xA000, s20  }
0xff: {  	[hbm4b:s18+s3] =	stream.linear.scatter [tilespmem:s16], [sflag:$0x1], $0x80, $0x38;
	[tilespmem:$0xC900] =	vst v63  }
0x100: {  	s16 =	sshll.u32 s19, $0x7  }
0x101: {  	(v2sf) =	vpush v0, $0x9;
	s17 =	sshra.s32 s17, $0x2;
	s16 =	sand.u32 $0x380, s16  }
0x102: {  	s21 =	sadd.s32 $0x500, s15;
	s16 =	sor.u32 s16, s17  }
0x103: {  	[hbm4b:s21+s3] =	stream.linear.scatter [tilespmem:s16], [sflag:$0x1], $0x80, $0x38;
	[tilespmem:$0xC900] =	vst v63  }
0x104: {  	s22 =	sadd.s32 $0x580, s15;
	s17 =	sor.u32 $0x400, s16  }
0x105: {  	[hbm4b:s22+s3] =	stream.linear.scatter [tilespmem:s17], [sflag:$0x1], $0x80, $0x38;
	[tilespmem:$0xC900] =	vst v63  }
0x106: {  	s24 =	sadd.s32 $0x600, s15;
	s23 =	sadd.s32 $0x800, s16  }
0x107: {  	[hbm4b:s24+s3] =	stream.linear.scatter [tilespmem:s23], [sflag:$0x1], $0x80, $0x38;
	[tilespmem:$0xC900] =	vst v63  }
0x108: {  	s26 =	sadd.s32 $0x680, s15;
	s25 =	sadd.s32 $0xC00, s16  }
0x109: {  	[hbm4b:s26+s3] =	stream.linear.scatter [tilespmem:s25], [sflag:$0x1], $0x80, $0x38;
	[tilespmem:$0xC900] =	vst v63  }
0x10a: {  	s29 =	sadd.s32 $0x700, s15;
	s28 =	sadd.s32 $0x1000, s16  }
0x10b: {  	[hbm4b:s29+s3] =	stream.linear.scatter [tilespmem:s28], [sflag:$0x1], $0x80, $0x38;
	[tilespmem:$0xC900] =	vst v63  }
0x10c: {  	s31 =	sadd.s32 $0x780, s15;
	s30 =	sadd.s32 $0x1400, s16  }
0x10d: {  	[hbm4b:s31+s3] =	stream.linear.scatter [tilespmem:s30], [sflag:$0x1], $0x80, $0x38;
	[tilespmem:$0xC900] =	vst v63  }
0x10e: {  	s19 =	sadd.s32 $0x800, s15;
	s18 =	sadd.s32 $0x1800, s16  }
0x10f: {  	[hbm4b:s19+s3] =	stream.linear.scatter [tilespmem:s18], [sflag:$0x1], $0x80, $0x38;
	[tilespmem:$0xC900] =	vst v63  }
0x110: {  	s20 =	sadd.s32 $0x1C00, s16;
	s21 =	sadd.s32 $0x880, s15;
	s25 =	spop (v2sf)  }
0x111: {  	[hbm4b:s21+s3] =	stream.linear.scatter [tilespmem:s20], [sflag:$0x1], $0x80, $0x38;
	[tilespmem:$0xC900] =	vst v63  }
0x112: {  	s22 =	sadd.s32 $0x2000, s16;
	s23 =	sadd.s32 $0x900, s15;
	s26 =	sshrl.u32 s25, $0x3  }
0x113: {  	[hbm4b:s23+s3] =	stream.linear.scatter [tilespmem:s22], [sflag:$0x1], $0x80, $0x38;
	[tilespmem:$0xC900] =	vst v63  }
0x114: {  	s16 =	sadd.s32 $0x2400, s16;
	s24 =	sadd.s32 $0x980, s15;
	s17 =	smul.u32 $0xA000, s26  }
0x115: {  	[hbm4b:s24+s3] =	stream.linear.scatter [tilespmem:s16], [sflag:$0x1], $0x80, $0x38;
	[tilespmem:$0xC900] =	vst v63  }
0x116: {  	s16 =	sshll.u32 s25, $0x7  }
0x117: {  	(v2sf) =	vpush v0, $0xA;
	s17 =	sshra.s32 s17, $0x2;
	s16 =	sand.u32 $0x380, s16  }
0x118: {  	s28 =	sadd.s32 $0x510, s15;
	s16 =	sor.u32 s16, s17  }
0x119: {  	[hbm4b:s28+s3] =	stream.linear.scatter [tilespmem:s16], [sflag:$0x1], $0x80, $0x38;
	[tilespmem:$0xC900] =	vst v63  }
0x11a: {  	s29 =	sadd.s32 $0x590, s15;
	s17 =	sor.u32 $0x400, s16  }
0x11b: {  	[hbm4b:s29+s3] =	stream.linear.scatter [tilespmem:s17], [sflag:$0x1], $0x80, $0x38;
	[tilespmem:$0xC900] =	vst v63  }
0x11c: {  	s31 =	sadd.s32 $0x610, s15;
	s30 =	sadd.s32 $0x800, s16  }
0x11d: {  	[hbm4b:s31+s3] =	stream.linear.scatter [tilespmem:s30], [sflag:$0x1], $0x80, $0x38;
	[tilespmem:$0xC900] =	vst v63  }
0x11e: {  	s20 =	sadd.s32 $0x690, s15;
	s19 =	sadd.s32 $0xC00, s16  }
0x11f: {  	[hbm4b:s20+s3] =	stream.linear.scatter [tilespmem:s19], [sflag:$0x1], $0x80, $0x38;
	[tilespmem:$0xC900] =	vst v63  }
0x120: {  	s22 =	sadd.s32 $0x710, s15;
	s21 =	sadd.s32 $0x1000, s16  }
0x121: {  	[hbm4b:s22+s3] =	stream.linear.scatter [tilespmem:s21], [sflag:$0x1], $0x80, $0x38;
	[tilespmem:$0xC900] =	vst v63  }
0x122: {  	s24 =	sadd.s32 $0x790, s15;
	s23 =	sadd.s32 $0x1400, s16  }
0x123: {  	[hbm4b:s24+s3] =	stream.linear.scatter [tilespmem:s23], [sflag:$0x1], $0x80, $0x38;
	[tilespmem:$0xC900] =	vst v63  }
0x124: {  	s26 =	sadd.s32 $0x810, s15;
	s25 =	sadd.s32 $0x1800, s16  }
0x125: {  	[hbm4b:s26+s3] =	stream.linear.scatter [tilespmem:s25], [sflag:$0x1], $0x80, $0x38;
	[tilespmem:$0xC900] =	vst v63  }
0x126: {  	s28 =	sadd.s32 $0x1C00, s16;
	s29 =	sadd.s32 $0x890, s15;
	s19 =	spop (v2sf)  }
0x127: {  	[hbm4b:s29+s3] =	stream.linear.scatter [tilespmem:s28], [sflag:$0x1], $0x80, $0x38;
	[tilespmem:$0xC900] =	vst v63  }
0x128: {  	s30 =	sadd.s32 $0x2000, s16;
	s31 =	sadd.s32 $0x910, s15;
	s20 =	sshrl.u32 s19, $0x3  }
0x129: {  	[hbm4b:s31+s3] =	stream.linear.scatter [tilespmem:s30], [sflag:$0x1], $0x80, $0x38;
	[tilespmem:$0xC900] =	vst v63  }
0x12a: {  	s18 =	sadd.s32 $0x990, s15;
	s16 =	sadd.s32 $0x2400, s16;
	s17 =	smul.u32 $0xA000, s20  }
0x12b: {  	[hbm4b:s18+s3] =	stream.linear.scatter [tilespmem:s16], [sflag:$0x1], $0x80, $0x38;
	[tilespmem:$0xC900] =	vst v63  }
0x12c: {  	s16 =	sshll.u32 s19, $0x7  }
0x12d: {  	(v2sf) =	vpush v0, $0xB;
	s17 =	sshra.s32 s17, $0x2;
	s16 =	sand.u32 $0x380, s16  }
0x12e: {  	s21 =	sadd.s32 $0x520, s15;
	s16 =	sor.u32 s16, s17  }
0x12f: {  	[hbm4b:s21+s3] =	stream.linear.scatter [tilespmem:s16], [sflag:$0x1], $0x80, $0x38;
	[tilespmem:$0xC900] =	vst v63  }
0x130: {  	s22 =	sadd.s32 $0x5A0, s15;
	s17 =	sor.u32 $0x400, s16  }
0x131: {  	[hbm4b:s22+s3] =	stream.linear.scatter [tilespmem:s17], [sflag:$0x1], $0x80, $0x38;
	[tilespmem:$0xC900] =	vst v63  }
0x132: {  	s24 =	sadd.s32 $0x620, s15;
	s23 =	sadd.s32 $0x800, s16  }
0x133: {  	[hbm4b:s24+s3] =	stream.linear.scatter [tilespmem:s23], [sflag:$0x1], $0x80, $0x38;
	[tilespmem:$0xC900] =	vst v63  }
0x134: {  	s26 =	sadd.s32 $0x6A0, s15;
	s25 =	sadd.s32 $0xC00, s16  }
0x135: {  	[hbm4b:s26+s3] =	stream.linear.scatter [tilespmem:s25], [sflag:$0x1], $0x80, $0x38;
	[tilespmem:$0xC900] =	vst v63  }
0x136: {  	s29 =	sadd.s32 $0x720, s15;
	s28 =	sadd.s32 $0x1000, s16  }
0x137: {  	[hbm4b:s29+s3] =	stream.linear.scatter [tilespmem:s28], [sflag:$0x1], $0x80, $0x38;
	[tilespmem:$0xC900] =	vst v63  }
0x138: {  	s31 =	sadd.s32 $0x7A0, s15;
	s30 =	sadd.s32 $0x1400, s16  }
0x139: {  	[hbm4b:s31+s3] =	stream.linear.scatter [tilespmem:s30], [sflag:$0x1], $0x80, $0x38;
	[tilespmem:$0xC900] =	vst v63  }
0x13a: {  	s19 =	sadd.s32 $0x820, s15;
	s18 =	sadd.s32 $0x1800, s16  }
0x13b: {  	[hbm4b:s19+s3] =	stream.linear.scatter [tilespmem:s18], [sflag:$0x1], $0x80, $0x38;
	[tilespmem:$0xC900] =	vst v63  }
0x13c: {  	s20 =	sadd.s32 $0x1C00, s16;
	s21 =	sadd.s32 $0x8A0, s15;
	s25 =	spop (v2sf)  }
0x13d: {  	[hbm4b:s21+s3] =	stream.linear.scatter [tilespmem:s20], [sflag:$0x1], $0x80, $0x38;
	[tilespmem:$0xC900] =	vst v63  }
0x13e: {  	s22 =	sadd.s32 $0x2000, s16;
	s23 =	sadd.s32 $0x920, s15;
	s26 =	sshrl.u32 s25, $0x3  }
0x13f: {  	[hbm4b:s23+s3] =	stream.linear.scatter [tilespmem:s22], [sflag:$0x1], $0x80, $0x38;
	[tilespmem:$0xC900] =	vst v63  }
0x140: {  	s16 =	sadd.s32 $0x2400, s16;
	s24 =	sadd.s32 $0x9A0, s15;
	s17 =	smul.u32 $0xA000, s26  }
0x141: {  	[hbm4b:s24+s3] =	stream.linear.scatter [tilespmem:s16], [sflag:$0x1], $0x80, $0x38;
	[tilespmem:$0xC900] =	vst v63  }
0x142: {  	s16 =	sshll.u32 s25, $0x7  }
0x143: {  	(v2sf) =	vpush v0, $0xC;
	s17 =	sshra.s32 s17, $0x2;
	s16 =	sand.u32 $0x380, s16  }
0x144: {  	s28 =	sadd.s32 $0x530, s15;
	s16 =	sor.u32 s16, s17  }
0x145: {  	[hbm4b:s28+s3] =	stream.linear.scatter [tilespmem:s16], [sflag:$0x1], $0x80, $0x38;
	[tilespmem:$0xC900] =	vst v63  }
0x146: {  	s29 =	sadd.s32 $0x5B0, s15;
	s17 =	sor.u32 $0x400, s16  }
0x147: {  	[hbm4b:s29+s3] =	stream.linear.scatter [tilespmem:s17], [sflag:$0x1], $0x80, $0x38;
	[tilespmem:$0xC900] =	vst v63  }
0x148: {  	s31 =	sadd.s32 $0x630, s15;
	s30 =	sadd.s32 $0x800, s16  }
0x149: {  	[hbm4b:s31+s3] =	stream.linear.scatter [tilespmem:s30], [sflag:$0x1], $0x80, $0x38;
	[tilespmem:$0xC900] =	vst v63  }
0x14a: {  	s20 =	sadd.s32 $0x6B0, s15;
	s19 =	sadd.s32 $0xC00, s16  }
0x14b: {  	[hbm4b:s20+s3] =	stream.linear.scatter [tilespmem:s19], [sflag:$0x1], $0x80, $0x38;
	[tilespmem:$0xC900] =	vst v63  }
0x14c: {  	s22 =	sadd.s32 $0x730, s15;
	s21 =	sadd.s32 $0x1000, s16  }
0x14d: {  	[hbm4b:s22+s3] =	stream.linear.scatter [tilespmem:s21], [sflag:$0x1], $0x80, $0x38;
	[tilespmem:$0xC900] =	vst v63  }
0x14e: {  	s24 =	sadd.s32 $0x7B0, s15;
	s23 =	sadd.s32 $0x1400, s16  }
0x14f: {  	[hbm4b:s24+s3] =	stream.linear.scatter [tilespmem:s23], [sflag:$0x1], $0x80, $0x38;
	[tilespmem:$0xC900] =	vst v63  }
0x150: {  	s26 =	sadd.s32 $0x830, s15;
	s25 =	sadd.s32 $0x1800, s16  }
0x151: {  	[hbm4b:s26+s3] =	stream.linear.scatter [tilespmem:s25], [sflag:$0x1], $0x80, $0x38;
	[tilespmem:$0xC900] =	vst v63  }
0x152: {  	s28 =	sadd.s32 $0x1C00, s16;
	s29 =	sadd.s32 $0x8B0, s15;
	s19 =	spop (v2sf)  }
0x153: {  	[hbm4b:s29+s3] =	stream.linear.scatter [tilespmem:s28], [sflag:$0x1], $0x80, $0x38;
	[tilespmem:$0xC900] =	vst v63  }
0x154: {  	s30 =	sadd.s32 $0x2000, s16;
	s31 =	sadd.s32 $0x930, s15;
	s20 =	sshrl.u32 s19, $0x3  }
0x155: {  	[hbm4b:s31+s3] =	stream.linear.scatter [tilespmem:s30], [sflag:$0x1], $0x80, $0x38;
	[tilespmem:$0xC900] =	vst v63  }
0x156: {  	s18 =	sadd.s32 $0x9B0, s15;
	s16 =	sadd.s32 $0x2400, s16;
	s17 =	smul.u32 $0xA000, s20  }
0x157: {  	[hbm4b:s18+s3] =	stream.linear.scatter [tilespmem:s16], [sflag:$0x1], $0x80, $0x38;
	[tilespmem:$0xC900] =	vst v63  }
0x158: {  	s16 =	sshll.u32 s19, $0x7  }
0x159: {  	(v2sf) =	vpush v0, $0xD;
	s17 =	sshra.s32 s17, $0x2;
	s16 =	sand.u32 $0x380, s16  }
0x15a: {  	s21 =	sadd.s32 $0x540, s15;
	s16 =	sor.u32 s16, s17  }
0x15b: {  	[hbm4b:s21+s3] =	stream.linear.scatter [tilespmem:s16], [sflag:$0x1], $0x80, $0x38;
	[tilespmem:$0xC900] =	vst v63  }
0x15c: {  	s22 =	sadd.s32 $0x5C0, s15;
	s17 =	sor.u32 $0x400, s16  }
0x15d: {  	[hbm4b:s22+s3] =	stream.linear.scatter [tilespmem:s17], [sflag:$0x1], $0x80, $0x38;
	[tilespmem:$0xC900] =	vst v63  }
0x15e: {  	s24 =	sadd.s32 $0x640, s15;
	s23 =	sadd.s32 $0x800, s16  }
0x15f: {  	[hbm4b:s24+s3] =	stream.linear.scatter [tilespmem:s23], [sflag:$0x1], $0x80, $0x38;
	[tilespmem:$0xC900] =	vst v63  }
0x160: {  	s26 =	sadd.s32 $0x6C0, s15;
	s25 =	sadd.s32 $0xC00, s16  }
0x161: {  	[hbm4b:s26+s3] =	stream.linear.scatter [tilespmem:s25], [sflag:$0x1], $0x80, $0x38;
	[tilespmem:$0xC900] =	vst v63  }
0x162: {  	s29 =	sadd.s32 $0x740, s15;
	s28 =	sadd.s32 $0x1000, s16  }
0x163: {  	[hbm4b:s29+s3] =	stream.linear.scatter [tilespmem:s28], [sflag:$0x1], $0x80, $0x38;
	[tilespmem:$0xC900] =	vst v63  }
0x164: {  	s31 =	sadd.s32 $0x7C0, s15;
	s30 =	sadd.s32 $0x1400, s16  }
0x165: {  	[hbm4b:s31+s3] =	stream.linear.scatter [tilespmem:s30], [sflag:$0x1], $0x80, $0x38;
	[tilespmem:$0xC900] =	vst v63  }
0x166: {  	s19 =	sadd.s32 $0x840, s15;
	s18 =	sadd.s32 $0x1800, s16  }
0x167: {  	[hbm4b:s19+s3] =	stream.linear.scatter [tilespmem:s18], [sflag:$0x1], $0x80, $0x38;
	[tilespmem:$0xC900] =	vst v63  }
0x168: {  	s20 =	sadd.s32 $0x1C00, s16;
	s21 =	sadd.s32 $0x8C0, s15;
	s25 =	spop (v2sf)  }
0x169: {  	[hbm4b:s21+s3] =	stream.linear.scatter [tilespmem:s20], [sflag:$0x1], $0x80, $0x38;
	[tilespmem:$0xC900] =	vst v63  }
0x16a: {  	s22 =	sadd.s32 $0x2000, s16;
	s23 =	sadd.s32 $0x940, s15;
	s26 =	sshrl.u32 s25, $0x3  }
0x16b: {  	[hbm4b:s23+s3] =	stream.linear.scatter [tilespmem:s22], [sflag:$0x1], $0x80, $0x38;
	[tilespmem:$0xC900] =	vst v63  }
0x16c: {  	s16 =	sadd.s32 $0x2400, s16;
	s24 =	sadd.s32 $0x9C0, s15;
	s17 =	smul.u32 $0xA000, s26  }
0x16d: {  	[hbm4b:s24+s3] =	stream.linear.scatter [tilespmem:s16], [sflag:$0x1], $0x80, $0x38;
	[tilespmem:$0xC900] =	vst v63  }
0x16e: {  	s16 =	sshll.u32 s25, $0x7  }
0x16f: {  	(v2sf) =	vpush v0, $0xE;
	s17 =	sshra.s32 s17, $0x2;
	s16 =	sand.u32 $0x380, s16  }
0x170: {  	s28 =	sadd.s32 $0x550, s15;
	s16 =	sor.u32 s16, s17  }
0x171: {  	[hbm4b:s28+s3] =	stream.linear.scatter [tilespmem:s16], [sflag:$0x1], $0x80, $0x38;
	[tilespmem:$0xC900] =	vst v63  }
0x172: {  	s29 =	sadd.s32 $0x5D0, s15;
	s17 =	sor.u32 $0x400, s16  }
0x173: {  	[hbm4b:s29+s3] =	stream.linear.scatter [tilespmem:s17], [sflag:$0x1], $0x80, $0x38;
	[tilespmem:$0xC900] =	vst v63  }
0x174: {  	s31 =	sadd.s32 $0x650, s15;
	s30 =	sadd.s32 $0x800, s16  }
0x175: {  	[hbm4b:s31+s3] =	stream.linear.scatter [tilespmem:s30], [sflag:$0x1], $0x80, $0x38;
	[tilespmem:$0xC900] =	vst v63  }
0x176: {  	s20 =	sadd.s32 $0x6D0, s15;
	s19 =	sadd.s32 $0xC00, s16  }
0x177: {  	[hbm4b:s20+s3] =	stream.linear.scatter [tilespmem:s19], [sflag:$0x1], $0x80, $0x38;
	[tilespmem:$0xC900] =	vst v63  }
0x178: {  	s22 =	sadd.s32 $0x750, s15;
	s21 =	sadd.s32 $0x1000, s16  }
0x179: {  	[hbm4b:s22+s3] =	stream.linear.scatter [tilespmem:s21], [sflag:$0x1], $0x80, $0x38;
	[tilespmem:$0xC900] =	vst v63  }
0x17a: {  	s24 =	sadd.s32 $0x7D0, s15;
	s23 =	sadd.s32 $0x1400, s16  }
0x17b: {  	[hbm4b:s24+s3] =	stream.linear.scatter [tilespmem:s23], [sflag:$0x1], $0x80, $0x38;
	[tilespmem:$0xC900] =	vst v63  }
0x17c: {  	s26 =	sadd.s32 $0x850, s15;
	s25 =	sadd.s32 $0x1800, s16  }
0x17d: {  	[hbm4b:s26+s3] =	stream.linear.scatter [tilespmem:s25], [sflag:$0x1], $0x80, $0x38;
	[tilespmem:$0xC900] =	vst v63  }
0x17e: {  	s28 =	sadd.s32 $0x1C00, s16;
	s29 =	sadd.s32 $0x8D0, s15;
	s19 =	spop (v2sf)  }
0x17f: {  	[hbm4b:s29+s3] =	stream.linear.scatter [tilespmem:s28], [sflag:$0x1], $0x80, $0x38;
	[tilespmem:$0xC900] =	vst v63  }
0x180: {  	s30 =	sadd.s32 $0x2000, s16;
	s31 =	sadd.s32 $0x950, s15;
	s20 =	sshrl.u32 s19, $0x3  }
0x181: {  	[hbm4b:s31+s3] =	stream.linear.scatter [tilespmem:s30], [sflag:$0x1], $0x80, $0x38;
	[tilespmem:$0xC900] =	vst v63  }
0x182: {  	s18 =	sadd.s32 $0x9D0, s15;
	s16 =	sadd.s32 $0x2400, s16;
	s17 =	smul.u32 $0xA000, s20  }
0x183: {  	[hbm4b:s18+s3] =	stream.linear.scatter [tilespmem:s16], [sflag:$0x1], $0x80, $0x38;
	[tilespmem:$0xC900] =	vst v63  }
0x184: {  	s16 =	sshll.u32 s19, $0x7  }
0x185: {  	(v2sf) =	vpush v0, $0xF;
	s17 =	sshra.s32 s17, $0x2;
	s16 =	sand.u32 $0x380, s16  }
0x186: {  	s21 =	sadd.s32 $0x560, s15;
	s16 =	sor.u32 s16, s17  }
0x187: {  	[hbm4b:s21+s3] =	stream.linear.scatter [tilespmem:s16], [sflag:$0x1], $0x80, $0x38;
	[tilespmem:$0xC900] =	vst v63  }
0x188: {  	s22 =	sadd.s32 $0x5E0, s15;
	s17 =	sor.u32 $0x400, s16  }
0x189: {  	[hbm4b:s22+s3] =	stream.linear.scatter [tilespmem:s17], [sflag:$0x1], $0x80, $0x38;
	[tilespmem:$0xC900] =	vst v63  }
0x18a: {  	s24 =	sadd.s32 $0x660, s15;
	s23 =	sadd.s32 $0x800, s16  }
0x18b: {  	[hbm4b:s24+s3] =	stream.linear.scatter [tilespmem:s23], [sflag:$0x1], $0x80, $0x38;
	[tilespmem:$0xC900] =	vst v63  }
0x18c: {  	s26 =	sadd.s32 $0x6E0, s15;
	s25 =	sadd.s32 $0xC00, s16  }
0x18d: {  	[hbm4b:s26+s3] =	stream.linear.scatter [tilespmem:s25], [sflag:$0x1], $0x80, $0x38;
	[tilespmem:$0xC900] =	vst v63  }
0x18e: {  	s29 =	sadd.s32 $0x760, s15;
	s28 =	sadd.s32 $0x1000, s16  }
0x18f: {  	[hbm4b:s29+s3] =	stream.linear.scatter [tilespmem:s28], [sflag:$0x1], $0x80, $0x38;
	[tilespmem:$0xC900] =	vst v63  }
0x190: {  	s31 =	sadd.s32 $0x7E0, s15;
	s30 =	sadd.s32 $0x1400, s16  }
0x191: {  	[hbm4b:s31+s3] =	stream.linear.scatter [tilespmem:s30], [sflag:$0x1], $0x80, $0x38;
	[tilespmem:$0xC900] =	vst v63  }
0x192: {  	s19 =	sadd.s32 $0x860, s15;
	s18 =	sadd.s32 $0x1800, s16  }
0x193: {  	[hbm4b:s19+s3] =	stream.linear.scatter [tilespmem:s18], [sflag:$0x1], $0x80, $0x38;
	[tilespmem:$0xC900] =	vst v63  }
0x194: {  	s20 =	sadd.s32 $0x1C00, s16;
	s21 =	sadd.s32 $0x8E0, s15;
	s25 =	spop (v2sf)  }
0x195: {  	[hbm4b:s21+s3] =	stream.linear.scatter [tilespmem:s20], [sflag:$0x1], $0x80, $0x38;
	[tilespmem:$0xC900] =	vst v63  }
0x196: {  	s22 =	sadd.s32 $0x2000, s16;
	s23 =	sadd.s32 $0x960, s15;
	s26 =	sshrl.u32 s25, $0x3  }
0x197: {  	[hbm4b:s23+s3] =	stream.linear.scatter [tilespmem:s22], [sflag:$0x1], $0x80, $0x38;
	[tilespmem:$0xC900] =	vst v63  }
0x198: {  	s16 =	sadd.s32 $0x2400, s16;
	s24 =	sadd.s32 $0x9E0, s15;
	s17 =	smul.u32 $0xA000, s26  }
0x199: {  	[hbm4b:s24+s3] =	stream.linear.scatter [tilespmem:s16], [sflag:$0x1], $0x80, $0x38;
	[tilespmem:$0xC900] =	vst v63  }
0x19a: {  	s16 =	sshll.u32 s25, $0x7  }
0x19b: {  	s17 =	sshra.s32 s17, $0x2;
	s16 =	sand.u32 $0x380, s16  }
0x19c: {  	s28 =	sadd.s32 $0x570, s15;
	s16 =	sor.u32 s16, s17  }
0x19d: {  	[hbm4b:s28+s3] =	stream.linear.scatter [tilespmem:s16], [sflag:$0x1], $0x80, $0x38;
	[tilespmem:$0xC900] =	vst v63  }
0x19e: {  	s29 =	sadd.s32 $0x5F0, s15;
	s17 =	sor.u32 $0x400, s16  }
0x19f: {  	[hbm4b:s29+s3] =	stream.linear.scatter [tilespmem:s17], [sflag:$0x1], $0x80, $0x38;
	[tilespmem:$0xC900] =	vst v63  }
0x1a0: {  	s31 =	sadd.s32 $0x670, s15;
	s30 =	sadd.s32 $0x800, s16  }
0x1a1: {  	[hbm4b:s31+s3] =	stream.linear.scatter [tilespmem:s30], [sflag:$0x1], $0x80, $0x38;
	[tilespmem:$0xC900] =	vst v63  }
0x1a2: {  	s20 =	sadd.s32 $0x6F0, s15;
	s19 =	sadd.s32 $0xC00, s16  }
0x1a3: {  	[hbm4b:s20+s3] =	stream.linear.scatter [tilespmem:s19], [sflag:$0x1], $0x80, $0x38;
	[tilespmem:$0xC900] =	vst v63  }
0x1a4: {  	s22 =	sadd.s32 $0x770, s15;
	s21 =	sadd.s32 $0x1000, s16  }
0x1a5: {  	[hbm4b:s22+s3] =	stream.linear.scatter [tilespmem:s21], [sflag:$0x1], $0x80, $0x38;
	[tilespmem:$0xC900] =	vst v63  }
0x1a6: {  	s24 =	sadd.s32 $0x7F0, s15;
	s23 =	sadd.s32 $0x1400, s16  }
0x1a7: {  	[hbm4b:s24+s3] =	stream.linear.scatter [tilespmem:s23], [sflag:$0x1], $0x80, $0x38;
	[tilespmem:$0xC900] =	vst v63  }
0x1a8: {  	s26 =	sadd.s32 $0x870, s15;
	s25 =	sadd.s32 $0x1800, s16  }
0x1a9: {  	[hbm4b:s26+s3] =	stream.linear.scatter [tilespmem:s25], [sflag:$0x1], $0x80, $0x38;
	[tilespmem:$0xC900] =	vst v63  }
0x1aa: {  	s28 =	sadd.s32 $0x1C00, s16;
	s29 =	sadd.s32 $0x8F0, s15  }
0x1ab: {  	[hbm4b:s29+s3] =	stream.linear.scatter [tilespmem:s28], [sflag:$0x1], $0x80, $0x38;
	[tilespmem:$0xC900] =	vst v63  }
0x1ac: {  	s30 =	sadd.s32 $0x2000, s16;
	s31 =	sadd.s32 $0x970, s15  }
0x1ad: {  	[hbm4b:s31+s3] =	stream.linear.scatter [tilespmem:s30], [sflag:$0x1], $0x80, $0x38;
	[tilespmem:$0xC900] =	vst v63  }
0x1ae: {  	s16 =	sadd.s32 $0x2400, s16;
	s15 =	sadd.s32 $0x9F0, s15  }
0x1af: {  	[hbm4b:s15+s3] =	stream.linear.scatter [tilespmem:s16], [sflag:$0x1], $0x80, $0x38;
	[tilespmem:$0xC900] =	vst v63  }
0x1b0: {  	s15 =	simm.s32 @!p0 $0x2  }
0x1b1: {  	_ =	swait.ge @!p0 [sflag:s15], $0x500  }
0x1b2: {  	[sflag:s15] =	ssyncset.done @!p0 $0x0  }
0x1b3: {  	[sflag:s15] =	ssyncadd.s32 @!p0 $0xFFFFFB00  }
0x1b4: {  	_ =	swait.ge @!p0 [sflag:s15], $0x500  }
0x1b5: {  	[sflag:s15] =	ssyncset.done @!p0 $0x0  }
0x1b6: {  	[sflag:s15] =	ssyncadd.s32 @!p0 $0xFFFFFB00  }
0x1b7: {  	_ =	swait.ge @!p0 [sflag:s15], $0x500  }
0x1b8: {  	[sflag:s15] =	ssyncset.done @!p0 $0x0  }
0x1b9: {  	[sflag:s15] =	ssyncadd.s32 @!p0 $0xFFFFFB00  }
0x1ba: {  	_ =	swait.ge @!p0 [sflag:s15], $0x500  }
0x1bb: {  	[sflag:s15] =	ssyncset.done @!p0 $0x0  }
0x1bc: {  	[sflag:s15] =	ssyncadd.s32 @!p0 $0xFFFFFB00  }
0x1bd: {  	_ =	swait.ge @!p0 [sflag:s15], $0x500  }
0x1be: {  	[sflag:s15] =	ssyncset.done @!p0 $0x0  }
0x1bf: {  	[sflag:s15] =	ssyncadd.s32 @!p0 $0xFFFFFB00  }
0x1c0: {  	_ =	swait.ge @!p0 [sflag:s15], $0x500  }
0x1c1: {  	[sflag:s15] =	ssyncset.done @!p0 $0x0  }
0x1c2: {  	[sflag:s15] =	ssyncadd.s32 @!p0 $0xFFFFFB00  }
0x1c3: {  	_ =	swait.ge @!p0 [sflag:s15], $0x500  }
0x1c4: {  	[sflag:s15] =	ssyncset.done @!p0 $0x0  }
0x1c5: {  	[sflag:s15] =	ssyncadd.s32 @!p0 $0xFFFFFB00  }
0x1c6: {  	_ =	swait.ge @!p0 [sflag:s15], $0x500  }
0x1c7: {  	[sflag:s15] =	ssyncset.done @!p0 $0x0  }
0x1c8: {  	[sflag:s15] =	ssyncadd.s32 @!p0 $0xFFFFFB00  }
0x1c9: {  	_ =	swait.ge @!p0 [sflag:s15], $0x500  }
0x1ca: {  	[sflag:s15] =	ssyncset.done @!p0 $0x0  }
0x1cb: {  	[sflag:s15] =	ssyncadd.s32 @!p0 $0xFFFFFB00  }
0x1cc: {  	_ =	swait.ge @!p0 [sflag:s15], $0x500  }
0x1cd: {  	[sflag:s15] =	ssyncset.done @!p0 $0x0  }
0x1ce: {  	[sflag:s15] =	ssyncadd.s32 @!p0 $0xFFFFFB00  }
0x1cf: {  	_ =	swait.ge @!p0 [sflag:s15], $0x500  }
0x1d0: {  	[sflag:s15] =	ssyncset.done @!p0 $0x0  }
0x1d1: {  	[sflag:s15] =	ssyncadd.s32 @!p0 $0xFFFFFB00  }
0x1d2: {  	_ =	swait.ge @!p0 [sflag:s15], $0x500  }
0x1d3: {  	[sflag:s15] =	ssyncset.done @!p0 $0x0  }
0x1d4: {  	[sflag:s15] =	ssyncadd.s32 @!p0 $0xFFFFFB00  }
0x1d5: {  	_ =	swait.ge @!p0 [sflag:s15], $0x500  }
0x1d6: {  	[sflag:s15] =	ssyncset.done @!p0 $0x0  }
0x1d7: {  	[sflag:s15] =	ssyncadd.s32 @!p0 $0xFFFFFB00  }
0x1d8: {  	_ =	swait.ge @!p0 [sflag:s15], $0x500  }
0x1d9: {  	[sflag:s15] =	ssyncset.done @!p0 $0x0  }
0x1da: {  	[sflag:s15] =	ssyncadd.s32 @!p0 $0xFFFFFB00  }
0x1db: {  	_ =	swait.ge @!p0 [sflag:s15], $0x500  }
0x1dc: {  	[sflag:s15] =	ssyncset.done @!p0 $0x0  }
0x1dd: {  	[sflag:s15] =	ssyncadd.s32 @!p0 $0xFFFFFB00  }
0x1de: {  	_ =	swait.ge @!p0 [sflag:s15], $0x500  }
0x1df: {  	[sflag:s15] =	ssyncset.done @!p0 $0x0  }
0x1e0: {  	[sflag:s15] =	ssyncadd.s32 @!p0 $0xFFFFFB00  }
0x1e1: {  	v63 =	vld [tilespmem:s13+$0x0];
	_ =	sdelay $0x4  }
0x1e2: {  	(v2sf) =	vpush v63, $0x0;
	_ =	sdelay $0xe  }
0x1e3: {  	s17 =	spop (v2sf)  }
0x1e4: {  	s18 =	sshrl.u32 s17, $0x3  }
0x1e5: {  	s16 =	smul.u32 $0xA000, s18  }
0x1e6: {  	s15 =	sshll.u32 s17, $0x7  }
0x1e7: {  	s19 =	rddreg [dreg:$0x5];
	(v2sf) =	vpush v63, $0x1;
	s20 =	sand.u32 $0x380, s15;
	s16 =	sshra.s32 s16, $0x2  }
0x1e8: {  	s15 =	sadd.s32 s14, s19;
	s16 =	sor.u32 s20, s16  }
0x1e9: {  	[hbm4b:s15+s3] =	stream.linear.scatter [tilespmem:s16], [sflag:$0x2], $0x80, $0x38;
	[tilespmem:$0xC900] =	vst v63  }
0x1ea: {  	s22 =	sadd.s32 $0x80, s15;
	s21 =	sor.u32 $0x400, s16  }
0x1eb: {  	[hbm4b:s22+s3] =	stream.linear.scatter [tilespmem:s21], [sflag:$0x2], $0x80, $0x38;
	[tilespmem:$0xC900] =	vst v63  }
0x1ec: {  	s24 =	sadd.s32 $0x100, s15;
	s23 =	sadd.s32 $0x800, s16  }
0x1ed: {  	[hbm4b:s24+s3] =	stream.linear.scatter [tilespmem:s23], [sflag:$0x2], $0x80, $0x38;
	[tilespmem:$0xC900] =	vst v63  }
0x1ee: {  	s26 =	sadd.s32 $0x180, s15;
	s25 =	sadd.s32 $0xC00, s16  }
0x1ef: {  	[hbm4b:s26+s3] =	stream.linear.scatter [tilespmem:s25], [sflag:$0x2], $0x80, $0x38;
	[tilespmem:$0xC900] =	vst v63  }
0x1f0: {  	s29 =	sadd.s32 $0x200, s15;
	s28 =	sadd.s32 $0x1000, s16  }
0x1f1: {  	[hbm4b:s29+s3] =	stream.linear.scatter [tilespmem:s28], [sflag:$0x2], $0x80, $0x38;
	[tilespmem:$0xC900] =	vst v63  }
0x1f2: {  	s31 =	sadd.s32 $0x280, s15;
	s30 =	sadd.s32 $0x1400, s16  }
0x1f3: {  	[hbm4b:s31+s3] =	stream.linear.scatter [tilespmem:s30], [sflag:$0x2], $0x80, $0x38;
	[tilespmem:$0xC900] =	vst v63  }
0x1f4: {  	s19 =	sadd.s32 $0x300, s15;
	s18 =	sadd.s32 $0x1800, s16  }
0x1f5: {  	[hbm4b:s19+s3] =	stream.linear.scatter [tilespmem:s18], [sflag:$0x2], $0x80, $0x38;
	[tilespmem:$0xC900] =	vst v63  }
0x1f6: {  	s20 =	sadd.s32 $0x1C00, s16;
	s21 =	sadd.s32 $0x380, s15;
	s25 =	spop (v2sf)  }
0x1f7: {  	[hbm4b:s21+s3] =	stream.linear.scatter [tilespmem:s20], [sflag:$0x2], $0x80, $0x38;
	[tilespmem:$0xC900] =	vst v63  }
0x1f8: {  	s22 =	sadd.s32 $0x2000, s16;
	s23 =	sadd.s32 $0x400, s15;
	s26 =	sshrl.u32 s25, $0x3  }
0x1f9: {  	[hbm4b:s23+s3] =	stream.linear.scatter [tilespmem:s22], [sflag:$0x2], $0x80, $0x38;
	[tilespmem:$0xC900] =	vst v63  }
0x1fa: {  	s16 =	sadd.s32 $0x2400, s16;
	s24 =	sadd.s32 $0x480, s15;
	s17 =	smul.u32 $0xA000, s26  }
0x1fb: {  	[hbm4b:s24+s3] =	stream.linear.scatter [tilespmem:s16], [sflag:$0x2], $0x80, $0x38;
	[tilespmem:$0xC900] =	vst v63  }
0x1fc: {  	s16 =	sshll.u32 s25, $0x7  }
0x1fd: {  	(v2sf) =	vpush v63, $0x2;
	s17 =	sshra.s32 s17, $0x2;
	s16 =	sand.u32 $0x380, s16  }
0x1fe: {  	s28 =	sadd.s32 $0x10, s15;
	s16 =	sor.u32 s16, s17  }
0x1ff: {  	[hbm4b:s28+s3] =	stream.linear.scatter [tilespmem:s16], [sflag:$0x2], $0x80, $0x38;
	[tilespmem:$0xC900] =	vst v63  }
0x200: {  	s29 =	sadd.s32 $0x90, s15;
	s17 =	sor.u32 $0x400, s16  }
0x201: {  	[hbm4b:s29+s3] =	stream.linear.scatter [tilespmem:s17], [sflag:$0x2], $0x80, $0x38;
	[tilespmem:$0xC900] =	vst v63  }
0x202: {  	s31 =	sadd.s32 $0x110, s15;
	s30 =	sadd.s32 $0x800, s16  }
0x203: {  	[hbm4b:s31+s3] =	stream.linear.scatter [tilespmem:s30], [sflag:$0x2], $0x80, $0x38;
	[tilespmem:$0xC900] =	vst v63  }
0x204: {  	s20 =	sadd.s32 $0x190, s15;
	s19 =	sadd.s32 $0xC00, s16  }
0x205: {  	[hbm4b:s20+s3] =	stream.linear.scatter [tilespmem:s19], [sflag:$0x2], $0x80, $0x38;
	[tilespmem:$0xC900] =	vst v63  }
0x206: {  	s22 =	sadd.s32 $0x210, s15;
	s21 =	sadd.s32 $0x1000, s16  }
0x207: {  	[hbm4b:s22+s3] =	stream.linear.scatter [tilespmem:s21], [sflag:$0x2], $0x80, $0x38;
	[tilespmem:$0xC900] =	vst v63  }
0x208: {  	s24 =	sadd.s32 $0x290, s15;
	s23 =	sadd.s32 $0x1400, s16  }
0x209: {  	[hbm4b:s24+s3] =	stream.linear.scatter [tilespmem:s23], [sflag:$0x2], $0x80, $0x38;
	[tilespmem:$0xC900] =	vst v63  }
0x20a: {  	s26 =	sadd.s32 $0x310, s15;
	s25 =	sadd.s32 $0x1800, s16  }
0x20b: {  	[hbm4b:s26+s3] =	stream.linear.scatter [tilespmem:s25], [sflag:$0x2], $0x80, $0x38;
	[tilespmem:$0xC900] =	vst v63  }
0x20c: {  	s28 =	sadd.s32 $0x1C00, s16;
	s29 =	sadd.s32 $0x390, s15;
	s19 =	spop (v2sf)  }
0x20d: {  	[hbm4b:s29+s3] =	stream.linear.scatter [tilespmem:s28], [sflag:$0x2], $0x80, $0x38;
	[tilespmem:$0xC900] =	vst v63  }
0x20e: {  	s30 =	sadd.s32 $0x2000, s16;
	s31 =	sadd.s32 $0x410, s15;
	s20 =	sshrl.u32 s19, $0x3  }
0x20f: {  	[hbm4b:s31+s3] =	stream.linear.scatter [tilespmem:s30], [sflag:$0x2], $0x80, $0x38;
	[tilespmem:$0xC900] =	vst v63  }
0x210: {  	s18 =	sadd.s32 $0x490, s15;
	s16 =	sadd.s32 $0x2400, s16;
	s17 =	smul.u32 $0xA000, s20  }
0x211: {  	[hbm4b:s18+s3] =	stream.linear.scatter [tilespmem:s16], [sflag:$0x2], $0x80, $0x38;
	[tilespmem:$0xC900] =	vst v63  }
0x212: {  	s16 =	sshll.u32 s19, $0x7  }
0x213: {  	(v2sf) =	vpush v63, $0x3;
	s17 =	sshra.s32 s17, $0x2;
	s16 =	sand.u32 $0x380, s16  }
0x214: {  	s21 =	sadd.s32 $0x20, s15;
	s16 =	sor.u32 s16, s17  }
0x215: {  	[hbm4b:s21+s3] =	stream.linear.scatter [tilespmem:s16], [sflag:$0x2], $0x80, $0x38;
	[tilespmem:$0xC900] =	vst v63  }
0x216: {  	s22 =	sadd.s32 $0xA0, s15;
	s17 =	sor.u32 $0x400, s16  }
0x217: {  	[hbm4b:s22+s3] =	stream.linear.scatter [tilespmem:s17], [sflag:$0x2], $0x80, $0x38;
	[tilespmem:$0xC900] =	vst v63  }
0x218: {  	s24 =	sadd.s32 $0x120, s15;
	s23 =	sadd.s32 $0x800, s16  }
0x219: {  	[hbm4b:s24+s3] =	stream.linear.scatter [tilespmem:s23], [sflag:$0x2], $0x80, $0x38;
	[tilespmem:$0xC900] =	vst v63  }
0x21a: {  	s26 =	sadd.s32 $0x1A0, s15;
	s25 =	sadd.s32 $0xC00, s16  }
0x21b: {  	[hbm4b:s26+s3] =	stream.linear.scatter [tilespmem:s25], [sflag:$0x2], $0x80, $0x38;
	[tilespmem:$0xC900] =	vst v63  }
0x21c: {  	s29 =	sadd.s32 $0x220, s15;
	s28 =	sadd.s32 $0x1000, s16  }
0x21d: {  	[hbm4b:s29+s3] =	stream.linear.scatter [tilespmem:s28], [sflag:$0x2], $0x80, $0x38;
	[tilespmem:$0xC900] =	vst v63  }
0x21e: {  	s31 =	sadd.s32 $0x2A0, s15;
	s30 =	sadd.s32 $0x1400, s16  }
0x21f: {  	[hbm4b:s31+s3] =	stream.linear.scatter [tilespmem:s30], [sflag:$0x2], $0x80, $0x38;
	[tilespmem:$0xC900] =	vst v63  }
0x220: {  	s19 =	sadd.s32 $0x320, s15;
	s18 =	sadd.s32 $0x1800, s16  }
0x221: {  	[hbm4b:s19+s3] =	stream.linear.scatter [tilespmem:s18], [sflag:$0x2], $0x80, $0x38;
	[tilespmem:$0xC900] =	vst v63  }
0x222: {  	s20 =	sadd.s32 $0x1C00, s16;
	s21 =	sadd.s32 $0x3A0, s15;
	s25 =	spop (v2sf)  }
0x223: {  	[hbm4b:s21+s3] =	stream.linear.scatter [tilespmem:s20], [sflag:$0x2], $0x80, $0x38;
	[tilespmem:$0xC900] =	vst v63  }
0x224: {  	s22 =	sadd.s32 $0x2000, s16;
	s23 =	sadd.s32 $0x420, s15;
	s26 =	sshrl.u32 s25, $0x3  }
0x225: {  	[hbm4b:s23+s3] =	stream.linear.scatter [tilespmem:s22], [sflag:$0x2], $0x80, $0x38;
	[tilespmem:$0xC900] =	vst v63  }
0x226: {  	s16 =	sadd.s32 $0x2400, s16;
	s24 =	sadd.s32 $0x4A0, s15;
	s17 =	smul.u32 $0xA000, s26  }
0x227: {  	[hbm4b:s24+s3] =	stream.linear.scatter [tilespmem:s16], [sflag:$0x2], $0x80, $0x38;
	[tilespmem:$0xC900] =	vst v63  }
0x228: {  	s16 =	sshll.u32 s25, $0x7  }
0x229: {  	(v2sf) =	vpush v63, $0x4;
	s17 =	sshra.s32 s17, $0x2;
	s16 =	sand.u32 $0x380, s16  }
0x22a: {  	s28 =	sadd.s32 $0x30, s15;
	s16 =	sor.u32 s16, s17  }
0x22b: {  	[hbm4b:s28+s3] =	stream.linear.scatter [tilespmem:s16], [sflag:$0x2], $0x80, $0x38;
	[tilespmem:$0xC900] =	vst v63  }
0x22c: {  	s29 =	sadd.s32 $0xB0, s15;
	s17 =	sor.u32 $0x400, s16  }
0x22d: {  	[hbm4b:s29+s3] =	stream.linear.scatter [tilespmem:s17], [sflag:$0x2], $0x80, $0x38;
	[tilespmem:$0xC900] =	vst v63  }
0x22e: {  	s31 =	sadd.s32 $0x130, s15;
	s30 =	sadd.s32 $0x800, s16  }
0x22f: {  	[hbm4b:s31+s3] =	stream.linear.scatter [tilespmem:s30], [sflag:$0x2], $0x80, $0x38;
	[tilespmem:$0xC900] =	vst v63  }
0x230: {  	s20 =	sadd.s32 $0x1B0, s15;
	s19 =	sadd.s32 $0xC00, s16  }
0x231: {  	[hbm4b:s20+s3] =	stream.linear.scatter [tilespmem:s19], [sflag:$0x2], $0x80, $0x38;
	[tilespmem:$0xC900] =	vst v63  }
0x232: {  	s22 =	sadd.s32 $0x230, s15;
	s21 =	sadd.s32 $0x1000, s16  }
0x233: {  	[hbm4b:s22+s3] =	stream.linear.scatter [tilespmem:s21], [sflag:$0x2], $0x80, $0x38;
	[tilespmem:$0xC900] =	vst v63  }
0x234: {  	s24 =	sadd.s32 $0x2B0, s15;
	s23 =	sadd.s32 $0x1400, s16  }
0x235: {  	[hbm4b:s24+s3] =	stream.linear.scatter [tilespmem:s23], [sflag:$0x2], $0x80, $0x38;
	[tilespmem:$0xC900] =	vst v63  }
0x236: {  	s26 =	sadd.s32 $0x330, s15;
	s25 =	sadd.s32 $0x1800, s16  }
0x237: {  	[hbm4b:s26+s3] =	stream.linear.scatter [tilespmem:s25], [sflag:$0x2], $0x80, $0x38;
	[tilespmem:$0xC900] =	vst v63  }
0x238: {  	s28 =	sadd.s32 $0x1C00, s16;
	s29 =	sadd.s32 $0x3B0, s15;
	s19 =	spop (v2sf)  }
0x239: {  	[hbm4b:s29+s3] =	stream.linear.scatter [tilespmem:s28], [sflag:$0x2], $0x80, $0x38;
	[tilespmem:$0xC900] =	vst v63  }
0x23a: {  	s30 =	sadd.s32 $0x2000, s16;
	s31 =	sadd.s32 $0x430, s15;
	s20 =	sshrl.u32 s19, $0x3  }
0x23b: {  	[hbm4b:s31+s3] =	stream.linear.scatter [tilespmem:s30], [sflag:$0x2], $0x80, $0x38;
	[tilespmem:$0xC900] =	vst v63  }
0x23c: {  	s18 =	sadd.s32 $0x4B0, s15;
	s16 =	sadd.s32 $0x2400, s16;
	s17 =	smul.u32 $0xA000, s20  }
0x23d: {  	[hbm4b:s18+s3] =	stream.linear.scatter [tilespmem:s16], [sflag:$0x2], $0x80, $0x38;
	[tilespmem:$0xC900] =	vst v63  }
0x23e: {  	s16 =	sshll.u32 s19, $0x7  }
0x23f: {  	(v2sf) =	vpush v63, $0x5;
	s17 =	sshra.s32 s17, $0x2;
	s16 =	sand.u32 $0x380, s16  }
0x240: {  	s21 =	sadd.s32 $0x40, s15;
	s16 =	sor.u32 s16, s17  }
0x241: {  	[hbm4b:s21+s3] =	stream.linear.scatter [tilespmem:s16], [sflag:$0x2], $0x80, $0x38;
	[tilespmem:$0xC900] =	vst v63  }
0x242: {  	s22 =	sadd.s32 $0xC0, s15;
	s17 =	sor.u32 $0x400, s16  }
0x243: {  	[hbm4b:s22+s3] =	stream.linear.scatter [tilespmem:s17], [sflag:$0x2], $0x80, $0x38;
	[tilespmem:$0xC900] =	vst v63  }
0x244: {  	s24 =	sadd.s32 $0x140, s15;
	s23 =	sadd.s32 $0x800, s16  }
0x245: {  	[hbm4b:s24+s3] =	stream.linear.scatter [tilespmem:s23], [sflag:$0x2], $0x80, $0x38;
	[tilespmem:$0xC900] =	vst v63  }
0x246: {  	s26 =	sadd.s32 $0x1C0, s15;
	s25 =	sadd.s32 $0xC00, s16  }
0x247: {  	[hbm4b:s26+s3] =	stream.linear.scatter [tilespmem:s25], [sflag:$0x2], $0x80, $0x38;
	[tilespmem:$0xC900] =	vst v63  }
0x248: {  	s29 =	sadd.s32 $0x240, s15;
	s28 =	sadd.s32 $0x1000, s16  }
0x249: {  	[hbm4b:s29+s3] =	stream.linear.scatter [tilespmem:s28], [sflag:$0x2], $0x80, $0x38;
	[tilespmem:$0xC900] =	vst v63  }
0x24a: {  	s31 =	sadd.s32 $0x2C0, s15;
	s30 =	sadd.s32 $0x1400, s16  }
0x24b: {  	[hbm4b:s31+s3] =	stream.linear.scatter [tilespmem:s30], [sflag:$0x2], $0x80, $0x38;
	[tilespmem:$0xC900] =	vst v63  }
0x24c: {  	s19 =	sadd.s32 $0x340, s15;
	s18 =	sadd.s32 $0x1800, s16  }
0x24d: {  	[hbm4b:s19+s3] =	stream.linear.scatter [tilespmem:s18], [sflag:$0x2], $0x80, $0x38;
	[tilespmem:$0xC900] =	vst v63  }
0x24e: {  	s20 =	sadd.s32 $0x1C00, s16;
	s21 =	sadd.s32 $0x3C0, s15;
	s25 =	spop (v2sf)  }
0x24f: {  	[hbm4b:s21+s3] =	stream.linear.scatter [tilespmem:s20], [sflag:$0x2], $0x80, $0x38;
	[tilespmem:$0xC900] =	vst v63  }
0x250: {  	s22 =	sadd.s32 $0x2000, s16;
	s23 =	sadd.s32 $0x440, s15;
	s26 =	sshrl.u32 s25, $0x3  }
0x251: {  	[hbm4b:s23+s3] =	stream.linear.scatter [tilespmem:s22], [sflag:$0x2], $0x80, $0x38;
	[tilespmem:$0xC900] =	vst v63  }
0x252: {  	s16 =	sadd.s32 $0x2400, s16;
	s24 =	sadd.s32 $0x4C0, s15;
	s17 =	smul.u32 $0xA000, s26  }
0x253: {  	[hbm4b:s24+s3] =	stream.linear.scatter [tilespmem:s16], [sflag:$0x2], $0x80, $0x38;
	[tilespmem:$0xC900] =	vst v63  }
0x254: {  	s16 =	sshll.u32 s25, $0x7  }
0x255: {  	(v2sf) =	vpush v63, $0x6;
	s17 =	sshra.s32 s17, $0x2;
	s16 =	sand.u32 $0x380, s16  }
0x256: {  	s28 =	sadd.s32 $0x50, s15;
	s16 =	sor.u32 s16, s17  }
0x257: {  	[hbm4b:s28+s3] =	stream.linear.scatter [tilespmem:s16], [sflag:$0x2], $0x80, $0x38;
	[tilespmem:$0xC900] =	vst v63  }
0x258: {  	s29 =	sadd.s32 $0xD0, s15;
	s17 =	sor.u32 $0x400, s16  }
0x259: {  	[hbm4b:s29+s3] =	stream.linear.scatter [tilespmem:s17], [sflag:$0x2], $0x80, $0x38;
	[tilespmem:$0xC900] =	vst v63  }
0x25a: {  	s31 =	sadd.s32 $0x150, s15;
	s30 =	sadd.s32 $0x800, s16  }
0x25b: {  	[hbm4b:s31+s3] =	stream.linear.scatter [tilespmem:s30], [sflag:$0x2], $0x80, $0x38;
	[tilespmem:$0xC900] =	vst v63  }
0x25c: {  	s20 =	sadd.s32 $0x1D0, s15;
	s19 =	sadd.s32 $0xC00, s16  }
0x25d: {  	[hbm4b:s20+s3] =	stream.linear.scatter [tilespmem:s19], [sflag:$0x2], $0x80, $0x38;
	[tilespmem:$0xC900] =	vst v63  }
0x25e: {  	s22 =	sadd.s32 $0x250, s15;
	s21 =	sadd.s32 $0x1000, s16  }
0x25f: {  	[hbm4b:s22+s3] =	stream.linear.scatter [tilespmem:s21], [sflag:$0x2], $0x80, $0x38;
	[tilespmem:$0xC900] =	vst v63  }
0x260: {  	s24 =	sadd.s32 $0x2D0, s15;
	s23 =	sadd.s32 $0x1400, s16  }
0x261: {  	[hbm4b:s24+s3] =	stream.linear.scatter [tilespmem:s23], [sflag:$0x2], $0x80, $0x38;
	[tilespmem:$0xC900] =	vst v63  }
0x262: {  	s26 =	sadd.s32 $0x350, s15;
	s25 =	sadd.s32 $0x1800, s16  }
0x263: {  	[hbm4b:s26+s3] =	stream.linear.scatter [tilespmem:s25], [sflag:$0x2], $0x80, $0x38;
	[tilespmem:$0xC900] =	vst v63  }
0x264: {  	s28 =	sadd.s32 $0x1C00, s16;
	s29 =	sadd.s32 $0x3D0, s15;
	s19 =	spop (v2sf)  }
0x265: {  	[hbm4b:s29+s3] =	stream.linear.scatter [tilespmem:s28], [sflag:$0x2], $0x80, $0x38;
	[tilespmem:$0xC900] =	vst v63  }
0x266: {  	s30 =	sadd.s32 $0x2000, s16;
	s31 =	sadd.s32 $0x450, s15;
	s20 =	sshrl.u32 s19, $0x3  }
0x267: {  	[hbm4b:s31+s3] =	stream.linear.scatter [tilespmem:s30], [sflag:$0x2], $0x80, $0x38;
	[tilespmem:$0xC900] =	vst v63  }
0x268: {  	s18 =	sadd.s32 $0x4D0, s15;
	s16 =	sadd.s32 $0x2400, s16;
	s17 =	smul.u32 $0xA000, s20  }
0x269: {  	[hbm4b:s18+s3] =	stream.linear.scatter [tilespmem:s16], [sflag:$0x2], $0x80, $0x38;
	[tilespmem:$0xC900] =	vst v63  }
0x26a: {  	s16 =	sshll.u32 s19, $0x7  }
0x26b: {  	(v2sf) =	vpush v63, $0x7;
	s17 =	sshra.s32 s17, $0x2;
	s16 =	sand.u32 $0x380, s16  }
0x26c: {  	s21 =	sadd.s32 $0x60, s15;
	s16 =	sor.u32 s16, s17  }
0x26d: {  	[hbm4b:s21+s3] =	stream.linear.scatter [tilespmem:s16], [sflag:$0x2], $0x80, $0x38;
	[tilespmem:$0xC900] =	vst v63  }
0x26e: {  	s22 =	sadd.s32 $0xE0, s15;
	s17 =	sor.u32 $0x400, s16  }
0x26f: {  	[hbm4b:s22+s3] =	stream.linear.scatter [tilespmem:s17], [sflag:$0x2], $0x80, $0x38;
	[tilespmem:$0xC900] =	vst v63  }
0x270: {  	s24 =	sadd.s32 $0x160, s15;
	s23 =	sadd.s32 $0x800, s16  }
0x271: {  	[hbm4b:s24+s3] =	stream.linear.scatter [tilespmem:s23], [sflag:$0x2], $0x80, $0x38;
	[tilespmem:$0xC900] =	vst v63  }
0x272: {  	s26 =	sadd.s32 $0x1E0, s15;
	s25 =	sadd.s32 $0xC00, s16  }
0x273: {  	[hbm4b:s26+s3] =	stream.linear.scatter [tilespmem:s25], [sflag:$0x2], $0x80, $0x38;
	[tilespmem:$0xC900] =	vst v63  }
0x274: {  	s29 =	sadd.s32 $0x260, s15;
	s28 =	sadd.s32 $0x1000, s16  }
0x275: {  	[hbm4b:s29+s3] =	stream.linear.scatter [tilespmem:s28], [sflag:$0x2], $0x80, $0x38;
	[tilespmem:$0xC900] =	vst v63  }
0x276: {  	s31 =	sadd.s32 $0x2E0, s15;
	s30 =	sadd.s32 $0x1400, s16  }
0x277: {  	[hbm4b:s31+s3] =	stream.linear.scatter [tilespmem:s30], [sflag:$0x2], $0x80, $0x38;
	[tilespmem:$0xC900] =	vst v63  }
0x278: {  	s19 =	sadd.s32 $0x360, s15;
	s18 =	sadd.s32 $0x1800, s16  }
0x279: {  	[hbm4b:s19+s3] =	stream.linear.scatter [tilespmem:s18], [sflag:$0x2], $0x80, $0x38;
	[tilespmem:$0xC900] =	vst v63  }
0x27a: {  	s20 =	sadd.s32 $0x1C00, s16;
	s21 =	sadd.s32 $0x3E0, s15;
	s25 =	spop (v2sf)  }
0x27b: {  	[hbm4b:s21+s3] =	stream.linear.scatter [tilespmem:s20], [sflag:$0x2], $0x80, $0x38;
	[tilespmem:$0xC900] =	vst v63  }
0x27c: {  	s22 =	sadd.s32 $0x2000, s16;
	s23 =	sadd.s32 $0x460, s15;
	s26 =	sshrl.u32 s25, $0x3  }
0x27d: {  	[hbm4b:s23+s3] =	stream.linear.scatter [tilespmem:s22], [sflag:$0x2], $0x80, $0x38;
	[tilespmem:$0xC900] =	vst v63  }
0x27e: {  	s16 =	sadd.s32 $0x2400, s16;
	s24 =	sadd.s32 $0x4E0, s15;
	s17 =	smul.u32 $0xA000, s26  }
0x27f: {  	[hbm4b:s24+s3] =	stream.linear.scatter [tilespmem:s16], [sflag:$0x2], $0x80, $0x38;
	[tilespmem:$0xC900] =	vst v63  }
0x280: {  	s16 =	sshll.u32 s25, $0x7  }
0x281: {  	(v2sf) =	vpush v63, $0x8;
	s17 =	sshra.s32 s17, $0x2;
	s16 =	sand.u32 $0x380, s16  }
0x282: {  	s28 =	sadd.s32 $0x70, s15;
	s16 =	sor.u32 s16, s17  }
0x283: {  	[hbm4b:s28+s3] =	stream.linear.scatter [tilespmem:s16], [sflag:$0x2], $0x80, $0x38;
	[tilespmem:$0xC900] =	vst v63  }
0x284: {  	s29 =	sadd.s32 $0xF0, s15;
	s17 =	sor.u32 $0x400, s16  }
0x285: {  	[hbm4b:s29+s3] =	stream.linear.scatter [tilespmem:s17], [sflag:$0x2], $0x80, $0x38;
	[tilespmem:$0xC900] =	vst v63  }
0x286: {  	s31 =	sadd.s32 $0x170, s15;
	s30 =	sadd.s32 $0x800, s16  }
0x287: {  	[hbm4b:s31+s3] =	stream.linear.scatter [tilespmem:s30], [sflag:$0x2], $0x80, $0x38;
	[tilespmem:$0xC900] =	vst v63  }
0x288: {  	s20 =	sadd.s32 $0x1F0, s15;
	s19 =	sadd.s32 $0xC00, s16  }
0x289: {  	[hbm4b:s20+s3] =	stream.linear.scatter [tilespmem:s19], [sflag:$0x2], $0x80, $0x38;
	[tilespmem:$0xC900] =	vst v63  }
0x28a: {  	s22 =	sadd.s32 $0x270, s15;
	s21 =	sadd.s32 $0x1000, s16  }
0x28b: {  	[hbm4b:s22+s3] =	stream.linear.scatter [tilespmem:s21], [sflag:$0x2], $0x80, $0x38;
	[tilespmem:$0xC900] =	vst v63  }
0x28c: {  	s24 =	sadd.s32 $0x2F0, s15;
	s23 =	sadd.s32 $0x1400, s16  }
0x28d: {  	[hbm4b:s24+s3] =	stream.linear.scatter [tilespmem:s23], [sflag:$0x2], $0x80, $0x38;
	[tilespmem:$0xC900] =	vst v63  }
0x28e: {  	s26 =	sadd.s32 $0x370, s15;
	s25 =	sadd.s32 $0x1800, s16  }
0x28f: {  	[hbm4b:s26+s3] =	stream.linear.scatter [tilespmem:s25], [sflag:$0x2], $0x80, $0x38;
	[tilespmem:$0xC900] =	vst v63  }
0x290: {  	s28 =	sadd.s32 $0x1C00, s16;
	s29 =	sadd.s32 $0x3F0, s15;
	s19 =	spop (v2sf)  }
0x291: {  	[hbm4b:s29+s3] =	stream.linear.scatter [tilespmem:s28], [sflag:$0x2], $0x80, $0x38;
	[tilespmem:$0xC900] =	vst v63  }
0x292: {  	s30 =	sadd.s32 $0x2000, s16;
	s31 =	sadd.s32 $0x470, s15;
	s20 =	sshrl.u32 s19, $0x3  }
0x293: {  	[hbm4b:s31+s3] =	stream.linear.scatter [tilespmem:s30], [sflag:$0x2], $0x80, $0x38;
	[tilespmem:$0xC900] =	vst v63  }
0x294: {  	s18 =	sadd.s32 $0x4F0, s15;
	s16 =	sadd.s32 $0x2400, s16;
	s17 =	smul.u32 $0xA000, s20  }
0x295: {  	[hbm4b:s18+s3] =	stream.linear.scatter [tilespmem:s16], [sflag:$0x2], $0x80, $0x38;
	[tilespmem:$0xC900] =	vst v63  }
0x296: {  	s16 =	sshll.u32 s19, $0x7  }
0x297: {  	(v2sf) =	vpush v63, $0x9;
	s17 =	sshra.s32 s17, $0x2;
	s16 =	sand.u32 $0x380, s16  }
0x298: {  	s21 =	sadd.s32 $0x500, s15;
	s16 =	sor.u32 s16, s17  }
0x299: {  	[hbm4b:s21+s3] =	stream.linear.scatter [tilespmem:s16], [sflag:$0x2], $0x80, $0x38;
	[tilespmem:$0xC900] =	vst v63  }
0x29a: {  	s22 =	sadd.s32 $0x580, s15;
	s17 =	sor.u32 $0x400, s16  }
0x29b: {  	[hbm4b:s22+s3] =	stream.linear.scatter [tilespmem:s17], [sflag:$0x2], $0x80, $0x38;
	[tilespmem:$0xC900] =	vst v63  }
0x29c: {  	s24 =	sadd.s32 $0x600, s15;
	s23 =	sadd.s32 $0x800, s16  }
0x29d: {  	[hbm4b:s24+s3] =	stream.linear.scatter [tilespmem:s23], [sflag:$0x2], $0x80, $0x38;
	[tilespmem:$0xC900] =	vst v63  }
0x29e: {  	s26 =	sadd.s32 $0x680, s15;
	s25 =	sadd.s32 $0xC00, s16  }
0x29f: {  	[hbm4b:s26+s3] =	stream.linear.scatter [tilespmem:s25], [sflag:$0x2], $0x80, $0x38;
	[tilespmem:$0xC900] =	vst v63  }
0x2a0: {  	s29 =	sadd.s32 $0x700, s15;
	s28 =	sadd.s32 $0x1000, s16  }
0x2a1: {  	[hbm4b:s29+s3] =	stream.linear.scatter [tilespmem:s28], [sflag:$0x2], $0x80, $0x38;
	[tilespmem:$0xC900] =	vst v63  }
0x2a2: {  	s31 =	sadd.s32 $0x780, s15;
	s30 =	sadd.s32 $0x1400, s16  }
0x2a3: {  	[hbm4b:s31+s3] =	stream.linear.scatter [tilespmem:s30], [sflag:$0x2], $0x80, $0x38;
	[tilespmem:$0xC900] =	vst v63  }
0x2a4: {  	s19 =	sadd.s32 $0x800, s15;
	s18 =	sadd.s32 $0x1800, s16  }
0x2a5: {  	[hbm4b:s19+s3] =	stream.linear.scatter [tilespmem:s18], [sflag:$0x2], $0x80, $0x38;
	[tilespmem:$0xC900] =	vst v63  }
0x2a6: {  	s20 =	sadd.s32 $0x1C00, s16;
	s21 =	sadd.s32 $0x880, s15;
	s25 =	spop (v2sf)  }
0x2a7: {  	[hbm4b:s21+s3] =	stream.linear.scatter [tilespmem:s20], [sflag:$0x2], $0x80, $0x38;
	[tilespmem:$0xC900] =	vst v63  }
0x2a8: {  	s22 =	sadd.s32 $0x2000, s16;
	s23 =	sadd.s32 $0x900, s15;
	s26 =	sshrl.u32 s25, $0x3  }
0x2a9: {  	[hbm4b:s23+s3] =	stream.linear.scatter [tilespmem:s22], [sflag:$0x2], $0x80, $0x38;
	[tilespmem:$0xC900] =	vst v63  }
0x2aa: {  	s16 =	sadd.s32 $0x2400, s16;
	s24 =	sadd.s32 $0x980, s15;
	s17 =	smul.u32 $0xA000, s26  }
0x2ab: {  	[hbm4b:s24+s3] =	stream.linear.scatter [tilespmem:s16], [sflag:$0x2], $0x80, $0x38;
	[tilespmem:$0xC900] =	vst v63  }
0x2ac: {  	s16 =	sshll.u32 s25, $0x7  }
0x2ad: {  	(v2sf) =	vpush v63, $0xA;
	s17 =	sshra.s32 s17, $0x2;
	s16 =	sand.u32 $0x380, s16  }
0x2ae: {  	s28 =	sadd.s32 $0x510, s15;
	s16 =	sor.u32 s16, s17  }
0x2af: {  	[hbm4b:s28+s3] =	stream.linear.scatter [tilespmem:s16], [sflag:$0x2], $0x80, $0x38;
	[tilespmem:$0xC900] =	vst v63  }
0x2b0: {  	s29 =	sadd.s32 $0x590, s15;
	s17 =	sor.u32 $0x400, s16  }
0x2b1: {  	[hbm4b:s29+s3] =	stream.linear.scatter [tilespmem:s17], [sflag:$0x2], $0x80, $0x38;
	[tilespmem:$0xC900] =	vst v63  }
0x2b2: {  	s31 =	sadd.s32 $0x610, s15;
	s30 =	sadd.s32 $0x800, s16  }
0x2b3: {  	[hbm4b:s31+s3] =	stream.linear.scatter [tilespmem:s30], [sflag:$0x2], $0x80, $0x38;
	[tilespmem:$0xC900] =	vst v63  }
0x2b4: {  	s20 =	sadd.s32 $0x690, s15;
	s19 =	sadd.s32 $0xC00, s16  }
0x2b5: {  	[hbm4b:s20+s3] =	stream.linear.scatter [tilespmem:s19], [sflag:$0x2], $0x80, $0x38;
	[tilespmem:$0xC900] =	vst v63  }
0x2b6: {  	s22 =	sadd.s32 $0x710, s15;
	s21 =	sadd.s32 $0x1000, s16  }
0x2b7: {  	[hbm4b:s22+s3] =	stream.linear.scatter [tilespmem:s21], [sflag:$0x2], $0x80, $0x38;
	[tilespmem:$0xC900] =	vst v63  }
0x2b8: {  	s24 =	sadd.s32 $0x790, s15;
	s23 =	sadd.s32 $0x1400, s16  }
0x2b9: {  	[hbm4b:s24+s3] =	stream.linear.scatter [tilespmem:s23], [sflag:$0x2], $0x80, $0x38;
	[tilespmem:$0xC900] =	vst v63  }
0x2ba: {  	s26 =	sadd.s32 $0x810, s15;
	s25 =	sadd.s32 $0x1800, s16  }
0x2bb: {  	[hbm4b:s26+s3] =	stream.linear.scatter [tilespmem:s25], [sflag:$0x2], $0x80, $0x38;
	[tilespmem:$0xC900] =	vst v63  }
0x2bc: {  	s28 =	sadd.s32 $0x1C00, s16;
	s29 =	sadd.s32 $0x890, s15;
	s19 =	spop (v2sf)  }
0x2bd: {  	[hbm4b:s29+s3] =	stream.linear.scatter [tilespmem:s28], [sflag:$0x2], $0x80, $0x38;
	[tilespmem:$0xC900] =	vst v63  }
0x2be: {  	s30 =	sadd.s32 $0x2000, s16;
	s31 =	sadd.s32 $0x910, s15;
	s20 =	sshrl.u32 s19, $0x3  }
0x2bf: {  	[hbm4b:s31+s3] =	stream.linear.scatter [tilespmem:s30], [sflag:$0x2], $0x80, $0x38;
	[tilespmem:$0xC900] =	vst v63  }
0x2c0: {  	s18 =	sadd.s32 $0x990, s15;
	s16 =	sadd.s32 $0x2400, s16;
	s17 =	smul.u32 $0xA000, s20  }
0x2c1: {  	[hbm4b:s18+s3] =	stream.linear.scatter [tilespmem:s16], [sflag:$0x2], $0x80, $0x38;
	[tilespmem:$0xC900] =	vst v63  }
0x2c2: {  	s16 =	sshll.u32 s19, $0x7  }
0x2c3: {  	(v2sf) =	vpush v63, $0xB;
	s17 =	sshra.s32 s17, $0x2;
	s16 =	sand.u32 $0x380, s16  }
0x2c4: {  	s21 =	sadd.s32 $0x520, s15;
	s16 =	sor.u32 s16, s17  }
0x2c5: {  	[hbm4b:s21+s3] =	stream.linear.scatter [tilespmem:s16], [sflag:$0x2], $0x80, $0x38;
	[tilespmem:$0xC900] =	vst v63  }
0x2c6: {  	s22 =	sadd.s32 $0x5A0, s15;
	s17 =	sor.u32 $0x400, s16  }
0x2c7: {  	[hbm4b:s22+s3] =	stream.linear.scatter [tilespmem:s17], [sflag:$0x2], $0x80, $0x38;
	[tilespmem:$0xC900] =	vst v63  }
0x2c8: {  	s24 =	sadd.s32 $0x620, s15;
	s23 =	sadd.s32 $0x800, s16  }
0x2c9: {  	[hbm4b:s24+s3] =	stream.linear.scatter [tilespmem:s23], [sflag:$0x2], $0x80, $0x38;
	[tilespmem:$0xC900] =	vst v63  }
0x2ca: {  	s26 =	sadd.s32 $0x6A0, s15;
	s25 =	sadd.s32 $0xC00, s16  }
0x2cb: {  	[hbm4b:s26+s3] =	stream.linear.scatter [tilespmem:s25], [sflag:$0x2], $0x80, $0x38;
	[tilespmem:$0xC900] =	vst v63  }
0x2cc: {  	s29 =	sadd.s32 $0x720, s15;
	s28 =	sadd.s32 $0x1000, s16  }
0x2cd: {  	[hbm4b:s29+s3] =	stream.linear.scatter [tilespmem:s28], [sflag:$0x2], $0x80, $0x38;
	[tilespmem:$0xC900] =	vst v63  }
0x2ce: {  	s31 =	sadd.s32 $0x7A0, s15;
	s30 =	sadd.s32 $0x1400, s16  }
0x2cf: {  	[hbm4b:s31+s3] =	stream.linear.scatter [tilespmem:s30], [sflag:$0x2], $0x80, $0x38;
	[tilespmem:$0xC900] =	vst v63  }
0x2d0: {  	s19 =	sadd.s32 $0x820, s15;
	s18 =	sadd.s32 $0x1800, s16  }
0x2d1: {  	[hbm4b:s19+s3] =	stream.linear.scatter [tilespmem:s18], [sflag:$0x2], $0x80, $0x38;
	[tilespmem:$0xC900] =	vst v63  }
0x2d2: {  	s20 =	sadd.s32 $0x1C00, s16;
	s21 =	sadd.s32 $0x8A0, s15;
	s25 =	spop (v2sf)  }
0x2d3: {  	[hbm4b:s21+s3] =	stream.linear.scatter [tilespmem:s20], [sflag:$0x2], $0x80, $0x38;
	[tilespmem:$0xC900] =	vst v63  }
0x2d4: {  	s22 =	sadd.s32 $0x2000, s16;
	s23 =	sadd.s32 $0x920, s15;
	s26 =	sshrl.u32 s25, $0x3  }
0x2d5: {  	[hbm4b:s23+s3] =	stream.linear.scatter [tilespmem:s22], [sflag:$0x2], $0x80, $0x38;
	[tilespmem:$0xC900] =	vst v63  }
0x2d6: {  	s16 =	sadd.s32 $0x2400, s16;
	s24 =	sadd.s32 $0x9A0, s15;
	s17 =	smul.u32 $0xA000, s26  }
0x2d7: {  	[hbm4b:s24+s3] =	stream.linear.scatter [tilespmem:s16], [sflag:$0x2], $0x80, $0x38;
	[tilespmem:$0xC900] =	vst v63  }
0x2d8: {  	s16 =	sshll.u32 s25, $0x7  }
0x2d9: {  	(v2sf) =	vpush v63, $0xC;
	s17 =	sshra.s32 s17, $0x2;
	s16 =	sand.u32 $0x380, s16  }
0x2da: {  	s28 =	sadd.s32 $0x530, s15;
	s16 =	sor.u32 s16, s17  }
0x2db: {  	[hbm4b:s28+s3] =	stream.linear.scatter [tilespmem:s16], [sflag:$0x2], $0x80, $0x38;
	[tilespmem:$0xC900] =	vst v63  }
0x2dc: {  	s29 =	sadd.s32 $0x5B0, s15;
	s17 =	sor.u32 $0x400, s16  }
0x2dd: {  	[hbm4b:s29+s3] =	stream.linear.scatter [tilespmem:s17], [sflag:$0x2], $0x80, $0x38;
	[tilespmem:$0xC900] =	vst v63  }
0x2de: {  	s31 =	sadd.s32 $0x630, s15;
	s30 =	sadd.s32 $0x800, s16  }
0x2df: {  	[hbm4b:s31+s3] =	stream.linear.scatter [tilespmem:s30], [sflag:$0x2], $0x80, $0x38;
	[tilespmem:$0xC900] =	vst v63  }
0x2e0: {  	s20 =	sadd.s32 $0x6B0, s15;
	s19 =	sadd.s32 $0xC00, s16  }
0x2e1: {  	[hbm4b:s20+s3] =	stream.linear.scatter [tilespmem:s19], [sflag:$0x2], $0x80, $0x38;
	[tilespmem:$0xC900] =	vst v63  }
0x2e2: {  	s22 =	sadd.s32 $0x730, s15;
	s21 =	sadd.s32 $0x1000, s16  }
0x2e3: {  	[hbm4b:s22+s3] =	stream.linear.scatter [tilespmem:s21], [sflag:$0x2], $0x80, $0x38;
	[tilespmem:$0xC900] =	vst v63  }
0x2e4: {  	s24 =	sadd.s32 $0x7B0, s15;
	s23 =	sadd.s32 $0x1400, s16  }
0x2e5: {  	[hbm4b:s24+s3] =	stream.linear.scatter [tilespmem:s23], [sflag:$0x2], $0x80, $0x38;
	[tilespmem:$0xC900] =	vst v63  }
0x2e6: {  	s26 =	sadd.s32 $0x830, s15;
	s25 =	sadd.s32 $0x1800, s16  }
0x2e7: {  	[hbm4b:s26+s3] =	stream.linear.scatter [tilespmem:s25], [sflag:$0x2], $0x80, $0x38;
	[tilespmem:$0xC900] =	vst v63  }
0x2e8: {  	s28 =	sadd.s32 $0x1C00, s16;
	s29 =	sadd.s32 $0x8B0, s15;
	s19 =	spop (v2sf)  }
0x2e9: {  	[hbm4b:s29+s3] =	stream.linear.scatter [tilespmem:s28], [sflag:$0x2], $0x80, $0x38;
	[tilespmem:$0xC900] =	vst v63  }
0x2ea: {  	s30 =	sadd.s32 $0x2000, s16;
	s31 =	sadd.s32 $0x930, s15;
	s20 =	sshrl.u32 s19, $0x3  }
0x2eb: {  	[hbm4b:s31+s3] =	stream.linear.scatter [tilespmem:s30], [sflag:$0x2], $0x80, $0x38;
	[tilespmem:$0xC900] =	vst v63  }
0x2ec: {  	s18 =	sadd.s32 $0x9B0, s15;
	s16 =	sadd.s32 $0x2400, s16;
	s17 =	smul.u32 $0xA000, s20  }
0x2ed: {  	[hbm4b:s18+s3] =	stream.linear.scatter [tilespmem:s16], [sflag:$0x2], $0x80, $0x38;
	[tilespmem:$0xC900] =	vst v63  }
0x2ee: {  	s16 =	sshll.u32 s19, $0x7  }
0x2ef: {  	(v2sf) =	vpush v63, $0xD;
	s17 =	sshra.s32 s17, $0x2;
	s16 =	sand.u32 $0x380, s16  }
0x2f0: {  	s21 =	sadd.s32 $0x540, s15;
	s16 =	sor.u32 s16, s17  }
0x2f1: {  	[hbm4b:s21+s3] =	stream.linear.scatter [tilespmem:s16], [sflag:$0x2], $0x80, $0x38;
	[tilespmem:$0xC900] =	vst v63  }
0x2f2: {  	s22 =	sadd.s32 $0x5C0, s15;
	s17 =	sor.u32 $0x400, s16  }
0x2f3: {  	[hbm4b:s22+s3] =	stream.linear.scatter [tilespmem:s17], [sflag:$0x2], $0x80, $0x38;
	[tilespmem:$0xC900] =	vst v63  }
0x2f4: {  	s24 =	sadd.s32 $0x640, s15;
	s23 =	sadd.s32 $0x800, s16  }
0x2f5: {  	[hbm4b:s24+s3] =	stream.linear.scatter [tilespmem:s23], [sflag:$0x2], $0x80, $0x38;
	[tilespmem:$0xC900] =	vst v63  }
0x2f6: {  	s26 =	sadd.s32 $0x6C0, s15;
	s25 =	sadd.s32 $0xC00, s16  }
0x2f7: {  	[hbm4b:s26+s3] =	stream.linear.scatter [tilespmem:s25], [sflag:$0x2], $0x80, $0x38;
	[tilespmem:$0xC900] =	vst v63  }
0x2f8: {  	s29 =	sadd.s32 $0x740, s15;
	s28 =	sadd.s32 $0x1000, s16  }
0x2f9: {  	[hbm4b:s29+s3] =	stream.linear.scatter [tilespmem:s28], [sflag:$0x2], $0x80, $0x38;
	[tilespmem:$0xC900] =	vst v63  }
0x2fa: {  	s31 =	sadd.s32 $0x7C0, s15;
	s30 =	sadd.s32 $0x1400, s16  }
0x2fb: {  	[hbm4b:s31+s3] =	stream.linear.scatter [tilespmem:s30], [sflag:$0x2], $0x80, $0x38;
	[tilespmem:$0xC900] =	vst v63  }
0x2fc: {  	s19 =	sadd.s32 $0x840, s15;
	s18 =	sadd.s32 $0x1800, s16  }
0x2fd: {  	[hbm4b:s19+s3] =	stream.linear.scatter [tilespmem:s18], [sflag:$0x2], $0x80, $0x38;
	[tilespmem:$0xC900] =	vst v63  }
0x2fe: {  	s20 =	sadd.s32 $0x1C00, s16;
	s21 =	sadd.s32 $0x8C0, s15;
	s25 =	spop (v2sf)  }
0x2ff: {  	[hbm4b:s21+s3] =	stream.linear.scatter [tilespmem:s20], [sflag:$0x2], $0x80, $0x38;
	[tilespmem:$0xC900] =	vst v63  }
0x300: {  	s22 =	sadd.s32 $0x2000, s16;
	s23 =	sadd.s32 $0x940, s15;
	s26 =	sshrl.u32 s25, $0x3  }
0x301: {  	[hbm4b:s23+s3] =	stream.linear.scatter [tilespmem:s22], [sflag:$0x2], $0x80, $0x38;
	[tilespmem:$0xC900] =	vst v63  }
0x302: {  	s16 =	sadd.s32 $0x2400, s16;
	s24 =	sadd.s32 $0x9C0, s15;
	s17 =	smul.u32 $0xA000, s26  }
0x303: {  	[hbm4b:s24+s3] =	stream.linear.scatter [tilespmem:s16], [sflag:$0x2], $0x80, $0x38;
	[tilespmem:$0xC900] =	vst v63  }
0x304: {  	s16 =	sshll.u32 s25, $0x7  }
0x305: {  	(v2sf) =	vpush v63, $0xE;
	s17 =	sshra.s32 s17, $0x2;
	s16 =	sand.u32 $0x380, s16  }
0x306: {  	s28 =	sadd.s32 $0x550, s15;
	s16 =	sor.u32 s16, s17  }
0x307: {  	[hbm4b:s28+s3] =	stream.linear.scatter [tilespmem:s16], [sflag:$0x2], $0x80, $0x38;
	[tilespmem:$0xC900] =	vst v63  }
0x308: {  	s29 =	sadd.s32 $0x5D0, s15;
	s17 =	sor.u32 $0x400, s16  }
0x309: {  	[hbm4b:s29+s3] =	stream.linear.scatter [tilespmem:s17], [sflag:$0x2], $0x80, $0x38;
	[tilespmem:$0xC900] =	vst v63  }
0x30a: {  	s31 =	sadd.s32 $0x650, s15;
	s30 =	sadd.s32 $0x800, s16  }
0x30b: {  	[hbm4b:s31+s3] =	stream.linear.scatter [tilespmem:s30], [sflag:$0x2], $0x80, $0x38;
	[tilespmem:$0xC900] =	vst v63  }
0x30c: {  	s20 =	sadd.s32 $0x6D0, s15;
	s19 =	sadd.s32 $0xC00, s16  }
0x30d: {  	[hbm4b:s20+s3] =	stream.linear.scatter [tilespmem:s19], [sflag:$0x2], $0x80, $0x38;
	[tilespmem:$0xC900] =	vst v63  }
0x30e: {  	s22 =	sadd.s32 $0x750, s15;
	s21 =	sadd.s32 $0x1000, s16  }
0x30f: {  	[hbm4b:s22+s3] =	stream.linear.scatter [tilespmem:s21], [sflag:$0x2], $0x80, $0x38;
	[tilespmem:$0xC900] =	vst v63  }
0x310: {  	s24 =	sadd.s32 $0x7D0, s15;
	s23 =	sadd.s32 $0x1400, s16  }
0x311: {  	[hbm4b:s24+s3] =	stream.linear.scatter [tilespmem:s23], [sflag:$0x2], $0x80, $0x38;
	[tilespmem:$0xC900] =	vst v63  }
0x312: {  	s26 =	sadd.s32 $0x850, s15;
	s25 =	sadd.s32 $0x1800, s16  }
0x313: {  	[hbm4b:s26+s3] =	stream.linear.scatter [tilespmem:s25], [sflag:$0x2], $0x80, $0x38;
	[tilespmem:$0xC900] =	vst v63  }
0x314: {  	s28 =	sadd.s32 $0x1C00, s16;
	s29 =	sadd.s32 $0x8D0, s15;
	s19 =	spop (v2sf)  }
0x315: {  	[hbm4b:s29+s3] =	stream.linear.scatter [tilespmem:s28], [sflag:$0x2], $0x80, $0x38;
	[tilespmem:$0xC900] =	vst v63  }
0x316: {  	s30 =	sadd.s32 $0x2000, s16;
	s31 =	sadd.s32 $0x950, s15;
	s20 =	sshrl.u32 s19, $0x3  }
0x317: {  	[hbm4b:s31+s3] =	stream.linear.scatter [tilespmem:s30], [sflag:$0x2], $0x80, $0x38;
	[tilespmem:$0xC900] =	vst v63  }
0x318: {  	s18 =	sadd.s32 $0x9D0, s15;
	s16 =	sadd.s32 $0x2400, s16;
	s17 =	smul.u32 $0xA000, s20  }
0x319: {  	[hbm4b:s18+s3] =	stream.linear.scatter [tilespmem:s16], [sflag:$0x2], $0x80, $0x38;
	[tilespmem:$0xC900] =	vst v63  }
0x31a: {  	s16 =	sshll.u32 s19, $0x7  }
0x31b: {  	(v2sf) =	vpush v63, $0xF;
	s17 =	sshra.s32 s17, $0x2;
	s16 =	sand.u32 $0x380, s16  }
0x31c: {  	s21 =	sadd.s32 $0x560, s15;
	s16 =	sor.u32 s16, s17  }
0x31d: {  	[hbm4b:s21+s3] =	stream.linear.scatter [tilespmem:s16], [sflag:$0x2], $0x80, $0x38;
	[tilespmem:$0xC900] =	vst v63  }
0x31e: {  	s22 =	sadd.s32 $0x5E0, s15;
	s17 =	sor.u32 $0x400, s16  }
0x31f: {  	[hbm4b:s22+s3] =	stream.linear.scatter [tilespmem:s17], [sflag:$0x2], $0x80, $0x38;
	[tilespmem:$0xC900] =	vst v63  }
0x320: {  	s24 =	sadd.s32 $0x660, s15;
	s23 =	sadd.s32 $0x800, s16  }
0x321: {  	[hbm4b:s24+s3] =	stream.linear.scatter [tilespmem:s23], [sflag:$0x2], $0x80, $0x38;
	[tilespmem:$0xC900] =	vst v63  }
0x322: {  	s26 =	sadd.s32 $0x6E0, s15;
	s25 =	sadd.s32 $0xC00, s16  }
0x323: {  	[hbm4b:s26+s3] =	stream.linear.scatter [tilespmem:s25], [sflag:$0x2], $0x80, $0x38;
	[tilespmem:$0xC900] =	vst v63  }
0x324: {  	s29 =	sadd.s32 $0x760, s15;
	s28 =	sadd.s32 $0x1000, s16  }
0x325: {  	[hbm4b:s29+s3] =	stream.linear.scatter [tilespmem:s28], [sflag:$0x2], $0x80, $0x38;
	[tilespmem:$0xC900] =	vst v63  }
0x326: {  	s31 =	sadd.s32 $0x7E0, s15;
	s30 =	sadd.s32 $0x1400, s16  }
0x327: {  	[hbm4b:s31+s3] =	stream.linear.scatter [tilespmem:s30], [sflag:$0x2], $0x80, $0x38;
	[tilespmem:$0xC900] =	vst v63  }
0x328: {  	s19 =	sadd.s32 $0x860, s15;
	s18 =	sadd.s32 $0x1800, s16  }
0x329: {  	[hbm4b:s19+s3] =	stream.linear.scatter [tilespmem:s18], [sflag:$0x2], $0x80, $0x38;
	[tilespmem:$0xC900] =	vst v63  }
0x32a: {  	s20 =	sadd.s32 $0x1C00, s16;
	s21 =	sadd.s32 $0x8E0, s15;
	s25 =	spop (v2sf)  }
0x32b: {  	[hbm4b:s21+s3] =	stream.linear.scatter [tilespmem:s20], [sflag:$0x2], $0x80, $0x38;
	[tilespmem:$0xC900] =	vst v63  }
0x32c: {  	s22 =	sadd.s32 $0x2000, s16;
	s23 =	sadd.s32 $0x960, s15;
	s26 =	sshrl.u32 s25, $0x3  }
0x32d: {  	[hbm4b:s23+s3] =	stream.linear.scatter [tilespmem:s22], [sflag:$0x2], $0x80, $0x38;
	[tilespmem:$0xC900] =	vst v63  }
0x32e: {  	s16 =	sadd.s32 $0x2400, s16;
	s24 =	sadd.s32 $0x9E0, s15;
	s17 =	smul.u32 $0xA000, s26  }
0x32f: {  	[hbm4b:s24+s3] =	stream.linear.scatter [tilespmem:s16], [sflag:$0x2], $0x80, $0x38;
	[tilespmem:$0xC900] =	vst v63  }
0x330: {  	s16 =	sshll.u32 s25, $0x7  }
0x331: {  	s17 =	sshra.s32 s17, $0x2;
	s16 =	sand.u32 $0x380, s16  }
0x332: {  	s28 =	sadd.s32 $0x570, s15;
	s16 =	sor.u32 s16, s17  }
0x333: {  	[hbm4b:s28+s3] =	stream.linear.scatter [tilespmem:s16], [sflag:$0x2], $0x80, $0x38;
	[tilespmem:$0xC900] =	vst v63  }
0x334: {  	s29 =	sadd.s32 $0x5F0, s15;
	s17 =	sor.u32 $0x400, s16  }
0x335: {  	[hbm4b:s29+s3] =	stream.linear.scatter [tilespmem:s17], [sflag:$0x2], $0x80, $0x38;
	[tilespmem:$0xC900] =	vst v63  }
0x336: {  	s31 =	sadd.s32 $0x670, s15;
	s30 =	sadd.s32 $0x800, s16  }
0x337: {  	[hbm4b:s31+s3] =	stream.linear.scatter [tilespmem:s30], [sflag:$0x2], $0x80, $0x38;
	[tilespmem:$0xC900] =	vst v63  }
0x338: {  	s20 =	sadd.s32 $0x6F0, s15;
	s19 =	sadd.s32 $0xC00, s16  }
0x339: {  	[hbm4b:s20+s3] =	stream.linear.scatter [tilespmem:s19], [sflag:$0x2], $0x80, $0x38;
	[tilespmem:$0xC900] =	vst v63  }
0x33a: {  	s22 =	sadd.s32 $0x770, s15;
	s21 =	sadd.s32 $0x1000, s16  }
0x33b: {  	[hbm4b:s22+s3] =	stream.linear.scatter [tilespmem:s21], [sflag:$0x2], $0x80, $0x38;
	[tilespmem:$0xC900] =	vst v63  }
0x33c: {  	s24 =	sadd.s32 $0x7F0, s15;
	s23 =	sadd.s32 $0x1400, s16  }
0x33d: {  	[hbm4b:s24+s3] =	stream.linear.scatter [tilespmem:s23], [sflag:$0x2], $0x80, $0x38;
	[tilespmem:$0xC900] =	vst v63  }
0x33e: {  	s14 =	sadd.s32 $0x1400, s14;
	s26 =	sadd.s32 $0x870, s15;
	s25 =	sadd.s32 $0x1800, s16  }
0x33f: {  	[hbm4b:s26+s3] =	stream.linear.scatter [tilespmem:s25], [sflag:$0x2], $0x80, $0x38;
	[tilespmem:$0xC900] =	vst v63  }
0x340: {  	p0 =	sne.s32 s14, $0xA000;
	s28 =	sadd.s32 $0x1C00, s16;
	s29 =	sadd.s32 $0x8F0, s15  }
0x341: {  	[hbm4b:s29+s3] =	stream.linear.scatter [tilespmem:s28], [sflag:$0x2], $0x80, $0x38;
	[tilespmem:$0xC900] =	vst v63  }
.Ltmp0:
0x342: {  	_ = 	snop;
	(pc) =	sbr.rel @p0 .LBB2_2-.Ltmp0, $4  }
0x343: {  	s30 =	sadd.s32 $0x2000, s16;
	s31 =	sadd.s32 $0x970, s15  }
0x344: {  	[hbm4b:s31+s3] =	stream.linear.scatter [tilespmem:s30], [sflag:$0x2], $0x80, $0x38;
	[tilespmem:$0xC900] =	vst v63  }
0x345: {  	s13 =	sadd.s32 $0x20, s13;
	s16 =	sadd.s32 $0x2400, s16;
	s15 =	sadd.s32 $0x9F0, s15  }
0x346: {  	[hbm4b:s15+s3] =	stream.linear.scatter [tilespmem:s16], [sflag:$0x2], $0x80, $0x38;
	[tilespmem:$0xC900] =	vst v63  }
0x347: {  	_ =	swait.ge [sflag:s10], $0x500  }
0x348: {  	[sflag:s10] =	ssyncset.done $0x0  }
0x349: {  	[sflag:s10] =	ssyncadd.s32 $0xFFFFFB00  }
0x34a: {  	_ =	swait.ge [sflag:s10], $0x500  }
0x34b: {  	[sflag:s10] =	ssyncset.done $0x0  }
0x34c: {  	[sflag:s10] =	ssyncadd.s32 $0xFFFFFB00  }
0x34d: {  	_ =	swait.ge [sflag:s10], $0x500  }
0x34e: {  	[sflag:s10] =	ssyncset.done $0x0  }
0x34f: {  	[sflag:s10] =	ssyncadd.s32 $0xFFFFFB00  }
0x350: {  	_ =	swait.ge [sflag:s10], $0x500  }
0x351: {  	[sflag:s10] =	ssyncset.done $0x0  }
0x352: {  	[sflag:s10] =	ssyncadd.s32 $0xFFFFFB00  }
0x353: {  	_ =	swait.ge [sflag:s10], $0x500  }
0x354: {  	[sflag:s10] =	ssyncset.done $0x0  }
0x355: {  	[sflag:s10] =	ssyncadd.s32 $0xFFFFFB00  }
0x356: {  	_ =	swait.ge [sflag:s10], $0x500  }
0x357: {  	[sflag:s10] =	ssyncset.done $0x0  }
0x358: {  	[sflag:s10] =	ssyncadd.s32 $0xFFFFFB00  }
0x359: {  	_ =	swait.ge [sflag:s10], $0x500  }
0x35a: {  	[sflag:s10] =	ssyncset.done $0x0  }
0x35b: {  	[sflag:s10] =	ssyncadd.s32 $0xFFFFFB00  }
0x35c: {  	_ =	swait.ge [sflag:s10], $0x500  }
0x35d: {  	[sflag:s10] =	ssyncset.done $0x0  }
0x35e: {  	[sflag:s10] =	ssyncadd.s32 $0xFFFFFB00  }
0x35f: {  	_ =	swait.ge [sflag:s10], $0x500  }
0x360: {  	[sflag:s10] =	ssyncset.done $0x0  }
0x361: {  	[sflag:s10] =	ssyncadd.s32 $0xFFFFFB00  }
0x362: {  	_ =	swait.ge [sflag:s10], $0x500  }
0x363: {  	[sflag:s10] =	ssyncset.done $0x0  }
0x364: {  	[sflag:s10] =	ssyncadd.s32 $0xFFFFFB00  }
0x365: {  	_ =	swait.ge [sflag:s10], $0x500  }
0x366: {  	[sflag:s10] =	ssyncset.done $0x0  }
0x367: {  	[sflag:s10] =	ssyncadd.s32 $0xFFFFFB00  }
0x368: {  	_ =	swait.ge [sflag:s10], $0x500  }
0x369: {  	[sflag:s10] =	ssyncset.done $0x0  }
0x36a: {  	[sflag:s10] =	ssyncadd.s32 $0xFFFFFB00  }
0x36b: {  	_ =	swait.ge [sflag:s10], $0x500  }
0x36c: {  	[sflag:s10] =	ssyncset.done $0x0  }
0x36d: {  	[sflag:s10] =	ssyncadd.s32 $0xFFFFFB00  }
0x36e: {  	_ =	swait.ge [sflag:s10], $0x500  }
0x36f: {  	[sflag:s10] =	ssyncset.done $0x0  }
0x370: {  	[sflag:s10] =	ssyncadd.s32 $0xFFFFFB00  }
0x371: {  	_ =	swait.ge [sflag:s10], $0x500  }
0x372: {  	[sflag:s10] =	ssyncset.done $0x0  }
0x373: {  	[sflag:s10] =	ssyncadd.s32 $0xFFFFFB00  }
0x374: {  	_ =	swait.ge [sflag:s10], $0x500  }
0x375: {  	[sflag:s10] =	ssyncset.done $0x0  }
0x376: {  	[sflag:s10] =	ssyncadd.s32 $0xFFFFFB00  }
0x377: {  	_ =	swait.ge [sflag:s11], $0x500  }
0x378: {  	[sflag:s11] =	ssyncset.done $0x0  }
0x379: {  	[sflag:s11] =	ssyncadd.s32 $0xFFFFFB00  }
0x37a: {  	_ =	swait.ge [sflag:s11], $0x500  }
0x37b: {  	[sflag:s11] =	ssyncset.done $0x0  }
0x37c: {  	[sflag:s11] =	ssyncadd.s32 $0xFFFFFB00  }
0x37d: {  	_ =	swait.ge [sflag:s11], $0x500  }
0x37e: {  	[sflag:s11] =	ssyncset.done $0x0  }
0x37f: {  	[sflag:s11] =	ssyncadd.s32 $0xFFFFFB00  }
0x380: {  	_ =	swait.ge [sflag:s11], $0x500  }
0x381: {  	[sflag:s11] =	ssyncset.done $0x0  }
0x382: {  	[sflag:s11] =	ssyncadd.s32 $0xFFFFFB00  }
0x383: {  	_ =	swait.ge [sflag:s11], $0x500  }
0x384: {  	[sflag:s11] =	ssyncset.done $0x0  }
0x385: {  	[sflag:s11] =	ssyncadd.s32 $0xFFFFFB00  }
0x386: {  	_ =	swait.ge [sflag:s11], $0x500  }
0x387: {  	[sflag:s11] =	ssyncset.done $0x0  }
0x388: {  	[sflag:s11] =	ssyncadd.s32 $0xFFFFFB00  }
0x389: {  	_ =	swait.ge [sflag:s11], $0x500  }
0x38a: {  	[sflag:s11] =	ssyncset.done $0x0  }
0x38b: {  	[sflag:s11] =	ssyncadd.s32 $0xFFFFFB00  }
0x38c: {  	_ =	swait.ge [sflag:s11], $0x500  }
0x38d: {  	[sflag:s11] =	ssyncset.done $0x0  }
0x38e: {  	[sflag:s11] =	ssyncadd.s32 $0xFFFFFB00  }
0x38f: {  	_ =	swait.ge [sflag:s11], $0x500  }
0x390: {  	[sflag:s11] =	ssyncset.done $0x0  }
0x391: {  	[sflag:s11] =	ssyncadd.s32 $0xFFFFFB00  }
0x392: {  	_ =	swait.ge [sflag:s11], $0x500  }
0x393: {  	[sflag:s11] =	ssyncset.done $0x0  }
0x394: {  	[sflag:s11] =	ssyncadd.s32 $0xFFFFFB00  }
0x395: {  	_ =	swait.ge [sflag:s11], $0x500  }
0x396: {  	[sflag:s11] =	ssyncset.done $0x0  }
0x397: {  	[sflag:s11] =	ssyncadd.s32 $0xFFFFFB00  }
0x398: {  	_ =	swait.ge [sflag:s11], $0x500  }
0x399: {  	[sflag:s11] =	ssyncset.done $0x0  }
0x39a: {  	[sflag:s11] =	ssyncadd.s32 $0xFFFFFB00  }
0x39b: {  	_ =	swait.ge [sflag:s11], $0x500  }
0x39c: {  	[sflag:s11] =	ssyncset.done $0x0  }
0x39d: {  	[sflag:s11] =	ssyncadd.s32 $0xFFFFFB00  }
0x39e: {  	_ =	swait.ge [sflag:s11], $0x500  }
0x39f: {  	[sflag:s11] =	ssyncset.done $0x0  }
0x3a0: {  	s12 =	sadd.s32 $0x1, s12;
	[sflag:s11] =	ssyncadd.s32 $0xFFFFFB00  }
0x3a1: {  	p0 =	sne.s32 s12, s5;
	_ =	swait.ge [sflag:s11], $0x500  }
.Ltmp1:
0x3a2: {  	[sflag:s11] =	ssyncset.done $0x0;
	(pc) =	sbr.rel @p0 .LBB2_1-.Ltmp1, $4  }
0x3a3: {  	[sflag:s11] =	ssyncadd.s32 $0xFFFFFB00  }
0x3a4: {  	_ =	swait.ge [sflag:s11], $0x500  }
0x3a5: {  	[sflag:s11] =	ssyncset.done $0x0  }
0x3a6: {  	[sflag:s11] =	ssyncadd.s32 $0xFFFFFB00  }
0x3a7: {  	_ =	sfence.sel $0x180000  }
0x3a8: {  	[bflag:$0x0] =	sbarrier.arrive $0xFFFF  }
0x3a9: {  	p0 =	sne.s32 s2, $0x0;
	_ =	strace $0x90000047  }
0x3aa: {  	s0 =	sadd.s32 @!p0 $0x100000, s0;
	[bflag:$0x2] =	sbarrier.arrive $0xFFFF  }
0x3ab: {  	[sflag:s0] =	ssyncadd.tile.s32 @!p0 $0x1;
	_ =	shalt  }
.Lfunc_end2:
_tile_overlayer_lowered:
.L_overlay_start_2:
0x3ac: {  	(tag) =	ssettag $0x2  }
0x3ad: {  	s0 =	rddreg [dreg:$0x0];
	s2 =	stileid.u32  }
0x3ae: {  	s1 =	rddreg [dreg:$0x1];
	p0 =	sne.s32 s2, $0x0  }
0x3af: {  	s3 =	rddreg [dreg:$0x2];
	[bflag:$0x3] =	sbarrier.arrive $0xFFFF;
	s2 =	simm.s32 @!p0 $0x1C03  }
0x3b0: {  	[timem:s3], [sflag:s2] =	dma.local @!p0 [hbm:s0], s1  }
0x3b1: {  	s0 =	simm.s32 @!p0 $0x3  }
0x3b2: {  	_ =	swait.ge @!p0 [sflag:s0], s1  }
0x3b3: {  	s1 =	ssub.s32 @!p0 $0x0, s1;
	[sflag:s0] =	ssyncset.done @!p0 $0x0  }
0x3b4: {  	[sflag:s0] =	ssyncadd.s32 @!p0 s1  }
0x3b5: {  	[bflag:$0x3] =	sbarrier.arrive $0xFFFF  }
0x3b6: {  	_ =	shalt  }

</sc_bundles>
